<compile_context>
chip_gen: v7x
topology: tpu7x:2x2x1
jax: 0.10.2.dev20260603
libtpu: 0.0.44.dev20260713+nightly
codegen_flags: <defaults>
</compile_context>

<pallas_src>
import functools

import jax
import jax.numpy as jnp
from jax import lax
from jax.experimental import pallas as pl
from jax.experimental.pallas import tpu as pltpu
from jax.experimental.pallas import tpu_sc as plsc

NC = 2
NS = 16
NW = NC * NS
CHUNK = 128


def _round_up(a, b):
  return (a + b - 1) // b * b


def _seg_pad(n_seg):
  return _round_up(n_seg + 1, NS * 8)


def _make_scatter_add(n_seg, width, epad):
  ept = epad // NW
  cpt = ept // CHUNK
  n_seg_pad = _seg_pad(n_seg)
  rpt = n_seg_pad // NS

  mesh = plsc.VectorSubcoreMesh(core_axis_name="c", subcore_axis_name="s")

  @functools.partial(
      pl.kernel,
      mesh=mesh,
      out_type=jax.ShapeDtypeStruct((NC, n_seg_pad, width), jnp.float32),
      scratch_types=[
          pltpu.VMEM((CHUNK,), jnp.int32),
          pltpu.VMEM((CHUNK,), jnp.int32),
          pltpu.VMEM((CHUNK, width), jnp.float32),
          pltpu.VMEM_SHARED((n_seg_pad, width), jnp.float32),
          pltpu.SemaphoreType.DMA,
      ],
  )
  def sc_kernel(src_h, dst_h, h_h, out_h, src_v, dst_v, rows_v, acc_sh, sem):
    cid = lax.axis_index("c")
    sid = lax.axis_index("s")
    wid = cid * NS + sid

    def zrow(i, _):
      def zcol(j, _):
        rows_v[i, pl.ds(j * 16, 16)] = jnp.zeros((16,), jnp.float32)
        return 0
      return lax.fori_loop(0, width // 16, zcol, 0)
    lax.fori_loop(0, CHUNK, zrow, 0)

    r0 = sid * rpt
    off = 0
    while off < rpt:
      c = min(CHUNK, rpt - off)
      pltpu.sync_copy(rows_v.at[pl.ds(0, c)], acc_sh.at[pl.ds(r0 + off, c)])
      off += c
    plsc.subcore_barrier()

    ebase = wid * ept

    def step(i, _):
      base = pl.multiple_of(ebase + i * CHUNK, 8)
      pltpu.sync_copy(src_h.at[pl.ds(base, CHUNK)], src_v)
      pltpu.sync_copy(dst_h.at[pl.ds(base, CHUNK)], dst_v)
      pltpu.async_copy(h_h.at[src_v], rows_v, sem).wait()
      pltpu.sync_copy(rows_v, acc_sh.at[dst_v], add=True)
      return 0
    lax.fori_loop(0, cpt, step, 0)

    plsc.subcore_barrier()
    pltpu.sync_copy(acc_sh.at[pl.ds(r0, rpt)], out_h.at[cid, pl.ds(r0, rpt)])

  return sc_kernel


def _tc_layer(h, part, W1l, b1l, W2l, b2l, gammal, betal, epsl, last, n, d):
  out_rows = n + 128 if last else n

  def body(h_ref, p_ref, w1_ref, b1_ref, w2_ref, b2_ref, g_ref, be_ref,
           e_ref, out_ref):
    eps = e_ref[0, 0]
    z = (1.0 + eps) * h_ref[...] + p_ref[0] + p_ref[1]
    y = jnp.dot(z, w1_ref[...], preferred_element_type=jnp.float32)
    y = jnp.maximum(y + b1_ref[...], 0.0)
    z2 = jnp.dot(y, w2_ref[...], preferred_element_type=jnp.float32)
    z2 = z2 + b2_ref[...]
    mu = jnp.mean(z2, axis=0, keepdims=True)
    dlt = z2 - mu
    var = jnp.mean(dlt * dlt, axis=0, keepdims=True)
    zn = dlt * lax.rsqrt(var + 1e-5) * g_ref[...] + be_ref[...]
    if last:
      out_ref[...] = jnp.concatenate(
          [zn, jnp.ones((128, d), jnp.float32)], axis=0)
    else:
      out_ref[...] = jnp.maximum(zn, 0.0)

  return pl.pallas_call(
      body,
      out_shape=jax.ShapeDtypeStruct((out_rows, d), jnp.float32),
  )(h, part, W1l, b1l.reshape(1, -1), W2l, b2l.reshape(1, -1),
    gammal.reshape(1, -1), betal.reshape(1, -1),
    epsl.reshape(1, 1))


def _tc_finalize(parts, s, d):

  def body(p_ref, out_ref):
    sums = p_ref[0, :s, :] + p_ref[1, :s, :]
    counts = p_ref[0, s:, :] + p_ref[1, s:, :]
    out_ref[...] = sums / jnp.clip(counts, 1.0, None)

  return pl.pallas_call(
      body,
      out_shape=jax.ShapeDtypeStruct((s, d), jnp.float32),
  )(parts)


def kernel(x, edge_index, batch, num_subgraphs, subgraph_batch,
           W1, b1, W2, b2, gamma, beta, eps_gin):
  n, d = x.shape
  e = edge_index.shape[1]
  num_layers = W1.shape[0]
  s = 2048

  epad = _round_up(e, NW * CHUNK)
  npd = _seg_pad(n)
  pad_i = jnp.arange(epad - e, dtype=jnp.int32)
  src = jnp.concatenate([edge_index[0], pad_i % n])
  dst = jnp.concatenate([edge_index[1], n + pad_i % (npd - n)])
  agg_call = _make_scatter_add(n, d, epad)

  h = x
  for l in range(num_layers):
    part = agg_call(src, dst, h)[:, :n, :]
    h = _tc_layer(h, part, W1[l], b1[l], W2[l], b2[l], gamma[l], beta[l],
                  eps_gin[l], l == num_layers - 1, n, d)

  sg = subgraph_batch.astype(jnp.int32)
  ppad = _round_up(2 * n, NW * CHUNK)
  spd = _seg_pad(2 * s)
  ar = jnp.arange(n, dtype=jnp.int32)
  pad_j = jnp.arange(ppad - 2 * n, dtype=jnp.int32)
  psrc = jnp.concatenate([ar, n + ar % 128, pad_j % n])
  pdst = jnp.concatenate([sg, s + sg, 2 * s + pad_j % (spd - 2 * s)])
  pool_call = _make_scatter_add(2 * s, d, ppad)
  parts = pool_call(psrc, pdst, h)[:, :2 * s, :]
  return _tc_finalize(parts, s, d)

# --- scband reference (transcript-rebuilt; emitter-appended) ---
"""Pipeline reference for scband-gnn-9990093931035 (READ-ONLY COPY).

The authoritative reference and input builder live on the scoring server;
editing this copy changes nothing except your own understanding.
"""

import jax, jax.numpy as jnp
import numpy as np

N = 10000   # nodes
E = 320000  # edges
D = 128     # in_dim == emb_dim
L = 5       # num_layer
G = 64      # num graphs in batch
S = 2048    # total number of subgraphs (pool output segments)
DFF = 2 * D # GIN MLP hidden


def setup_inputs(seed: int = 0) -> dict:
    key = jax.random.key(seed)
    ks = jax.random.split(key, 16)
    x = jax.random.normal(ks[0], (N, D), dtype=jnp.float32)
    edge_index = jax.random.randint(ks[1], (2, E), 0, N, dtype=jnp.int32)
    batch = jnp.sort(jax.random.randint(ks[2], (N,), 0, G, dtype=jnp.int32))
    num_subgraphs = jax.random.randint(ks[3], (G,), 0, 32, dtype=jnp.int32)
    subgraph_batch = jnp.sort(jax.random.randint(ks[4], (N,), 0, S, dtype=jnp.int32))
    # learned parameters: per-layer GIN MLP (Linear(D,2D) -> ReLU -> Linear(2D,D)), BN affine, GIN eps
    W1 = jax.random.normal(ks[5], (L, D, DFF), dtype=jnp.float32) * (1.0 / np.sqrt(D))
    b1 = jnp.zeros((L, DFF), dtype=jnp.float32)
    W2 = jax.random.normal(ks[6], (L, DFF, D), dtype=jnp.float32) * (1.0 / np.sqrt(DFF))
    b2 = jnp.zeros((L, D), dtype=jnp.float32)
    gamma = jnp.ones((L, D), dtype=jnp.float32)
    beta = jnp.zeros((L, D), dtype=jnp.float32)
    eps_gin = jnp.zeros((L,), dtype=jnp.float32)
    return {"x": x, "edge_index": edge_index, "batch": batch,
            "num_subgraphs": num_subgraphs, "subgraph_batch": subgraph_batch,
            "W1": W1, "b1": b1, "W2": W2, "b2": b2,
            "gamma": gamma, "beta": beta, "eps_gin": eps_gin}


def reference(x, edge_index, batch, num_subgraphs, subgraph_batch,
              W1, b1, W2, b2, gamma, beta, eps_gin):
    src = edge_index[0]
    dst = edge_index[1]
    # ---- GNN_node: stack of GIN convs (OGB style), eval mode (dropout off) ----
    h = x
    for l in range(L):
        # GINConv: aggregate neighbor messages (scatter-add), then MLP((1+eps)*h + aggr)
        agg = jax.ops.segment_sum(h[src], dst, num_segments=N)
        z = (1.0 + eps_gin[l]) * h + agg
        z = z @ W1[l] + b1[l]
        z = jax.nn.relu(z)
        z = z @ W2[l] + b2[l]
        # BatchNorm1d (batch statistics)
        mu = jnp.mean(z, axis=0)
        var = jnp.var(z, axis=0)
        z = (z - mu) / jnp.sqrt(var + 1e-5) * gamma[l] + beta[l]
        if l != L - 1:
            z = jax.nn.relu(z)
        h = z  # JK == 'last'
    h_node = h
    # ---- subgraph_pool with global_mean_pool ----
    tmp = jnp.concatenate([jnp.zeros((1,), dtype=num_subgraphs.dtype),
                           jnp.cumsum(num_subgraphs)])
    graph_offset = tmp[batch]  # computed as in original code (unused downstream)
    subgraph_idx = subgraph_batch
    sums = jax.ops.segment_sum(h_node, subgraph_idx, num_segments=S)
    counts = jax.ops.segment_sum(jnp.ones((N,), dtype=jnp.float32), subgraph_idx, num_segments=S)
    h_graph = sums / jnp.clip(counts, 1.0)[:, None]
    return h_graph

if __name__ == "__main__":
    import jax
    _d = setup_inputs()
    print(jax.jit(kernel)(*tuple(_d.values())))

</pallas_src>

<mosaic_0001>
#map = affine_map<(d0, d1) -> (0)>
#map1 = affine_map<(d0, d1) -> (0, 0)>
#map2 = affine_map<(d0, d1) -> (0, 0, 0)>
module attributes {stable_mosaic.version = 14 : i64} {
  func.func @sc_kernel(%arg0: i32, %arg1: i32, %arg2: memref<323584xi32, #tpu.memory_space<hbm>>, %arg3: memref<323584xi32, #tpu.memory_space<hbm>>, %arg4: memref<10000x128xf32, #tpu.memory_space<hbm>>, %arg5: memref<2x10112x128xf32, #tpu.memory_space<hbm>>, %arg6: memref<128xi32, #tpu.memory_space<vmem>>, %arg7: memref<128xi32, #tpu.memory_space<vmem>>, %arg8: memref<128x128xf32, #tpu.memory_space<vmem>>, %arg9: memref<10112x128xf32, #tpu.memory_space<vmem_shared>>, %arg10: memref<!tpu.dma_semaphore, #tpu.memory_space<semaphore_mem>>) attributes {dimension_semantics = [#tpu.dimension_semantics<core_parallel>, #tpu.dimension_semantics<subcore_parallel>], iteration_bounds = array<i64: 2, 16>, scalar_prefetch = 0 : i64, scratch_operands = 5 : i64, tpu.core_type = #tpu.core_type<sc_vector_subcore>, window_params = [{transform_indices = #map}, {transform_indices = #map}, {transform_indices = #map1}, {transform_indices = #map2}]} {
    %mul3A = arith.constant 16 : i32
    %mul3A_0 = arith.muli %arg0, %mul3A : i32
    %add3A = arith.addi %mul3A_0, %arg1 : i32
    %scan3A = arith.constant 0 : i32
    %scan3A_1 = arith.constant 0 : i32
    %scan3A_2 = arith.constant 128 : i32
    %scan3A_3 = arith.addi %scan3A_1, %scan3A_2 : i32
    %scan3A_4 = arith.constant 1 : i32
    %scan3A_5 = scf.for %scan3A_29 = %scan3A_1 to %scan3A_3 step %scan3A_4 iter_args(%scan3A_30 = %scan3A) -> (i32)  : i32 {
      %scan3A_31 = arith.constant 0 : i32
      %scan3A_32 = arith.constant 0 : i32
      %scan3A_33 = arith.constant 8 : i32
      %scan3A_34 = arith.addi %scan3A_32, %scan3A_33 : i32
      %scan3A_35 = arith.constant 1 : i32
      %scan3A_36 = scf.for %scan3A_38 = %scan3A_32 to %scan3A_34 step %scan3A_35 iter_args(%scan3A_39 = %scan3A_31) -> (i32)  : i32 {
        %broadcast_in_dim3A = arith.constant 0.000000e+00 : f32
        %broadcast_in_dim3A_40 = vector.broadcast %broadcast_in_dim3A : f32 to vector<16xf32>
        %mul3A_41 = arith.constant 16 : i32
        %mul3A_42 = arith.muli %scan3A_38, %mul3A_41 : i32
        %swap3A = arith.index_cast %scan3A_29 : i32 to index
        %swap3A_43 = arith.index_cast %mul3A_42 : i32 to index
        %swap3A_44 = tpu.vector_load %arg8[%swap3A, %swap3A_43] {strides = array<i32>} : memref<128x128xf32, #tpu.memory_space<vmem>>, vector<1x16xf32>,
        %swap3A_45 = vector.shape_cast %swap3A_44 : vector<1x16xf32> to vector<16xf32>
        %swap3A_46 = vector.shape_cast %broadcast_in_dim3A_40 : vector<16xf32> to vector<1x16xf32>
        tpu.vector_store %arg8[%swap3A, %swap3A_43], %swap3A_46 {strides = array<i32>} : memref<128x128xf32, #tpu.memory_space<vmem>>, vector<1x16xf32>,
        %scan3A_47 = arith.constant 0 : i32
        scf.yield %scan3A_47 : i32
      }
      %scan3A_37 = arith.constant 8 : i32
      scf.yield %scan3A_36 : i32
    }
    %scan3A_6 = arith.constant 128 : i32
    %mul3A_7 = arith.constant 632 : i32
    %mul3A_8 = arith.muli %arg1, %mul3A_7 : i32
    %add3A_9 = arith.constant 0 : i32
    %add3A_10 = arith.addi %mul3A_8, %add3A_9 : i32
    "tpu.region"() ({
      %run_scoped3A = tpu.sem_alloc : memref<!tpu.dma_semaphore, #tpu.memory_space<semaphore_mem>>
      %dma_start3A = arith.constant 0 : i32
      %dma_start3A_29 = arith.constant 0 : i32
      %dma_start3A_30 = tpu.memref_slice %arg8[%dma_start3A, %dma_start3A_29] : memref<128x128xf32, #tpu.memory_space<vmem>> -> memref<128x128xf32, #tpu.memory_space<vmem>>
      %dma_start3A_31 = arith.constant 0 : i32
      %dma_start3A_32 = tpu.memref_slice %arg9[%add3A_10, %dma_start3A_31] : memref<10112x128xf32, #tpu.memory_space<vmem_shared>> -> memref<128x128xf32, #tpu.memory_space<vmem_shared>>
      %dma_start3A_33 = arith.constant 0 : i32
      %dma_start3A_34 = tpu.memref_slice %arg9[%add3A_10, %dma_start3A_33] : memref<10112x128xf32, #tpu.memory_space<vmem_shared>> -> memref<128x128xf32, #tpu.memory_space<vmem_shared>>
      %dma_start3A_35 = arith.constant 0 : i32
      %dma_start3A_36 = arith.constant 0 : i32
      %dma_start3A_37 = tpu.memref_slice %arg8[%dma_start3A_35, %dma_start3A_36] : memref<128x128xf32, #tpu.memory_space<vmem>> -> memref<128x128xf32, #tpu.memory_space<vmem>>
      tpu.enqueue_dma source(%dma_start3A_37 : memref<128x128xf32, #tpu.memory_space<vmem>>) target(%dma_start3A_34 : memref<128x128xf32, #tpu.memory_space<vmem_shared>>) target_semaphore(%run_scoped3A : memref<!tpu.dma_semaphore, #tpu.memory_space<semaphore_mem>>)
      %dma_wait3A = arith.constant 0 : i32
      %dma_wait3A_38 = arith.constant 0 : i32
      %dma_wait3A_39 = tpu.memref_slice %arg8[%dma_wait3A, %dma_wait3A_38] : memref<128x128xf32, #tpu.memory_space<vmem>> -> memref<128x128xf32, #tpu.memory_space<vmem>>
      %dma_wait3A_40 = arith.constant 0 : i32
      %dma_wait3A_41 = tpu.memref_slice %arg9[%add3A_10, %dma_wait3A_40] : memref<10112x128xf32, #tpu.memory_space<vmem_shared>> -> memref<128x128xf32, #tpu.memory_space<vmem_shared>>
      %dma_wait3A_42 = arith.constant 0 : i32
      %dma_wait3A_43 = tpu.memref_slice %arg9[%add3A_10, %dma_wait3A_42] : memref<10112x128xf32, #tpu.memory_space<vmem_shared>> -> memref<128x128xf32, #tpu.memory_space<vmem_shared>>
      %dma_wait3A_44 = arith.constant 0 : i32
      %dma_wait3A_45 = arith.constant 0 : i32
      %dma_wait3A_46 = tpu.memref_slice %arg8[%dma_wait3A_44, %dma_wait3A_45] : memref<128x128xf32, #tpu.memory_space<vmem>> -> memref<128x128xf32, #tpu.memory_space<vmem>>
      tpu.wait_dma2 semaphore(%run_scoped3A : memref<!tpu.dma_semaphore, #tpu.memory_space<semaphore_mem>>) src(%dma_wait3A_46 : memref<128x128xf32, #tpu.memory_space<vmem>>) dst(%dma_wait3A_43 : memref<128x128xf32, #tpu.memory_space<vmem_shared>>)
      tpu.yield
    }) : () -> ()
    %add3A_11 = arith.constant 128 : i32
    %add3A_12 = arith.addi %mul3A_8, %add3A_11 : i32
    "tpu.region"() ({
      %run_scoped3A = tpu.sem_alloc : memref<!tpu.dma_semaphore, #tpu.memory_space<semaphore_mem>>
      %dma_start3A = arith.constant 0 : i32
      %dma_start3A_29 = arith.constant 0 : i32
      %dma_start3A_30 = tpu.memref_slice %arg8[%dma_start3A, %dma_start3A_29] : memref<128x128xf32, #tpu.memory_space<vmem>> -> memref<128x128xf32, #tpu.memory_space<vmem>>
      %dma_start3A_31 = arith.constant 0 : i32
      %dma_start3A_32 = tpu.memref_slice %arg9[%add3A_12, %dma_start3A_31] : memref<10112x128xf32, #tpu.memory_space<vmem_shared>> -> memref<128x128xf32, #tpu.memory_space<vmem_shared>>
      %dma_start3A_33 = arith.constant 0 : i32
      %dma_start3A_34 = tpu.memref_slice %arg9[%add3A_12, %dma_start3A_33] : memref<10112x128xf32, #tpu.memory_space<vmem_shared>> -> memref<128x128xf32, #tpu.memory_space<vmem_shared>>
      %dma_start3A_35 = arith.constant 0 : i32
      %dma_start3A_36 = arith.constant 0 : i32
      %dma_start3A_37 = tpu.memref_slice %arg8[%dma_start3A_35, %dma_start3A_36] : memref<128x128xf32, #tpu.memory_space<vmem>> -> memref<128x128xf32, #tpu.memory_space<vmem>>
      tpu.enqueue_dma source(%dma_start3A_37 : memref<128x128xf32, #tpu.memory_space<vmem>>) target(%dma_start3A_34 : memref<128x128xf32, #tpu.memory_space<vmem_shared>>) target_semaphore(%run_scoped3A : memref<!tpu.dma_semaphore, #tpu.memory_space<semaphore_mem>>)
      %dma_wait3A = arith.constant 0 : i32
      %dma_wait3A_38 = arith.constant 0 : i32
      %dma_wait3A_39 = tpu.memref_slice %arg8[%dma_wait3A, %dma_wait3A_38] : memref<128x128xf32, #tpu.memory_space<vmem>> -> memref<128x128xf32, #tpu.memory_space<vmem>>
      %dma_wait3A_40 = arith.constant 0 : i32
      %dma_wait3A_41 = tpu.memref_slice %arg9[%add3A_12, %dma_wait3A_40] : memref<10112x128xf32, #tpu.memory_space<vmem_shared>> -> memref<128x128xf32, #tpu.memory_space<vmem_shared>>
      %dma_wait3A_42 = arith.constant 0 : i32
      %dma_wait3A_43 = tpu.memref_slice %arg9[%add3A_12, %dma_wait3A_42] : memref<10112x128xf32, #tpu.memory_space<vmem_shared>> -> memref<128x128xf32, #tpu.memory_space<vmem_shared>>
      %dma_wait3A_44 = arith.constant 0 : i32
      %dma_wait3A_45 = arith.constant 0 : i32
      %dma_wait3A_46 = tpu.memref_slice %arg8[%dma_wait3A_44, %dma_wait3A_45] : memref<128x128xf32, #tpu.memory_space<vmem>> -> memref<128x128xf32, #tpu.memory_space<vmem>>
      tpu.wait_dma2 semaphore(%run_scoped3A : memref<!tpu.dma_semaphore, #tpu.memory_space<semaphore_mem>>) src(%dma_wait3A_46 : memref<128x128xf32, #tpu.memory_space<vmem>>) dst(%dma_wait3A_43 : memref<128x128xf32, #tpu.memory_space<vmem_shared>>)
      tpu.yield
    }) : () -> ()
    %add3A_13 = arith.constant 256 : i32
    %add3A_14 = arith.addi %mul3A_8, %add3A_13 : i32
    "tpu.region"() ({
      %run_scoped3A = tpu.sem_alloc : memref<!tpu.dma_semaphore, #tpu.memory_space<semaphore_mem>>
      %dma_start3A = arith.constant 0 : i32
      %dma_start3A_29 = arith.constant 0 : i32
      %dma_start3A_30 = tpu.memref_slice %arg8[%dma_start3A, %dma_start3A_29] : memref<128x128xf32, #tpu.memory_space<vmem>> -> memref<128x128xf32, #tpu.memory_space<vmem>>
      %dma_start3A_31 = arith.constant 0 : i32
      %dma_start3A_32 = tpu.memref_slice %arg9[%add3A_14, %dma_start3A_31] : memref<10112x128xf32, #tpu.memory_space<vmem_shared>> -> memref<128x128xf32, #tpu.memory_space<vmem_shared>>
      %dma_start3A_33 = arith.constant 0 : i32
      %dma_start3A_34 = tpu.memref_slice %arg9[%add3A_14, %dma_start3A_33] : memref<10112x128xf32, #tpu.memory_space<vmem_shared>> -> memref<128x128xf32, #tpu.memory_space<vmem_shared>>
      %dma_start3A_35 = arith.constant 0 : i32
      %dma_start3A_36 = arith.constant 0 : i32
      %dma_start3A_37 = tpu.memref_slice %arg8[%dma_start3A_35, %dma_start3A_36] : memref<128x128xf32, #tpu.memory_space<vmem>> -> memref<128x128xf32, #tpu.memory_space<vmem>>
      tpu.enqueue_dma source(%dma_start3A_37 : memref<128x128xf32, #tpu.memory_space<vmem>>) target(%dma_start3A_34 : memref<128x128xf32, #tpu.memory_space<vmem_shared>>) target_semaphore(%run_scoped3A : memref<!tpu.dma_semaphore, #tpu.memory_space<semaphore_mem>>)
      %dma_wait3A = arith.constant 0 : i32
      %dma_wait3A_38 = arith.constant 0 : i32
      %dma_wait3A_39 = tpu.memref_slice %arg8[%dma_wait3A, %dma_wait3A_38] : memref<128x128xf32, #tpu.memory_space<vmem>> -> memref<128x128xf32, #tpu.memory_space<vmem>>
      %dma_wait3A_40 = arith.constant 0 : i32
      %dma_wait3A_41 = tpu.memref_slice %arg9[%add3A_14, %dma_wait3A_40] : memref<10112x128xf32, #tpu.memory_space<vmem_shared>> -> memref<128x128xf32, #tpu.memory_space<vmem_shared>>
      %dma_wait3A_42 = arith.constant 0 : i32
      %dma_wait3A_43 = tpu.memref_slice %arg9[%add3A_14, %dma_wait3A_42] : memref<10112x128xf32, #tpu.memory_space<vmem_shared>> -> memref<128x128xf32, #tpu.memory_space<vmem_shared>>
      %dma_wait3A_44 = arith.constant 0 : i32
      %dma_wait3A_45 = arith.constant 0 : i32
      %dma_wait3A_46 = tpu.memref_slice %arg8[%dma_wait3A_44, %dma_wait3A_45] : memref<128x128xf32, #tpu.memory_space<vmem>> -> memref<128x128xf32, #tpu.memory_space<vmem>>
      tpu.wait_dma2 semaphore(%run_scoped3A : memref<!tpu.dma_semaphore, #tpu.memory_space<semaphore_mem>>) src(%dma_wait3A_46 : memref<128x128xf32, #tpu.memory_space<vmem>>) dst(%dma_wait3A_43 : memref<128x128xf32, #tpu.memory_space<vmem_shared>>)
      tpu.yield
    }) : () -> ()
    %add3A_15 = arith.constant 384 : i32
    %add3A_16 = arith.addi %mul3A_8, %add3A_15 : i32
    "tpu.region"() ({
      %run_scoped3A = tpu.sem_alloc : memref<!tpu.dma_semaphore, #tpu.memory_space<semaphore_mem>>
      %dma_start3A = arith.constant 0 : i32
      %dma_start3A_29 = arith.constant 0 : i32
      %dma_start3A_30 = tpu.memref_slice %arg8[%dma_start3A, %dma_start3A_29] : memref<128x128xf32, #tpu.memory_space<vmem>> -> memref<128x128xf32, #tpu.memory_space<vmem>>
      %dma_start3A_31 = arith.constant 0 : i32
      %dma_start3A_32 = tpu.memref_slice %arg9[%add3A_16, %dma_start3A_31] : memref<10112x128xf32, #tpu.memory_space<vmem_shared>> -> memref<128x128xf32, #tpu.memory_space<vmem_shared>>
      %dma_start3A_33 = arith.constant 0 : i32
      %dma_start3A_34 = tpu.memref_slice %arg9[%add3A_16, %dma_start3A_33] : memref<10112x128xf32, #tpu.memory_space<vmem_shared>> -> memref<128x128xf32, #tpu.memory_space<vmem_shared>>
      %dma_start3A_35 = arith.constant 0 : i32
      %dma_start3A_36 = arith.constant 0 : i32
      %dma_start3A_37 = tpu.memref_slice %arg8[%dma_start3A_35, %dma_start3A_36] : memref<128x128xf32, #tpu.memory_space<vmem>> -> memref<128x128xf32, #tpu.memory_space<vmem>>
      tpu.enqueue_dma source(%dma_start3A_37 : memref<128x128xf32, #tpu.memory_space<vmem>>) target(%dma_start3A_34 : memref<128x128xf32, #tpu.memory_space<vmem_shared>>) target_semaphore(%run_scoped3A : memref<!tpu.dma_semaphore, #tpu.memory_space<semaphore_mem>>)
      %dma_wait3A = arith.constant 0 : i32
      %dma_wait3A_38 = arith.constant 0 : i32
      %dma_wait3A_39 = tpu.memref_slice %arg8[%dma_wait3A, %dma_wait3A_38] : memref<128x128xf32, #tpu.memory_space<vmem>> -> memref<128x128xf32, #tpu.memory_space<vmem>>
      %dma_wait3A_40 = arith.constant 0 : i32
      %dma_wait3A_41 = tpu.memref_slice %arg9[%add3A_16, %dma_wait3A_40] : memref<10112x128xf32, #tpu.memory_space<vmem_shared>> -> memref<128x128xf32, #tpu.memory_space<vmem_shared>>
      %dma_wait3A_42 = arith.constant 0 : i32
      %dma_wait3A_43 = tpu.memref_slice %arg9[%add3A_16, %dma_wait3A_42] : memref<10112x128xf32, #tpu.memory_space<vmem_shared>> -> memref<128x128xf32, #tpu.memory_space<vmem_shared>>
      %dma_wait3A_44 = arith.constant 0 : i32
      %dma_wait3A_45 = arith.constant 0 : i32
      %dma_wait3A_46 = tpu.memref_slice %arg8[%dma_wait3A_44, %dma_wait3A_45] : memref<128x128xf32, #tpu.memory_space<vmem>> -> memref<128x128xf32, #tpu.memory_space<vmem>>
      tpu.wait_dma2 semaphore(%run_scoped3A : memref<!tpu.dma_semaphore, #tpu.memory_space<semaphore_mem>>) src(%dma_wait3A_46 : memref<128x128xf32, #tpu.memory_space<vmem>>) dst(%dma_wait3A_43 : memref<128x128xf32, #tpu.memory_space<vmem_shared>>)
      tpu.yield
    }) : () -> ()
    %add3A_17 = arith.constant 512 : i32
    %add3A_18 = arith.addi %mul3A_8, %add3A_17 : i32
    "tpu.region"() ({
      %run_scoped3A = tpu.sem_alloc : memref<!tpu.dma_semaphore, #tpu.memory_space<semaphore_mem>>
      %dma_start3A = arith.constant 0 : i32
      %dma_start3A_29 = arith.constant 0 : i32
      %dma_start3A_30 = tpu.memref_slice %arg8[%dma_start3A, %dma_start3A_29] : memref<128x128xf32, #tpu.memory_space<vmem>> -> memref<120x128xf32, #tpu.memory_space<vmem>>
      %dma_start3A_31 = arith.constant 0 : i32
      %dma_start3A_32 = tpu.memref_slice %arg9[%add3A_18, %dma_start3A_31] : memref<10112x128xf32, #tpu.memory_space<vmem_shared>> -> memref<120x128xf32, #tpu.memory_space<vmem_shared>>
      %dma_start3A_33 = arith.constant 0 : i32
      %dma_start3A_34 = tpu.memref_slice %arg9[%add3A_18, %dma_start3A_33] : memref<10112x128xf32, #tpu.memory_space<vmem_shared>> -> memref<120x128xf32, #tpu.memory_space<vmem_shared>>
      %dma_start3A_35 = arith.constant 0 : i32
      %dma_start3A_36 = arith.constant 0 : i32
      %dma_start3A_37 = tpu.memref_slice %arg8[%dma_start3A_35, %dma_start3A_36] : memref<128x128xf32, #tpu.memory_space<vmem>> -> memref<120x128xf32, #tpu.memory_space<vmem>>
      tpu.enqueue_dma source(%dma_start3A_37 : memref<120x128xf32, #tpu.memory_space<vmem>>) target(%dma_start3A_34 : memref<120x128xf32, #tpu.memory_space<vmem_shared>>) target_semaphore(%run_scoped3A : memref<!tpu.dma_semaphore, #tpu.memory_space<semaphore_mem>>)
      %dma_wait3A = arith.constant 0 : i32
      %dma_wait3A_38 = arith.constant 0 : i32
      %dma_wait3A_39 = tpu.memref_slice %arg8[%dma_wait3A, %dma_wait3A_38] : memref<128x128xf32, #tpu.memory_space<vmem>> -> memref<120x128xf32, #tpu.memory_space<vmem>>
      %dma_wait3A_40 = arith.constant 0 : i32
      %dma_wait3A_41 = tpu.memref_slice %arg9[%add3A_18, %dma_wait3A_40] : memref<10112x128xf32, #tpu.memory_space<vmem_shared>> -> memref<120x128xf32, #tpu.memory_space<vmem_shared>>
      %dma_wait3A_42 = arith.constant 0 : i32
      %dma_wait3A_43 = tpu.memref_slice %arg9[%add3A_18, %dma_wait3A_42] : memref<10112x128xf32, #tpu.memory_space<vmem_shared>> -> memref<120x128xf32, #tpu.memory_space<vmem_shared>>
      %dma_wait3A_44 = arith.constant 0 : i32
      %dma_wait3A_45 = arith.constant 0 : i32
      %dma_wait3A_46 = tpu.memref_slice %arg8[%dma_wait3A_44, %dma_wait3A_45] : memref<128x128xf32, #tpu.memory_space<vmem>> -> memref<120x128xf32, #tpu.memory_space<vmem>>
      tpu.wait_dma2 semaphore(%run_scoped3A : memref<!tpu.dma_semaphore, #tpu.memory_space<semaphore_mem>>) src(%dma_wait3A_46 : memref<120x128xf32, #tpu.memory_space<vmem>>) dst(%dma_wait3A_43 : memref<120x128xf32, #tpu.memory_space<vmem_shared>>)
      tpu.yield
    }) : () -> ()
    %barrier3A = arith.constant 0 : index
    tpu.barrier barrier_id(%barrier3A)
    %mul3A_19 = arith.constant 10112 : i32
    %mul3A_20 = arith.muli %add3A, %mul3A_19 : i32
    %scan3A_21 = arith.constant 0 : i32
    %scan3A_22 = arith.constant 0 : i32
    %scan3A_23 = arith.constant 79 : i32
    %scan3A_24 = arith.addi %scan3A_22, %scan3A_23 : i32
    %scan3A_25 = arith.constant 1 : i32
    %scan3A_26 = scf.for %scan3A_29 = %scan3A_22 to %scan3A_24 step %scan3A_25 iter_args(%scan3A_30 = %scan3A_21) -> (i32)  : i32 {
      %mul3A_31 = arith.constant 128 : i32
      %mul3A_32 = arith.muli %scan3A_29, %mul3A_31 : i32
      %add3A_33 = arith.addi %mul3A_20, %mul3A_32 : i32
      %multiple_of3A = tpu.assume_multiple %add3A_33, 8 : i32
      "tpu.region"() ({
        %run_scoped3A = tpu.sem_alloc : memref<!tpu.dma_semaphore, #tpu.memory_space<semaphore_mem>>
        %dma_start3A_39 = tpu.memref_slice %arg2[%multiple_of3A] : memref<323584xi32, #tpu.memory_space<hbm>> -> memref<128xi32, #tpu.memory_space<hbm>>
        %dma_start3A_40 = tpu.memref_slice %arg2[%multiple_of3A] : memref<323584xi32, #tpu.memory_space<hbm>> -> memref<128xi32, #tpu.memory_space<hbm>>
        tpu.enqueue_dma source(%dma_start3A_40 : memref<128xi32, #tpu.memory_space<hbm>>) target(%arg6 : memref<128xi32, #tpu.memory_space<vmem>>) target_semaphore(%run_scoped3A : memref<!tpu.dma_semaphore, #tpu.memory_space<semaphore_mem>>)
        %dma_wait3A_41 = tpu.memref_slice %arg2[%multiple_of3A] : memref<323584xi32, #tpu.memory_space<hbm>> -> memref<128xi32, #tpu.memory_space<hbm>>
        %dma_wait3A_42 = tpu.memref_slice %arg2[%multiple_of3A] : memref<323584xi32, #tpu.memory_space<hbm>> -> memref<128xi32, #tpu.memory_space<hbm>>
        tpu.wait_dma2 semaphore(%run_scoped3A : memref<!tpu.dma_semaphore, #tpu.memory_space<semaphore_mem>>) src(%dma_wait3A_42 : memref<128xi32, #tpu.memory_space<hbm>>) dst(%arg6 : memref<128xi32, #tpu.memory_space<vmem>>)
        tpu.yield
      }) : () -> ()
      "tpu.region"() ({
        %run_scoped3A = tpu.sem_alloc : memref<!tpu.dma_semaphore, #tpu.memory_space<semaphore_mem>>
        %dma_start3A_39 = tpu.memref_slice %arg3[%multiple_of3A] : memref<323584xi32, #tpu.memory_space<hbm>> -> memref<128xi32, #tpu.memory_space<hbm>>
        %dma_start3A_40 = tpu.memref_slice %arg3[%multiple_of3A] : memref<323584xi32, #tpu.memory_space<hbm>> -> memref<128xi32, #tpu.memory_space<hbm>>
        tpu.enqueue_dma source(%dma_start3A_40 : memref<128xi32, #tpu.memory_space<hbm>>) target(%arg7 : memref<128xi32, #tpu.memory_space<vmem>>) target_semaphore(%run_scoped3A : memref<!tpu.dma_semaphore, #tpu.memory_space<semaphore_mem>>)
        %dma_wait3A_41 = tpu.memref_slice %arg3[%multiple_of3A] : memref<323584xi32, #tpu.memory_space<hbm>> -> memref<128xi32, #tpu.memory_space<hbm>>
        %dma_wait3A_42 = tpu.memref_slice %arg3[%multiple_of3A] : memref<323584xi32, #tpu.memory_space<hbm>> -> memref<128xi32, #tpu.memory_space<hbm>>
        tpu.wait_dma2 semaphore(%run_scoped3A : memref<!tpu.dma_semaphore, #tpu.memory_space<semaphore_mem>>) src(%dma_wait3A_42 : memref<128xi32, #tpu.memory_space<hbm>>) dst(%arg7 : memref<128xi32, #tpu.memory_space<vmem>>)
        tpu.yield
      }) : () -> ()
      %dma_start3A = arith.constant 0 : i32
      %dma_start3A_34 = arith.constant 0 : i32
      %dma_start3A_35 = tpu.memref_slice %arg4[%dma_start3A, %dma_start3A_34] : memref<10000x128xf32, #tpu.memory_space<hbm>> -> memref<10000x128xf32, #tpu.memory_space<hbm>>
      tpu.enqueue_indirect_dma source(%dma_start3A_35 : memref<10000x128xf32, #tpu.memory_space<hbm>>) target(%arg8 : memref<128x128xf32, #tpu.memory_space<vmem>>) offsets(%arg6 : memref<128xi32, #tpu.memory_space<vmem>>) semaphore(%arg10 : memref<!tpu.dma_semaphore, #tpu.memory_space<semaphore_mem>>)
      %dma_wait3A = arith.constant 0 : i32
      %dma_wait3A_36 = arith.constant 0 : i32
      %dma_wait3A_37 = tpu.memref_slice %arg4[%dma_wait3A, %dma_wait3A_36] : memref<10000x128xf32, #tpu.memory_space<hbm>> -> memref<10000x128xf32, #tpu.memory_space<hbm>>
      tpu.wait_indirect_dma semaphore(%arg10 : memref<!tpu.dma_semaphore, #tpu.memory_space<semaphore_mem>>) src(%dma_wait3A_37 : memref<10000x128xf32, #tpu.memory_space<hbm>>) dst(%arg8 : memref<128x128xf32, #tpu.memory_space<vmem>>)
      "tpu.region"() ({
        %run_scoped3A = tpu.sem_alloc : memref<!tpu.dma_semaphore, #tpu.memory_space<semaphore_mem>>
        %dma_start3A_39 = arith.constant 0 : i32
        %dma_start3A_40 = arith.constant 0 : i32
        %dma_start3A_41 = tpu.memref_slice %arg9[%dma_start3A_39, %dma_start3A_40] : memref<10112x128xf32, #tpu.memory_space<vmem_shared>> -> memref<10112x128xf32, #tpu.memory_space<vmem_shared>>
        tpu.enqueue_indirect_dma source(%arg8 : memref<128x128xf32, #tpu.memory_space<vmem>>) target(%dma_start3A_41 : memref<10112x128xf32, #tpu.memory_space<vmem_shared>>) offsets(%arg7 : memref<128xi32, #tpu.memory_space<vmem>>) semaphore(%run_scoped3A : memref<!tpu.dma_semaphore, #tpu.memory_space<semaphore_mem>>) {add = true}
        %dma_wait3A_42 = arith.constant 0 : i32
        %dma_wait3A_43 = arith.constant 0 : i32
        %dma_wait3A_44 = tpu.memref_slice %arg9[%dma_wait3A_42, %dma_wait3A_43] : memref<10112x128xf32, #tpu.memory_space<vmem_shared>> -> memref<10112x128xf32, #tpu.memory_space<vmem_shared>>
        tpu.wait_indirect_dma semaphore(%run_scoped3A : memref<!tpu.dma_semaphore, #tpu.memory_space<semaphore_mem>>) src(%arg8 : memref<128x128xf32, #tpu.memory_space<vmem>>) dst(%dma_wait3A_44 : memref<10112x128xf32, #tpu.memory_space<vmem_shared>>)
        tpu.yield
      }) : () -> ()
      %scan3A_38 = arith.constant 0 : i32
      scf.yield %scan3A_38 : i32
    }
    %scan3A_27 = arith.constant 79 : i32
    %barrier3A_28 = arith.constant 0 : index
    tpu.barrier barrier_id(%barrier3A_28)
    "tpu.region"() ({
      %run_scoped3A = tpu.sem_alloc : memref<!tpu.dma_semaphore, #tpu.memory_space<semaphore_mem>>
      %dma_start3A = arith.constant 0 : i32
      %dma_start3A_29 = tpu.memref_slice %arg5[%arg0, %mul3A_8, %dma_start3A] : memref<2x10112x128xf32, #tpu.memory_space<hbm>> -> memref<1x632x128xf32, #tpu.memory_space<hbm>>
      %dma_start3A_30 = tpu.memref_squeeze %dma_start3A_29 : memref<1x632x128xf32, #tpu.memory_space<hbm>> -> memref<632x128xf32, #tpu.memory_space<hbm>>
      %dma_start3A_31 = arith.constant 0 : i32
      %dma_start3A_32 = tpu.memref_slice %arg9[%mul3A_8, %dma_start3A_31] : memref<10112x128xf32, #tpu.memory_space<vmem_shared>> -> memref<632x128xf32, #tpu.memory_space<vmem_shared>>
      tpu.enqueue_dma source(%dma_start3A_32 : memref<632x128xf32, #tpu.memory_space<vmem_shared>>) target(%dma_start3A_30 : memref<632x128xf32, #tpu.memory_space<hbm>>) target_semaphore(%run_scoped3A : memref<!tpu.dma_semaphore, #tpu.memory_space<semaphore_mem>>)
      %dma_wait3A = arith.constant 0 : i32
      %dma_wait3A_33 = tpu.memref_slice %arg5[%arg0, %mul3A_8, %dma_wait3A] : memref<2x10112x128xf32, #tpu.memory_space<hbm>> -> memref<1x632x128xf32, #tpu.memory_space<hbm>>
      %dma_wait3A_34 = tpu.memref_squeeze %dma_wait3A_33 : memref<1x632x128xf32, #tpu.memory_space<hbm>> -> memref<632x128xf32, #tpu.memory_space<hbm>>
      %dma_wait3A_35 = arith.constant 0 : i32
      %dma_wait3A_36 = tpu.memref_slice %arg9[%mul3A_8, %dma_wait3A_35] : memref<10112x128xf32, #tpu.memory_space<vmem_shared>> -> memref<632x128xf32, #tpu.memory_space<vmem_shared>>
      tpu.wait_dma2 semaphore(%run_scoped3A : memref<!tpu.dma_semaphore, #tpu.memory_space<semaphore_mem>>) src(%dma_wait3A_36 : memref<632x128xf32, #tpu.memory_space<vmem_shared>>) dst(%dma_wait3A_34 : memref<632x128xf32, #tpu.memory_space<hbm>>)
      tpu.yield
    }) : () -> ()
    return
  }
}

#map = affine_map<(d0, d1) -> (0)>
#map1 = affine_map<(d0, d1) -> (0, 0)>
#map2 = affine_map<(d0, d1) -> (0, 0, 0)>
module attributes {stable_mosaic.version = 14 : i64} {
  func.func @sc_kernel(%arg0: i32, %arg1: i32, %arg2: memref<323584xi32, #tpu.memory_space<hbm>>, %arg3: memref<323584xi32, #tpu.memory_space<hbm>>, %arg4: memref<10000x128xf32, #tpu.memory_space<hbm>>, %arg5: memref<2x10112x128xf32, #tpu.memory_space<hbm>>, %arg6: memref<128xi32, #tpu.memory_space<vmem>>, %arg7: memref<128xi32, #tpu.memory_space<vmem>>, %arg8: memref<128x128xf32, #tpu.memory_space<vmem>>, %arg9: memref<10112x128xf32, #tpu.memory_space<vmem_shared>>, %arg10: memref<!tpu.dma_semaphore, #tpu.memory_space<semaphore_mem>>) attributes {dimension_semantics = [#tpu.dimension_semantics<core_parallel>, #tpu.dimension_semantics<subcore_parallel>], iteration_bounds = array<i64: 2, 16>, scalar_prefetch = 0 : i64, scratch_operands = 5 : i64, tpu.core_type = #tpu.core_type<sc_vector_subcore>, window_params = [{transform_indices = #map}, {transform_indices = #map}, {transform_indices = #map1}, {transform_indices = #map2}]} {
    %mul3A = arith.constant 16 : i32
    %mul3A_0 = arith.muli %arg0, %mul3A : i32
    %add3A = arith.addi %mul3A_0, %arg1 : i32
    %scan3A = arith.constant 0 : i32
    %scan3A_1 = arith.constant 0 : i32
    %scan3A_2 = arith.constant 128 : i32
    %scan3A_3 = arith.addi %scan3A_1, %scan3A_2 : i32
    %scan3A_4 = arith.constant 1 : i32
    %scan3A_5 = scf.for %scan3A_29 = %scan3A_1 to %scan3A_3 step %scan3A_4 iter_args(%scan3A_30 = %scan3A) -> (i32)  : i32 {
      %scan3A_31 = arith.constant 0 : i32
      %scan3A_32 = arith.constant 0 : i32
      %scan3A_33 = arith.constant 8 : i32
      %scan3A_34 = arith.addi %scan3A_32, %scan3A_33 : i32
      %scan3A_35 = arith.constant 1 : i32
      %scan3A_36 = scf.for %scan3A_38 = %scan3A_32 to %scan3A_34 step %scan3A_35 iter_args(%scan3A_39 = %scan3A_31) -> (i32)  : i32 {
        %broadcast_in_dim3A = arith.constant 0.000000e+00 : f32
        %broadcast_in_dim3A_40 = vector.broadcast %broadcast_in_dim3A : f32 to vector<16xf32>
        %mul3A_41 = arith.constant 16 : i32
        %mul3A_42 = arith.muli %scan3A_38, %mul3A_41 : i32
        %swap3A = arith.index_cast %scan3A_29 : i32 to index
        %swap3A_43 = arith.index_cast %mul3A_42 : i32 to index
        %swap3A_44 = tpu.vector_load %arg8[%swap3A, %swap3A_43] {strides = array<i32>} : memref<128x128xf32, #tpu.memory_space<vmem>>, vector<1x16xf32>,
        %swap3A_45 = vector.shape_cast %swap3A_44 : vector<1x16xf32> to vector<16xf32>
        %swap3A_46 = vector.shape_cast %broadcast_in_dim3A_40 : vector<16xf32> to vector<1x16xf32>
        tpu.vector_store %arg8[%swap3A, %swap3A_43], %swap3A_46 {strides = array<i32>} : memref<128x128xf32, #tpu.memory_space<vmem>>, vector<1x16xf32>,
        %scan3A_47 = arith.constant 0 : i32
        scf.yield %scan3A_47 : i32
      }
      %scan3A_37 = arith.constant 8 : i32
      scf.yield %scan3A_36 : i32
    }
    %scan3A_6 = arith.constant 128 : i32
    %mul3A_7 = arith.constant 632 : i32
    %mul3A_8 = arith.muli %arg1, %mul3A_7 : i32
    %add3A_9 = arith.constant 0 : i32
    %add3A_10 = arith.addi %mul3A_8, %add3A_9 : i32
    "tpu.region"() ({
      %run_scoped3A = tpu.sem_alloc : memref<!tpu.dma_semaphore, #tpu.memory_space<semaphore_mem>>
      %dma_start3A = arith.constant 0 : i32
      %dma_start3A_29 = arith.constant 0 : i32
      %dma_start3A_30 = tpu.memref_slice %arg8[%dma_start3A, %dma_start3A_29] : memref<128x128xf32, #tpu.memory_space<vmem>> -> memref<128x128xf32, #tpu.memory_space<vmem>>
      %dma_start3A_31 = arith.constant 0 : i32
      %dma_start3A_32 = tpu.memref_slice %arg9[%add3A_10, %dma_start3A_31] : memref<10112x128xf32, #tpu.memory_space<vmem_shared>> -> memref<128x128xf32, #tpu.memory_space<vmem_shared>>
      %dma_start3A_33 = arith.constant 0 : i32
      %dma_start3A_34 = tpu.memref_slice %arg9[%add3A_10, %dma_start3A_33] : memref<10112x128xf32, #tpu.memory_space<vmem_shared>> -> memref<128x128xf32, #tpu.memory_space<vmem_shared>>
      %dma_start3A_35 = arith.constant 0 : i32
      %dma_start3A_36 = arith.constant 0 : i32
      %dma_start3A_37 = tpu.memref_slice %arg8[%dma_start3A_35, %dma_start3A_36] : memref<128x128xf32, #tpu.memory_space<vmem>> -> memref<128x128xf32, #tpu.memory_space<vmem>>
      tpu.enqueue_dma source(%dma_start3A_37 : memref<128x128xf32, #tpu.memory_space<vmem>>) target(%dma_start3A_34 : memref<128x128xf32, #tpu.memory_space<vmem_shared>>) target_semaphore(%run_scoped3A : memref<!tpu.dma_semaphore, #tpu.memory_space<semaphore_mem>>)
      %dma_wait3A = arith.constant 0 : i32
      %dma_wait3A_38 = arith.constant 0 : i32
      %dma_wait3A_39 = tpu.memref_slice %arg8[%dma_wait3A, %dma_wait3A_38] : memref<128x128xf32, #tpu.memory_space<vmem>> -> memref<128x128xf32, #tpu.memory_space<vmem>>
      %dma_wait3A_40 = arith.constant 0 : i32
      %dma_wait3A_41 = tpu.memref_slice %arg9[%add3A_10, %dma_wait3A_40] : memref<10112x128xf32, #tpu.memory_space<vmem_shared>> -> memref<128x128xf32, #tpu.memory_space<vmem_shared>>
      %dma_wait3A_42 = arith.constant 0 : i32
      %dma_wait3A_43 = tpu.memref_slice %arg9[%add3A_10, %dma_wait3A_42] : memref<10112x128xf32, #tpu.memory_space<vmem_shared>> -> memref<128x128xf32, #tpu.memory_space<vmem_shared>>
      %dma_wait3A_44 = arith.constant 0 : i32
      %dma_wait3A_45 = arith.constant 0 : i32
      %dma_wait3A_46 = tpu.memref_slice %arg8[%dma_wait3A_44, %dma_wait3A_45] : memref<128x128xf32, #tpu.memory_space<vmem>> -> memref<128x128xf32, #tpu.memory_space<vmem>>
      tpu.wait_dma2 semaphore(%run_scoped3A : memref<!tpu.dma_semaphore, #tpu.memory_space<semaphore_mem>>) src(%dma_wait3A_46 : memref<128x128xf32, #tpu.memory_space<vmem>>) dst(%dma_wait3A_43 : memref<128x128xf32, #tpu.memory_space<vmem_shared>>)
      tpu.yield
    }) : () -> ()
    %add3A_11 = arith.constant 128 : i32
    %add3A_12 = arith.addi %mul3A_8, %add3A_11 : i32
    "tpu.region"() ({
      %run_scoped3A = tpu.sem_alloc : memref<!tpu.dma_semaphore, #tpu.memory_space<semaphore_mem>>
      %dma_start3A = arith.constant 0 : i32
      %dma_start3A_29 = arith.constant 0 : i32
      %dma_start3A_30 = tpu.memref_slice %arg8[%dma_start3A, %dma_start3A_29] : memref<128x128xf32, #tpu.memory_space<vmem>> -> memref<128x128xf32, #tpu.memory_space<vmem>>
      %dma_start3A_31 = arith.constant 0 : i32
      %dma_start3A_32 = tpu.memref_slice %arg9[%add3A_12, %dma_start3A_31] : memref<10112x128xf32, #tpu.memory_space<vmem_shared>> -> memref<128x128xf32, #tpu.memory_space<vmem_shared>>
      %dma_start3A_33 = arith.constant 0 : i32
      %dma_start3A_34 = tpu.memref_slice %arg9[%add3A_12, %dma_start3A_33] : memref<10112x128xf32, #tpu.memory_space<vmem_shared>> -> memref<128x128xf32, #tpu.memory_space<vmem_shared>>
      %dma_start3A_35 = arith.constant 0 : i32
      %dma_start3A_36 = arith.constant 0 : i32
      %dma_start3A_37 = tpu.memref_slice %arg8[%dma_start3A_35, %dma_start3A_36] : memref<128x128xf32, #tpu.memory_space<vmem>> -> memref<128x128xf32, #tpu.memory_space<vmem>>
      tpu.enqueue_dma source(%dma_start3A_37 : memref<128x128xf32, #tpu.memory_space<vmem>>) target(%dma_start3A_34 : memref<128x128xf32, #tpu.memory_space<vmem_shared>>) target_semaphore(%run_scoped3A : memref<!tpu.dma_semaphore, #tpu.memory_space<semaphore_mem>>)
      %dma_wait3A = arith.constant 0 : i32
      %dma_wait3A_38 = arith.constant 0 : i32
      %dma_wait3A_39 = tpu.memref_slice %arg8[%dma_wait3A, %dma_wait3A_38] : memref<128x128xf32, #tpu.memory_space<vmem>> -> memref<128x128xf32, #tpu.memory_space<vmem>>
      %dma_wait3A_40 = arith.constant 0 : i32
      %dma_wait3A_41 = tpu.memref_slice %arg9[%add3A_12, %dma_wait3A_40] : memref<10112x128xf32, #tpu.memory_space<vmem_shared>> -> memref<128x128xf32, #tpu.memory_space<vmem_shared>>
      %dma_wait3A_42 = arith.constant 0 : i32
      %dma_wait3A_43 = tpu.memref_slice %arg9[%add3A_12, %dma_wait3A_42] : memref<10112x128xf32, #tpu.memory_space<vmem_shared>> -> memref<128x128xf32, #tpu.memory_space<vmem_shared>>
      %dma_wait3A_44 = arith.constant 0 : i32
      %dma_wait3A_45 = arith.constant 0 : i32
      %dma_wait3A_46 = tpu.memref_slice %arg8[%dma_wait3A_44, %dma_wait3A_45] : memref<128x128xf32, #tpu.memory_space<vmem>> -> memref<128x128xf32, #tpu.memory_space<vmem>>
      tpu.wait_dma2 semaphore(%run_scoped3A : memref<!tpu.dma_semaphore, #tpu.memory_space<semaphore_mem>>) src(%dma_wait3A_46 : memref<128x128xf32, #tpu.memory_space<vmem>>) dst(%dma_wait3A_43 : memref<128x128xf32, #tpu.memory_space<vmem_shared>>)
      tpu.yield
    }) : () -> ()
    %add3A_13 = arith.constant 256 : i32
    %add3A_14 = arith.addi %mul3A_8, %add3A_13 : i32
    "tpu.region"() ({
      %run_scoped3A = tpu.sem_alloc : memref<!tpu.dma_semaphore, #tpu.memory_space<semaphore_mem>>
      %dma_start3A = arith.constant 0 : i32
      %dma_start3A_29 = arith.constant 0 : i32
      %dma_start3A_30 = tpu.memref_slice %arg8[%dma_start3A, %dma_start3A_29] : memref<128x128xf32, #tpu.memory_space<vmem>> -> memref<128x128xf32, #tpu.memory_space<vmem>>
      %dma_start3A_31 = arith.constant 0 : i32
      %dma_start3A_32 = tpu.memref_slice %arg9[%add3A_14, %dma_start3A_31] : memref<10112x128xf32, #tpu.memory_space<vmem_shared>> -> memref<128x128xf32, #tpu.memory_space<vmem_shared>>
      %dma_start3A_33 = arith.constant 0 : i32
      %dma_start3A_34 = tpu.memref_slice %arg9[%add3A_14, %dma_start3A_33] : memref<10112x128xf32, #tpu.memory_space<vmem_shared>> -> memref<128x128xf32, #tpu.memory_space<vmem_shared>>
      %dma_start3A_35 = arith.constant 0 : i32
      %dma_start3A_36 = arith.constant 0 : i32
      %dma_start3A_37 = tpu.memref_slice %arg8[%dma_start3A_35, %dma_start3A_36] : memref<128x128xf32, #tpu.memory_space<vmem>> -> memref<128x128xf32, #tpu.memory_space<vmem>>
      tpu.enqueue_dma source(%dma_start3A_37 : memref<128x128xf32, #tpu.memory_space<vmem>>) target(%dma_start3A_34 : memref<128x128xf32, #tpu.memory_space<vmem_shared>>) target_semaphore(%run_scoped3A : memref<!tpu.dma_semaphore, #tpu.memory_space<semaphore_mem>>)
      %dma_wait3A = arith.constant 0 : i32
      %dma_wait3A_38 = arith.constant 0 : i32
      %dma_wait3A_39 = tpu.memref_slice %arg8[%dma_wait3A, %dma_wait3A_38] : memref<128x128xf32, #tpu.memory_space<vmem>> -> memref<128x128xf32, #tpu.memory_space<vmem>>
      %dma_wait3A_40 = arith.constant 0 : i32
      %dma_wait3A_41 = tpu.memref_slice %arg9[%add3A_14, %dma_wait3A_40] : memref<10112x128xf32, #tpu.memory_space<vmem_shared>> -> memref<128x128xf32, #tpu.memory_space<vmem_shared>>
      %dma_wait3A_42 = arith.constant 0 : i32
      %dma_wait3A_43 = tpu.memref_slice %arg9[%add3A_14, %dma_wait3A_42] : memref<10112x128xf32, #tpu.memory_space<vmem_shared>> -> memref<128x128xf32, #tpu.memory_space<vmem_shared>>
      %dma_wait3A_44 = arith.constant 0 : i32
      %dma_wait3A_45 = arith.constant 0 : i32
      %dma_wait3A_46 = tpu.memref_slice %arg8[%dma_wait3A_44, %dma_wait3A_45] : memref<128x128xf32, #tpu.memory_space<vmem>> -> memref<128x128xf32, #tpu.memory_space<vmem>>
      tpu.wait_dma2 semaphore(%run_scoped3A : memref<!tpu.dma_semaphore, #tpu.memory_space<semaphore_mem>>) src(%dma_wait3A_46 : memref<128x128xf32, #tpu.memory_space<vmem>>) dst(%dma_wait3A_43 : memref<128x128xf32, #tpu.memory_space<vmem_shared>>)
      tpu.yield
    }) : () -> ()
    %add3A_15 = arith.constant 384 : i32
    %add3A_16 = arith.addi %mul3A_8, %add3A_15 : i32
    "tpu.region"() ({
      %run_scoped3A = tpu.sem_alloc : memref<!tpu.dma_semaphore, #tpu.memory_space<semaphore_mem>>
      %dma_start3A = arith.constant 0 : i32
      %dma_start3A_29 = arith.constant 0 : i32
      %dma_start3A_30 = tpu.memref_slice %arg8[%dma_start3A, %dma_start3A_29] : memref<128x128xf32, #tpu.memory_space<vmem>> -> memref<128x128xf32, #tpu.memory_space<vmem>>
      %dma_start3A_31 = arith.constant 0 : i32
      %dma_start3A_32 = tpu.memref_slice %arg9[%add3A_16, %dma_start3A_31] : memref<10112x128xf32, #tpu.memory_space<vmem_shared>> -> memref<128x128xf32, #tpu.memory_space<vmem_shared>>
      %dma_start3A_33 = arith.constant 0 : i32
      %dma_start3A_34 = tpu.memref_slice %arg9[%add3A_16, %dma_start3A_33] : memref<10112x128xf32, #tpu.memory_space<vmem_shared>> -> memref<128x128xf32, #tpu.memory_space<vmem_shared>>
      %dma_start3A_35 = arith.constant 0 : i32
      %dma_start3A_36 = arith.constant 0 : i32
      %dma_start3A_37 = tpu.memref_slice %arg8[%dma_start3A_35, %dma_start3A_36] : memref<128x128xf32, #tpu.memory_space<vmem>> -> memref<128x128xf32, #tpu.memory_space<vmem>>
      tpu.enqueue_dma source(%dma_start3A_37 : memref<128x128xf32, #tpu.memory_space<vmem>>) target(%dma_start3A_34 : memref<128x128xf32, #tpu.memory_space<vmem_shared>>) target_semaphore(%run_scoped3A : memref<!tpu.dma_semaphore, #tpu.memory_space<semaphore_mem>>)
      %dma_wait3A = arith.constant 0 : i32
      %dma_wait3A_38 = arith.constant 0 : i32
      %dma_wait3A_39 = tpu.memref_slice %arg8[%dma_wait3A, %dma_wait3A_38] : memref<128x128xf32, #tpu.memory_space<vmem>> -> memref<128x128xf32, #tpu.memory_space<vmem>>
      %dma_wait3A_40 = arith.constant 0 : i32
      %dma_wait3A_41 = tpu.memref_slice %arg9[%add3A_16, %dma_wait3A_40] : memref<10112x128xf32, #tpu.memory_space<vmem_shared>> -> memref<128x128xf32, #tpu.memory_space<vmem_shared>>
      %dma_wait3A_42 = arith.constant 0 : i32
      %dma_wait3A_43 = tpu.memref_slice %arg9[%add3A_16, %dma_wait3A_42] : memref<10112x128xf32, #tpu.memory_space<vmem_shared>> -> memref<128x128xf32, #tpu.memory_space<vmem_shared>>
      %dma_wait3A_44 = arith.constant 0 : i32
      %dma_wait3A_45 = arith.constant 0 : i32
      %dma_wait3A_46 = tpu.memref_slice %arg8[%dma_wait3A_44, %dma_wait3A_45] : memref<128x128xf32, #tpu.memory_space<vmem>> -> memref<128x128xf32, #tpu.memory_space<vmem>>
      tpu.wait_dma2 semaphore(%run_scoped3A : memref<!tpu.dma_semaphore, #tpu.memory_space<semaphore_mem>>) src(%dma_wait3A_46 : memref<128x128xf32, #tpu.memory_space<vmem>>) dst(%dma_wait3A_43 : memref<128x128xf32, #tpu.memory_space<vmem_shared>>)
      tpu.yield
    }) : () -> ()
    %add3A_17 = arith.constant 512 : i32
    %add3A_18 = arith.addi %mul3A_8, %add3A_17 : i32
    "tpu.region"() ({
      %run_scoped3A = tpu.sem_alloc : memref<!tpu.dma_semaphore, #tpu.memory_space<semaphore_mem>>
      %dma_start3A = arith.constant 0 : i32
      %dma_start3A_29 = arith.constant 0 : i32
      %dma_start3A_30 = tpu.memref_slice %arg8[%dma_start3A, %dma_start3A_29] : memref<128x128xf32, #tpu.memory_space<vmem>> -> memref<120x128xf32, #tpu.memory_space<vmem>>
      %dma_start3A_31 = arith.constant 0 : i32
      %dma_start3A_32 = tpu.memref_slice %arg9[%add3A_18, %dma_start3A_31] : memref<10112x128xf32, #tpu.memory_space<vmem_shared>> -> memref<120x128xf32, #tpu.memory_space<vmem_shared>>
      %dma_start3A_33 = arith.constant 0 : i32
      %dma_start3A_34 = tpu.memref_slice %arg9[%add3A_18, %dma_start3A_33] : memref<10112x128xf32, #tpu.memory_space<vmem_shared>> -> memref<120x128xf32, #tpu.memory_space<vmem_shared>>
      %dma_start3A_35 = arith.constant 0 : i32
      %dma_start3A_36 = arith.constant 0 : i32
      %dma_start3A_37 = tpu.memref_slice %arg8[%dma_start3A_35, %dma_start3A_36] : memref<128x128xf32, #tpu.memory_space<vmem>> -> memref<120x128xf32, #tpu.memory_space<vmem>>
      tpu.enqueue_dma source(%dma_start3A_37 : memref<120x128xf32, #tpu.memory_space<vmem>>) target(%dma_start3A_34 : memref<120x128xf32, #tpu.memory_space<vmem_shared>>) target_semaphore(%run_scoped3A : memref<!tpu.dma_semaphore, #tpu.memory_space<semaphore_mem>>)
      %dma_wait3A = arith.constant 0 : i32
      %dma_wait3A_38 = arith.constant 0 : i32
      %dma_wait3A_39 = tpu.memref_slice %arg8[%dma_wait3A, %dma_wait3A_38] : memref<128x128xf32, #tpu.memory_space<vmem>> -> memref<120x128xf32, #tpu.memory_space<vmem>>
      %dma_wait3A_40 = arith.constant 0 : i32
      %dma_wait3A_41 = tpu.memref_slice %arg9[%add3A_18, %dma_wait3A_40] : memref<10112x128xf32, #tpu.memory_space<vmem_shared>> -> memref<120x128xf32, #tpu.memory_space<vmem_shared>>
      %dma_wait3A_42 = arith.constant 0 : i32
      %dma_wait3A_43 = tpu.memref_slice %arg9[%add3A_18, %dma_wait3A_42] : memref<10112x128xf32, #tpu.memory_space<vmem_shared>> -> memref<120x128xf32, #tpu.memory_space<vmem_shared>>
      %dma_wait3A_44 = arith.constant 0 : i32
      %dma_wait3A_45 = arith.constant 0 : i32
      %dma_wait3A_46 = tpu.memref_slice %arg8[%dma_wait3A_44, %dma_wait3A_45] : memref<128x128xf32, #tpu.memory_space<vmem>> -> memref<120x128xf32, #tpu.memory_space<vmem>>
      tpu.wait_dma2 semaphore(%run_scoped3A : memref<!tpu.dma_semaphore, #tpu.memory_space<semaphore_mem>>) src(%dma_wait3A_46 : memref<120x128xf32, #tpu.memory_space<vmem>>) dst(%dma_wait3A_43 : memref<120x128xf32, #tpu.memory_space<vmem_shared>>)
      tpu.yield
    }) : () -> ()
    %barrier3A = arith.constant 0 : index
    tpu.barrier barrier_id(%barrier3A)
    %mul3A_19 = arith.constant 10112 : i32
    %mul3A_20 = arith.muli %add3A, %mul3A_19 : i32
    %scan3A_21 = arith.constant 0 : i32
    %scan3A_22 = arith.constant 0 : i32
    %scan3A_23 = arith.constant 79 : i32
    %scan3A_24 = arith.addi %scan3A_22, %scan3A_23 : i32
    %scan3A_25 = arith.constant 1 : i32
    %scan3A_26 = scf.for %scan3A_29 = %scan3A_22 to %scan3A_24 step %scan3A_25 iter_args(%scan3A_30 = %scan3A_21) -> (i32)  : i32 {
      %mul3A_31 = arith.constant 128 : i32
      %mul3A_32 = arith.muli %scan3A_29, %mul3A_31 : i32
      %add3A_33 = arith.addi %mul3A_20, %mul3A_32 : i32
      %multiple_of3A = tpu.assume_multiple %add3A_33, 8 : i32
      "tpu.region"() ({
        %run_scoped3A = tpu.sem_alloc : memref<!tpu.dma_semaphore, #tpu.memory_space<semaphore_mem>>
        %dma_start3A_39 = tpu.memref_slice %arg2[%multiple_of3A] : memref<323584xi32, #tpu.memory_space<hbm>> -> memref<128xi32, #tpu.memory_space<hbm>>
        %dma_start3A_40 = tpu.memref_slice %arg2[%multiple_of3A] : memref<323584xi32, #tpu.memory_space<hbm>> -> memref<128xi32, #tpu.memory_space<hbm>>
        tpu.enqueue_dma source(%dma_start3A_40 : memref<128xi32, #tpu.memory_space<hbm>>) target(%arg6 : memref<128xi32, #tpu.memory_space<vmem>>) target_semaphore(%run_scoped3A : memref<!tpu.dma_semaphore, #tpu.memory_space<semaphore_mem>>)
        %dma_wait3A_41 = tpu.memref_slice %arg2[%multiple_of3A] : memref<323584xi32, #tpu.memory_space<hbm>> -> memref<128xi32, #tpu.memory_space<hbm>>
        %dma_wait3A_42 = tpu.memref_slice %arg2[%multiple_of3A] : memref<323584xi32, #tpu.memory_space<hbm>> -> memref<128xi32, #tpu.memory_space<hbm>>
        tpu.wait_dma2 semaphore(%run_scoped3A : memref<!tpu.dma_semaphore, #tpu.memory_space<semaphore_mem>>) src(%dma_wait3A_42 : memref<128xi32, #tpu.memory_space<hbm>>) dst(%arg6 : memref<128xi32, #tpu.memory_space<vmem>>)
        tpu.yield
      }) : () -> ()
      "tpu.region"() ({
        %run_scoped3A = tpu.sem_alloc : memref<!tpu.dma_semaphore, #tpu.memory_space<semaphore_mem>>
        %dma_start3A_39 = tpu.memref_slice %arg3[%multiple_of3A] : memref<323584xi32, #tpu.memory_space<hbm>> -> memref<128xi32, #tpu.memory_space<hbm>>
        %dma_start3A_40 = tpu.memref_slice %arg3[%multiple_of3A] : memref<323584xi32, #tpu.memory_space<hbm>> -> memref<128xi32, #tpu.memory_space<hbm>>
        tpu.enqueue_dma source(%dma_start3A_40 : memref<128xi32, #tpu.memory_space<hbm>>) target(%arg7 : memref<128xi32, #tpu.memory_space<vmem>>) target_semaphore(%run_scoped3A : memref<!tpu.dma_semaphore, #tpu.memory_space<semaphore_mem>>)
        %dma_wait3A_41 = tpu.memref_slice %arg3[%multiple_of3A] : memref<323584xi32, #tpu.memory_space<hbm>> -> memref<128xi32, #tpu.memory_space<hbm>>
        %dma_wait3A_42 = tpu.memref_slice %arg3[%multiple_of3A] : memref<323584xi32, #tpu.memory_space<hbm>> -> memref<128xi32, #tpu.memory_space<hbm>>
        tpu.wait_dma2 semaphore(%run_scoped3A : memref<!tpu.dma_semaphore, #tpu.memory_space<semaphore_mem>>) src(%dma_wait3A_42 : memref<128xi32, #tpu.memory_space<hbm>>) dst(%arg7 : memref<128xi32, #tpu.memory_space<vmem>>)
        tpu.yield
      }) : () -> ()
      %dma_start3A = arith.constant 0 : i32
      %dma_start3A_34 = arith.constant 0 : i32
      %dma_start3A_35 = tpu.memref_slice %arg4[%dma_start3A, %dma_start3A_34] : memref<10000x128xf32, #tpu.memory_space<hbm>> -> memref<10000x128xf32, #tpu.memory_space<hbm>>
      tpu.enqueue_indirect_dma source(%dma_start3A_35 : memref<10000x128xf32, #tpu.memory_space<hbm>>) target(%arg8 : memref<128x128xf32, #tpu.memory_space<vmem>>) offsets(%arg6 : memref<128xi32, #tpu.memory_space<vmem>>) semaphore(%arg10 : memref<!tpu.dma_semaphore, #tpu.memory_space<semaphore_mem>>)
      %dma_wait3A = arith.constant 0 : i32
      %dma_wait3A_36 = arith.constant 0 : i32
      %dma_wait3A_37 = tpu.memref_slice %arg4[%dma_wait3A, %dma_wait3A_36] : memref<10000x128xf32, #tpu.memory_space<hbm>> -> memref<10000x128xf32, #tpu.memory_space<hbm>>
      tpu.wait_indirect_dma semaphore(%arg10 : memref<!tpu.dma_semaphore, #tpu.memory_space<semaphore_mem>>) src(%dma_wait3A_37 : memref<10000x128xf32, #tpu.memory_space<hbm>>) dst(%arg8 : memref<128x128xf32, #tpu.memory_space<vmem>>)
      "tpu.region"() ({
        %run_scoped3A = tpu.sem_alloc : memref<!tpu.dma_semaphore, #tpu.memory_space<semaphore_mem>>
        %dma_start3A_39 = arith.constant 0 : i32
        %dma_start3A_40 = arith.constant 0 : i32
        %dma_start3A_41 = tpu.memref_slice %arg9[%dma_start3A_39, %dma_start3A_40] : memref<10112x128xf32, #tpu.memory_space<vmem_shared>> -> memref<10112x128xf32, #tpu.memory_space<vmem_shared>>
        tpu.enqueue_indirect_dma source(%arg8 : memref<128x128xf32, #tpu.memory_space<vmem>>) target(%dma_start3A_41 : memref<10112x128xf32, #tpu.memory_space<vmem_shared>>) offsets(%arg7 : memref<128xi32, #tpu.memory_space<vmem>>) semaphore(%run_scoped3A : memref<!tpu.dma_semaphore, #tpu.memory_space<semaphore_mem>>) {add = true}
        %dma_wait3A_42 = arith.constant 0 : i32
        %dma_wait3A_43 = arith.constant 0 : i32
        %dma_wait3A_44 = tpu.memref_slice %arg9[%dma_wait3A_42, %dma_wait3A_43] : memref<10112x128xf32, #tpu.memory_space<vmem_shared>> -> memref<10112x128xf32, #tpu.memory_space<vmem_shared>>
        tpu.wait_indirect_dma semaphore(%run_scoped3A : memref<!tpu.dma_semaphore, #tpu.memory_space<semaphore_mem>>) src(%arg8 : memref<128x128xf32, #tpu.memory_space<vmem>>) dst(%dma_wait3A_44 : memref<10112x128xf32, #tpu.memory_space<vmem_shared>>)
        tpu.yield
      }) : () -> ()
      %scan3A_38 = arith.constant 0 : i32
      scf.yield %scan3A_38 : i32
    }
    %scan3A_27 = arith.constant 79 : i32
    %barrier3A_28 = arith.constant 0 : index
    tpu.barrier barrier_id(%barrier3A_28)
    "tpu.region"() ({
      %run_scoped3A = tpu.sem_alloc : memref<!tpu.dma_semaphore, #tpu.memory_space<semaphore_mem>>
      %dma_start3A = arith.constant 0 : i32
      %dma_start3A_29 = tpu.memref_slice %arg5[%arg0, %mul3A_8, %dma_start3A] : memref<2x10112x128xf32, #tpu.memory_space<hbm>> -> memref<1x632x128xf32, #tpu.memory_space<hbm>>
      %dma_start3A_30 = tpu.memref_squeeze %dma_start3A_29 : memref<1x632x128xf32, #tpu.memory_space<hbm>> -> memref<632x128xf32, #tpu.memory_space<hbm>>
      %dma_start3A_31 = arith.constant 0 : i32
      %dma_start3A_32 = tpu.memref_slice %arg9[%mul3A_8, %dma_start3A_31] : memref<10112x128xf32, #tpu.memory_space<vmem_shared>> -> memref<632x128xf32, #tpu.memory_space<vmem_shared>>
      tpu.enqueue_dma source(%dma_start3A_32 : memref<632x128xf32, #tpu.memory_space<vmem_shared>>) target(%dma_start3A_30 : memref<632x128xf32, #tpu.memory_space<hbm>>) target_semaphore(%run_scoped3A : memref<!tpu.dma_semaphore, #tpu.memory_space<semaphore_mem>>)
      %dma_wait3A = arith.constant 0 : i32
      %dma_wait3A_33 = tpu.memref_slice %arg5[%arg0, %mul3A_8, %dma_wait3A] : memref<2x10112x128xf32, #tpu.memory_space<hbm>> -> memref<1x632x128xf32, #tpu.memory_space<hbm>>
      %dma_wait3A_34 = tpu.memref_squeeze %dma_wait3A_33 : memref<1x632x128xf32, #tpu.memory_space<hbm>> -> memref<632x128xf32, #tpu.memory_space<hbm>>
      %dma_wait3A_35 = arith.constant 0 : i32
      %dma_wait3A_36 = tpu.memref_slice %arg9[%mul3A_8, %dma_wait3A_35] : memref<10112x128xf32, #tpu.memory_space<vmem_shared>> -> memref<632x128xf32, #tpu.memory_space<vmem_shared>>
      tpu.wait_dma2 semaphore(%run_scoped3A : memref<!tpu.dma_semaphore, #tpu.memory_space<semaphore_mem>>) src(%dma_wait3A_36 : memref<632x128xf32, #tpu.memory_space<vmem_shared>>) dst(%dma_wait3A_34 : memref<632x128xf32, #tpu.memory_space<hbm>>)
      tpu.yield
    }) : () -> ()
    return
  }
}

#map = affine_map<(d0, d1) -> (0)>
#map1 = affine_map<(d0, d1) -> (0, 0)>
#map2 = affine_map<(d0, d1) -> (0, 0, 0)>
module attributes {stable_mosaic.version = 14 : i64} {
  func.func @sc_kernel(%arg0: i32, %arg1: i32, %arg2: memref<323584xi32, #tpu.memory_space<hbm>>, %arg3: memref<323584xi32, #tpu.memory_space<hbm>>, %arg4: memref<10000x128xf32, #tpu.memory_space<hbm>>, %arg5: memref<2x10112x128xf32, #tpu.memory_space<hbm>>, %arg6: memref<128xi32, #tpu.memory_space<vmem>>, %arg7: memref<128xi32, #tpu.memory_space<vmem>>, %arg8: memref<128x128xf32, #tpu.memory_space<vmem>>, %arg9: memref<10112x128xf32, #tpu.memory_space<vmem_shared>>, %arg10: memref<!tpu.dma_semaphore, #tpu.memory_space<semaphore_mem>>) attributes {dimension_semantics = [#tpu.dimension_semantics<core_parallel>, #tpu.dimension_semantics<subcore_parallel>], iteration_bounds = array<i64: 2, 16>, scalar_prefetch = 0 : i64, scratch_operands = 5 : i64, tpu.core_type = #tpu.core_type<sc_vector_subcore>, window_params = [{transform_indices = #map}, {transform_indices = #map}, {transform_indices = #map1}, {transform_indices = #map2}]} {
    %mul3A = arith.constant 16 : i32
    %mul3A_0 = arith.muli %arg0, %mul3A : i32
    %add3A = arith.addi %mul3A_0, %arg1 : i32
    %scan3A = arith.constant 0 : i32
    %scan3A_1 = arith.constant 0 : i32
    %scan3A_2 = arith.constant 128 : i32
    %scan3A_3 = arith.addi %scan3A_1, %scan3A_2 : i32
    %scan3A_4 = arith.constant 1 : i32
    %scan3A_5 = scf.for %scan3A_29 = %scan3A_1 to %scan3A_3 step %scan3A_4 iter_args(%scan3A_30 = %scan3A) -> (i32)  : i32 {
      %scan3A_31 = arith.constant 0 : i32
      %scan3A_32 = arith.constant 0 : i32
      %scan3A_33 = arith.constant 8 : i32
      %scan3A_34 = arith.addi %scan3A_32, %scan3A_33 : i32
      %scan3A_35 = arith.constant 1 : i32
      %scan3A_36 = scf.for %scan3A_38 = %scan3A_32 to %scan3A_34 step %scan3A_35 iter_args(%scan3A_39 = %scan3A_31) -> (i32)  : i32 {
        %broadcast_in_dim3A = arith.constant 0.000000e+00 : f32
        %broadcast_in_dim3A_40 = vector.broadcast %broadcast_in_dim3A : f32 to vector<16xf32>
        %mul3A_41 = arith.constant 16 : i32
        %mul3A_42 = arith.muli %scan3A_38, %mul3A_41 : i32
        %swap3A = arith.index_cast %scan3A_29 : i32 to index
        %swap3A_43 = arith.index_cast %mul3A_42 : i32 to index
        %swap3A_44 = tpu.vector_load %arg8[%swap3A, %swap3A_43] {strides = array<i32>} : memref<128x128xf32, #tpu.memory_space<vmem>>, vector<1x16xf32>,
        %swap3A_45 = vector.shape_cast %swap3A_44 : vector<1x16xf32> to vector<16xf32>
        %swap3A_46 = vector.shape_cast %broadcast_in_dim3A_40 : vector<16xf32> to vector<1x16xf32>
        tpu.vector_store %arg8[%swap3A, %swap3A_43], %swap3A_46 {strides = array<i32>} : memref<128x128xf32, #tpu.memory_space<vmem>>, vector<1x16xf32>,
        %scan3A_47 = arith.constant 0 : i32
        scf.yield %scan3A_47 : i32
      }
      %scan3A_37 = arith.constant 8 : i32
      scf.yield %scan3A_36 : i32
    }
    %scan3A_6 = arith.constant 128 : i32
    %mul3A_7 = arith.constant 632 : i32
    %mul3A_8 = arith.muli %arg1, %mul3A_7 : i32
    %add3A_9 = arith.constant 0 : i32
    %add3A_10 = arith.addi %mul3A_8, %add3A_9 : i32
    "tpu.region"() ({
      %run_scoped3A = tpu.sem_alloc : memref<!tpu.dma_semaphore, #tpu.memory_space<semaphore_mem>>
      %dma_start3A = arith.constant 0 : i32
      %dma_start3A_29 = arith.constant 0 : i32
      %dma_start3A_30 = tpu.memref_slice %arg8[%dma_start3A, %dma_start3A_29] : memref<128x128xf32, #tpu.memory_space<vmem>> -> memref<128x128xf32, #tpu.memory_space<vmem>>
      %dma_start3A_31 = arith.constant 0 : i32
      %dma_start3A_32 = tpu.memref_slice %arg9[%add3A_10, %dma_start3A_31] : memref<10112x128xf32, #tpu.memory_space<vmem_shared>> -> memref<128x128xf32, #tpu.memory_space<vmem_shared>>
      %dma_start3A_33 = arith.constant 0 : i32
      %dma_start3A_34 = tpu.memref_slice %arg9[%add3A_10, %dma_start3A_33] : memref<10112x128xf32, #tpu.memory_space<vmem_shared>> -> memref<128x128xf32, #tpu.memory_space<vmem_shared>>
      %dma_start3A_35 = arith.constant 0 : i32
      %dma_start3A_36 = arith.constant 0 : i32
      %dma_start3A_37 = tpu.memref_slice %arg8[%dma_start3A_35, %dma_start3A_36] : memref<128x128xf32, #tpu.memory_space<vmem>> -> memref<128x128xf32, #tpu.memory_space<vmem>>
      tpu.enqueue_dma source(%dma_start3A_37 : memref<128x128xf32, #tpu.memory_space<vmem>>) target(%dma_start3A_34 : memref<128x128xf32, #tpu.memory_space<vmem_shared>>) target_semaphore(%run_scoped3A : memref<!tpu.dma_semaphore, #tpu.memory_space<semaphore_mem>>)
      %dma_wait3A = arith.constant 0 : i32
      %dma_wait3A_38 = arith.constant 0 : i32
      %dma_wait3A_39 = tpu.memref_slice %arg8[%dma_wait3A, %dma_wait3A_38] : memref<128x128xf32, #tpu.memory_space<vmem>> -> memref<128x128xf32, #tpu.memory_space<vmem>>
      %dma_wait3A_40 = arith.constant 0 : i32
      %dma_wait3A_41 = tpu.memref_slice %arg9[%add3A_10, %dma_wait3A_40] : memref<10112x128xf32, #tpu.memory_space<vmem_shared>> -> memref<128x128xf32, #tpu.memory_space<vmem_shared>>
      %dma_wait3A_42 = arith.constant 0 : i32
      %dma_wait3A_43 = tpu.memref_slice %arg9[%add3A_10, %dma_wait3A_42] : memref<10112x128xf32, #tpu.memory_space<vmem_shared>> -> memref<128x128xf32, #tpu.memory_space<vmem_shared>>
      %dma_wait3A_44 = arith.constant 0 : i32
      %dma_wait3A_45 = arith.constant 0 : i32
      %dma_wait3A_46 = tpu.memref_slice %arg8[%dma_wait3A_44, %dma_wait3A_45] : memref<128x128xf32, #tpu.memory_space<vmem>> -> memref<128x128xf32, #tpu.memory_space<vmem>>
      tpu.wait_dma2 semaphore(%run_scoped3A : memref<!tpu.dma_semaphore, #tpu.memory_space<semaphore_mem>>) src(%dma_wait3A_46 : memref<128x128xf32, #tpu.memory_space<vmem>>) dst(%dma_wait3A_43 : memref<128x128xf32, #tpu.memory_space<vmem_shared>>)
      tpu.yield
    }) : () -> ()
    %add3A_11 = arith.constant 128 : i32
    %add3A_12 = arith.addi %mul3A_8, %add3A_11 : i32
    "tpu.region"() ({
      %run_scoped3A = tpu.sem_alloc : memref<!tpu.dma_semaphore, #tpu.memory_space<semaphore_mem>>
      %dma_start3A = arith.constant 0 : i32
      %dma_start3A_29 = arith.constant 0 : i32
      %dma_start3A_30 = tpu.memref_slice %arg8[%dma_start3A, %dma_start3A_29] : memref<128x128xf32, #tpu.memory_space<vmem>> -> memref<128x128xf32, #tpu.memory_space<vmem>>
      %dma_start3A_31 = arith.constant 0 : i32
      %dma_start3A_32 = tpu.memref_slice %arg9[%add3A_12, %dma_start3A_31] : memref<10112x128xf32, #tpu.memory_space<vmem_shared>> -> memref<128x128xf32, #tpu.memory_space<vmem_shared>>
      %dma_start3A_33 = arith.constant 0 : i32
      %dma_start3A_34 = tpu.memref_slice %arg9[%add3A_12, %dma_start3A_33] : memref<10112x128xf32, #tpu.memory_space<vmem_shared>> -> memref<128x128xf32, #tpu.memory_space<vmem_shared>>
      %dma_start3A_35 = arith.constant 0 : i32
      %dma_start3A_36 = arith.constant 0 : i32
      %dma_start3A_37 = tpu.memref_slice %arg8[%dma_start3A_35, %dma_start3A_36] : memref<128x128xf32, #tpu.memory_space<vmem>> -> memref<128x128xf32, #tpu.memory_space<vmem>>
      tpu.enqueue_dma source(%dma_start3A_37 : memref<128x128xf32, #tpu.memory_space<vmem>>) target(%dma_start3A_34 : memref<128x128xf32, #tpu.memory_space<vmem_shared>>) target_semaphore(%run_scoped3A : memref<!tpu.dma_semaphore, #tpu.memory_space<semaphore_mem>>)
      %dma_wait3A = arith.constant 0 : i32
      %dma_wait3A_38 = arith.constant 0 : i32
      %dma_wait3A_39 = tpu.memref_slice %arg8[%dma_wait3A, %dma_wait3A_38] : memref<128x128xf32, #tpu.memory_space<vmem>> -> memref<128x128xf32, #tpu.memory_space<vmem>>
      %dma_wait3A_40 = arith.constant 0 : i32
      %dma_wait3A_41 = tpu.memref_slice %arg9[%add3A_12, %dma_wait3A_40] : memref<10112x128xf32, #tpu.memory_space<vmem_shared>> -> memref<128x128xf32, #tpu.memory_space<vmem_shared>>
      %dma_wait3A_42 = arith.constant 0 : i32
      %dma_wait3A_43 = tpu.memref_slice %arg9[%add3A_12, %dma_wait3A_42] : memref<10112x128xf32, #tpu.memory_space<vmem_shared>> -> memref<128x128xf32, #tpu.memory_space<vmem_shared>>
      %dma_wait3A_44 = arith.constant 0 : i32
      %dma_wait3A_45 = arith.constant 0 : i32
      %dma_wait3A_46 = tpu.memref_slice %arg8[%dma_wait3A_44, %dma_wait3A_45] : memref<128x128xf32, #tpu.memory_space<vmem>> -> memref<128x128xf32, #tpu.memory_space<vmem>>
      tpu.wait_dma2 semaphore(%run_scoped3A : memref<!tpu.dma_semaphore, #tpu.memory_space<semaphore_mem>>) src(%dma_wait3A_46 : memref<128x128xf32, #tpu.memory_space<vmem>>) dst(%dma_wait3A_43 : memref<128x128xf32, #tpu.memory_space<vmem_shared>>)
      tpu.yield
    }) : () -> ()
    %add3A_13 = arith.constant 256 : i32
    %add3A_14 = arith.addi %mul3A_8, %add3A_13 : i32
    "tpu.region"() ({
      %run_scoped3A = tpu.sem_alloc : memref<!tpu.dma_semaphore, #tpu.memory_space<semaphore_mem>>
      %dma_start3A = arith.constant 0 : i32
      %dma_start3A_29 = arith.constant 0 : i32
      %dma_start3A_30 = tpu.memref_slice %arg8[%dma_start3A, %dma_start3A_29] : memref<128x128xf32, #tpu.memory_space<vmem>> -> memref<128x128xf32, #tpu.memory_space<vmem>>
      %dma_start3A_31 = arith.constant 0 : i32
      %dma_start3A_32 = tpu.memref_slice %arg9[%add3A_14, %dma_start3A_31] : memref<10112x128xf32, #tpu.memory_space<vmem_shared>> -> memref<128x128xf32, #tpu.memory_space<vmem_shared>>
      %dma_start3A_33 = arith.constant 0 : i32
      %dma_start3A_34 = tpu.memref_slice %arg9[%add3A_14, %dma_start3A_33] : memref<10112x128xf32, #tpu.memory_space<vmem_shared>> -> memref<128x128xf32, #tpu.memory_space<vmem_shared>>
      %dma_start3A_35 = arith.constant 0 : i32
      %dma_start3A_36 = arith.constant 0 : i32
      %dma_start3A_37 = tpu.memref_slice %arg8[%dma_start3A_35, %dma_start3A_36] : memref<128x128xf32, #tpu.memory_space<vmem>> -> memref<128x128xf32, #tpu.memory_space<vmem>>
      tpu.enqueue_dma source(%dma_start3A_37 : memref<128x128xf32, #tpu.memory_space<vmem>>) target(%dma_start3A_34 : memref<128x128xf32, #tpu.memory_space<vmem_shared>>) target_semaphore(%run_scoped3A : memref<!tpu.dma_semaphore, #tpu.memory_space<semaphore_mem>>)
      %dma_wait3A = arith.constant 0 : i32
      %dma_wait3A_38 = arith.constant 0 : i32
      %dma_wait3A_39 = tpu.memref_slice %arg8[%dma_wait3A, %dma_wait3A_38] : memref<128x128xf32, #tpu.memory_space<vmem>> -> memref<128x128xf32, #tpu.memory_space<vmem>>
      %dma_wait3A_40 = arith.constant 0 : i32
      %dma_wait3A_41 = tpu.memref_slice %arg9[%add3A_14, %dma_wait3A_40] : memref<10112x128xf32, #tpu.memory_space<vmem_shared>> -> memref<128x128xf32, #tpu.memory_space<vmem_shared>>
      %dma_wait3A_42 = arith.constant 0 : i32
      %dma_wait3A_43 = tpu.memref_slice %arg9[%add3A_14, %dma_wait3A_42] : memref<10112x128xf32, #tpu.memory_space<vmem_shared>> -> memref<128x128xf32, #tpu.memory_space<vmem_shared>>
      %dma_wait3A_44 = arith.constant 0 : i32
      %dma_wait3A_45 = arith.constant 0 : i32
      %dma_wait3A_46 = tpu.memref_slice %arg8[%dma_wait3A_44, %dma_wait3A_45] : memref<128x128xf32, #tpu.memory_space<vmem>> -> memref<128x128xf32, #tpu.memory_space<vmem>>
      tpu.wait_dma2 semaphore(%run_scoped3A : memref<!tpu.dma_semaphore, #tpu.memory_space<semaphore_mem>>) src(%dma_wait3A_46 : memref<128x128xf32, #tpu.memory_space<vmem>>) dst(%dma_wait3A_43 : memref<128x128xf32, #tpu.memory_space<vmem_shared>>)
      tpu.yield
    }) : () -> ()
    %add3A_15 = arith.constant 384 : i32
    %add3A_16 = arith.addi %mul3A_8, %add3A_15 : i32
    "tpu.region"() ({
      %run_scoped3A = tpu.sem_alloc : memref<!tpu.dma_semaphore, #tpu.memory_space<semaphore_mem>>
      %dma_start3A = arith.constant 0 : i32
      %dma_start3A_29 = arith.constant 0 : i32
      %dma_start3A_30 = tpu.memref_slice %arg8[%dma_start3A, %dma_start3A_29] : memref<128x128xf32, #tpu.memory_space<vmem>> -> memref<128x128xf32, #tpu.memory_space<vmem>>
      %dma_start3A_31 = arith.constant 0 : i32
      %dma_start3A_32 = tpu.memref_slice %arg9[%add3A_16, %dma_start3A_31] : memref<10112x128xf32, #tpu.memory_space<vmem_shared>> -> memref<128x128xf32, #tpu.memory_space<vmem_shared>>
      %dma_start3A_33 = arith.constant 0 : i32
      %dma_start3A_34 = tpu.memref_slice %arg9[%add3A_16, %dma_start3A_33] : memref<10112x128xf32, #tpu.memory_space<vmem_shared>> -> memref<128x128xf32, #tpu.memory_space<vmem_shared>>
      %dma_start3A_35 = arith.constant 0 : i32
      %dma_start3A_36 = arith.constant 0 : i32
      %dma_start3A_37 = tpu.memref_slice %arg8[%dma_start3A_35, %dma_start3A_36] : memref<128x128xf32, #tpu.memory_space<vmem>> -> memref<128x128xf32, #tpu.memory_space<vmem>>
      tpu.enqueue_dma source(%dma_start3A_37 : memref<128x128xf32, #tpu.memory_space<vmem>>) target(%dma_start3A_34 : memref<128x128xf32, #tpu.memory_space<vmem_shared>>) target_semaphore(%run_scoped3A : memref<!tpu.dma_semaphore, #tpu.memory_space<semaphore_mem>>)
      %dma_wait3A = arith.constant 0 : i32
      %dma_wait3A_38 = arith.constant 0 : i32
      %dma_wait3A_39 = tpu.memref_slice %arg8[%dma_wait3A, %dma_wait3A_38] : memref<128x128xf32, #tpu.memory_space<vmem>> -> memref<128x128xf32, #tpu.memory_space<vmem>>
      %dma_wait3A_40 = arith.constant 0 : i32
      %dma_wait3A_41 = tpu.memref_slice %arg9[%add3A_16, %dma_wait3A_40] : memref<10112x128xf32, #tpu.memory_space<vmem_shared>> -> memref<128x128xf32, #tpu.memory_space<vmem_shared>>
      %dma_wait3A_42 = arith.constant 0 : i32
      %dma_wait3A_43 = tpu.memref_slice %arg9[%add3A_16, %dma_wait3A_42] : memref<10112x128xf32, #tpu.memory_space<vmem_shared>> -> memref<128x128xf32, #tpu.memory_space<vmem_shared>>
      %dma_wait3A_44 = arith.constant 0 : i32
      %dma_wait3A_45 = arith.constant 0 : i32
      %dma_wait3A_46 = tpu.memref_slice %arg8[%dma_wait3A_44, %dma_wait3A_45] : memref<128x128xf32, #tpu.memory_space<vmem>> -> memref<128x128xf32, #tpu.memory_space<vmem>>
      tpu.wait_dma2 semaphore(%run_scoped3A : memref<!tpu.dma_semaphore, #tpu.memory_space<semaphore_mem>>) src(%dma_wait3A_46 : memref<128x128xf32, #tpu.memory_space<vmem>>) dst(%dma_wait3A_43 : memref<128x128xf32, #tpu.memory_space<vmem_shared>>)
      tpu.yield
    }) : () -> ()
    %add3A_17 = arith.constant 512 : i32
    %add3A_18 = arith.addi %mul3A_8, %add3A_17 : i32
    "tpu.region"() ({
      %run_scoped3A = tpu.sem_alloc : memref<!tpu.dma_semaphore, #tpu.memory_space<semaphore_mem>>
      %dma_start3A = arith.constant 0 : i32
      %dma_start3A_29 = arith.constant 0 : i32
      %dma_start3A_30 = tpu.memref_slice %arg8[%dma_start3A, %dma_start3A_29] : memref<128x128xf32, #tpu.memory_space<vmem>> -> memref<120x128xf32, #tpu.memory_space<vmem>>
      %dma_start3A_31 = arith.constant 0 : i32
      %dma_start3A_32 = tpu.memref_slice %arg9[%add3A_18, %dma_start3A_31] : memref<10112x128xf32, #tpu.memory_space<vmem_shared>> -> memref<120x128xf32, #tpu.memory_space<vmem_shared>>
      %dma_start3A_33 = arith.constant 0 : i32
      %dma_start3A_34 = tpu.memref_slice %arg9[%add3A_18, %dma_start3A_33] : memref<10112x128xf32, #tpu.memory_space<vmem_shared>> -> memref<120x128xf32, #tpu.memory_space<vmem_shared>>
      %dma_start3A_35 = arith.constant 0 : i32
      %dma_start3A_36 = arith.constant 0 : i32
      %dma_start3A_37 = tpu.memref_slice %arg8[%dma_start3A_35, %dma_start3A_36] : memref<128x128xf32, #tpu.memory_space<vmem>> -> memref<120x128xf32, #tpu.memory_space<vmem>>
      tpu.enqueue_dma source(%dma_start3A_37 : memref<120x128xf32, #tpu.memory_space<vmem>>) target(%dma_start3A_34 : memref<120x128xf32, #tpu.memory_space<vmem_shared>>) target_semaphore(%run_scoped3A : memref<!tpu.dma_semaphore, #tpu.memory_space<semaphore_mem>>)
      %dma_wait3A = arith.constant 0 : i32
      %dma_wait3A_38 = arith.constant 0 : i32
      %dma_wait3A_39 = tpu.memref_slice %arg8[%dma_wait3A, %dma_wait3A_38] : memref<128x128xf32, #tpu.memory_space<vmem>> -> memref<120x128xf32, #tpu.memory_space<vmem>>
      %dma_wait3A_40 = arith.constant 0 : i32
      %dma_wait3A_41 = tpu.memref_slice %arg9[%add3A_18, %dma_wait3A_40] : memref<10112x128xf32, #tpu.memory_space<vmem_shared>> -> memref<120x128xf32, #tpu.memory_space<vmem_shared>>
      %dma_wait3A_42 = arith.constant 0 : i32
      %dma_wait3A_43 = tpu.memref_slice %arg9[%add3A_18, %dma_wait3A_42] : memref<10112x128xf32, #tpu.memory_space<vmem_shared>> -> memref<120x128xf32, #tpu.memory_space<vmem_shared>>
      %dma_wait3A_44 = arith.constant 0 : i32
      %dma_wait3A_45 = arith.constant 0 : i32
      %dma_wait3A_46 = tpu.memref_slice %arg8[%dma_wait3A_44, %dma_wait3A_45] : memref<128x128xf32, #tpu.memory_space<vmem>> -> memref<120x128xf32, #tpu.memory_space<vmem>>
      tpu.wait_dma2 semaphore(%run_scoped3A : memref<!tpu.dma_semaphore, #tpu.memory_space<semaphore_mem>>) src(%dma_wait3A_46 : memref<120x128xf32, #tpu.memory_space<vmem>>) dst(%dma_wait3A_43 : memref<120x128xf32, #tpu.memory_space<vmem_shared>>)
      tpu.yield
    }) : () -> ()
    %barrier3A = arith.constant 0 : index
    tpu.barrier barrier_id(%barrier3A)
    %mul3A_19 = arith.constant 10112 : i32
    %mul3A_20 = arith.muli %add3A, %mul3A_19 : i32
    %scan3A_21 = arith.constant 0 : i32
    %scan3A_22 = arith.constant 0 : i32
    %scan3A_23 = arith.constant 79 : i32
    %scan3A_24 = arith.addi %scan3A_22, %scan3A_23 : i32
    %scan3A_25 = arith.constant 1 : i32
    %scan3A_26 = scf.for %scan3A_29 = %scan3A_22 to %scan3A_24 step %scan3A_25 iter_args(%scan3A_30 = %scan3A_21) -> (i32)  : i32 {
      %mul3A_31 = arith.constant 128 : i32
      %mul3A_32 = arith.muli %scan3A_29, %mul3A_31 : i32
      %add3A_33 = arith.addi %mul3A_20, %mul3A_32 : i32
      %multiple_of3A = tpu.assume_multiple %add3A_33, 8 : i32
      "tpu.region"() ({
        %run_scoped3A = tpu.sem_alloc : memref<!tpu.dma_semaphore, #tpu.memory_space<semaphore_mem>>
        %dma_start3A_39 = tpu.memref_slice %arg2[%multiple_of3A] : memref<323584xi32, #tpu.memory_space<hbm>> -> memref<128xi32, #tpu.memory_space<hbm>>
        %dma_start3A_40 = tpu.memref_slice %arg2[%multiple_of3A] : memref<323584xi32, #tpu.memory_space<hbm>> -> memref<128xi32, #tpu.memory_space<hbm>>
        tpu.enqueue_dma source(%dma_start3A_40 : memref<128xi32, #tpu.memory_space<hbm>>) target(%arg6 : memref<128xi32, #tpu.memory_space<vmem>>) target_semaphore(%run_scoped3A : memref<!tpu.dma_semaphore, #tpu.memory_space<semaphore_mem>>)
        %dma_wait3A_41 = tpu.memref_slice %arg2[%multiple_of3A] : memref<323584xi32, #tpu.memory_space<hbm>> -> memref<128xi32, #tpu.memory_space<hbm>>
        %dma_wait3A_42 = tpu.memref_slice %arg2[%multiple_of3A] : memref<323584xi32, #tpu.memory_space<hbm>> -> memref<128xi32, #tpu.memory_space<hbm>>
        tpu.wait_dma2 semaphore(%run_scoped3A : memref<!tpu.dma_semaphore, #tpu.memory_space<semaphore_mem>>) src(%dma_wait3A_42 : memref<128xi32, #tpu.memory_space<hbm>>) dst(%arg6 : memref<128xi32, #tpu.memory_space<vmem>>)
        tpu.yield
      }) : () -> ()
      "tpu.region"() ({
        %run_scoped3A = tpu.sem_alloc : memref<!tpu.dma_semaphore, #tpu.memory_space<semaphore_mem>>
        %dma_start3A_39 = tpu.memref_slice %arg3[%multiple_of3A] : memref<323584xi32, #tpu.memory_space<hbm>> -> memref<128xi32, #tpu.memory_space<hbm>>
        %dma_start3A_40 = tpu.memref_slice %arg3[%multiple_of3A] : memref<323584xi32, #tpu.memory_space<hbm>> -> memref<128xi32, #tpu.memory_space<hbm>>
        tpu.enqueue_dma source(%dma_start3A_40 : memref<128xi32, #tpu.memory_space<hbm>>) target(%arg7 : memref<128xi32, #tpu.memory_space<vmem>>) target_semaphore(%run_scoped3A : memref<!tpu.dma_semaphore, #tpu.memory_space<semaphore_mem>>)
        %dma_wait3A_41 = tpu.memref_slice %arg3[%multiple_of3A] : memref<323584xi32, #tpu.memory_space<hbm>> -> memref<128xi32, #tpu.memory_space<hbm>>
        %dma_wait3A_42 = tpu.memref_slice %arg3[%multiple_of3A] : memref<323584xi32, #tpu.memory_space<hbm>> -> memref<128xi32, #tpu.memory_space<hbm>>
        tpu.wait_dma2 semaphore(%run_scoped3A : memref<!tpu.dma_semaphore, #tpu.memory_space<semaphore_mem>>) src(%dma_wait3A_42 : memref<128xi32, #tpu.memory_space<hbm>>) dst(%arg7 : memref<128xi32, #tpu.memory_space<vmem>>)
        tpu.yield
      }) : () -> ()
      %dma_start3A = arith.constant 0 : i32
      %dma_start3A_34 = arith.constant 0 : i32
      %dma_start3A_35 = tpu.memref_slice %arg4[%dma_start3A, %dma_start3A_34] : memref<10000x128xf32, #tpu.memory_space<hbm>> -> memref<10000x128xf32, #tpu.memory_space<hbm>>
      tpu.enqueue_indirect_dma source(%dma_start3A_35 : memref<10000x128xf32, #tpu.memory_space<hbm>>) target(%arg8 : memref<128x128xf32, #tpu.memory_space<vmem>>) offsets(%arg6 : memref<128xi32, #tpu.memory_space<vmem>>) semaphore(%arg10 : memref<!tpu.dma_semaphore, #tpu.memory_space<semaphore_mem>>)
      %dma_wait3A = arith.constant 0 : i32
      %dma_wait3A_36 = arith.constant 0 : i32
      %dma_wait3A_37 = tpu.memref_slice %arg4[%dma_wait3A, %dma_wait3A_36] : memref<10000x128xf32, #tpu.memory_space<hbm>> -> memref<10000x128xf32, #tpu.memory_space<hbm>>
      tpu.wait_indirect_dma semaphore(%arg10 : memref<!tpu.dma_semaphore, #tpu.memory_space<semaphore_mem>>) src(%dma_wait3A_37 : memref<10000x128xf32, #tpu.memory_space<hbm>>) dst(%arg8 : memref<128x128xf32, #tpu.memory_space<vmem>>)
      "tpu.region"() ({
        %run_scoped3A = tpu.sem_alloc : memref<!tpu.dma_semaphore, #tpu.memory_space<semaphore_mem>>
        %dma_start3A_39 = arith.constant 0 : i32
        %dma_start3A_40 = arith.constant 0 : i32
        %dma_start3A_41 = tpu.memref_slice %arg9[%dma_start3A_39, %dma_start3A_40] : memref<10112x128xf32, #tpu.memory_space<vmem_shared>> -> memref<10112x128xf32, #tpu.memory_space<vmem_shared>>
        tpu.enqueue_indirect_dma source(%arg8 : memref<128x128xf32, #tpu.memory_space<vmem>>) target(%dma_start3A_41 : memref<10112x128xf32, #tpu.memory_space<vmem_shared>>) offsets(%arg7 : memref<128xi32, #tpu.memory_space<vmem>>) semaphore(%run_scoped3A : memref<!tpu.dma_semaphore, #tpu.memory_space<semaphore_mem>>) {add = true}
        %dma_wait3A_42 = arith.constant 0 : i32
        %dma_wait3A_43 = arith.constant 0 : i32
        %dma_wait3A_44 = tpu.memref_slice %arg9[%dma_wait3A_42, %dma_wait3A_43] : memref<10112x128xf32, #tpu.memory_space<vmem_shared>> -> memref<10112x128xf32, #tpu.memory_space<vmem_shared>>
        tpu.wait_indirect_dma semaphore(%run_scoped3A : memref<!tpu.dma_semaphore, #tpu.memory_space<semaphore_mem>>) src(%arg8 : memref<128x128xf32, #tpu.memory_space<vmem>>) dst(%dma_wait3A_44 : memref<10112x128xf32, #tpu.memory_space<vmem_shared>>)
        tpu.yield
      }) : () -> ()
      %scan3A_38 = arith.constant 0 : i32
      scf.yield %scan3A_38 : i32
    }
    %scan3A_27 = arith.constant 79 : i32
    %barrier3A_28 = arith.constant 0 : index
    tpu.barrier barrier_id(%barrier3A_28)
    "tpu.region"() ({
      %run_scoped3A = tpu.sem_alloc : memref<!tpu.dma_semaphore, #tpu.memory_space<semaphore_mem>>
      %dma_start3A = arith.constant 0 : i32
      %dma_start3A_29 = tpu.memref_slice %arg5[%arg0, %mul3A_8, %dma_start3A] : memref<2x10112x128xf32, #tpu.memory_space<hbm>> -> memref<1x632x128xf32, #tpu.memory_space<hbm>>
      %dma_start3A_30 = tpu.memref_squeeze %dma_start3A_29 : memref<1x632x128xf32, #tpu.memory_space<hbm>> -> memref<632x128xf32, #tpu.memory_space<hbm>>
      %dma_start3A_31 = arith.constant 0 : i32
      %dma_start3A_32 = tpu.memref_slice %arg9[%mul3A_8, %dma_start3A_31] : memref<10112x128xf32, #tpu.memory_space<vmem_shared>> -> memref<632x128xf32, #tpu.memory_space<vmem_shared>>
      tpu.enqueue_dma source(%dma_start3A_32 : memref<632x128xf32, #tpu.memory_space<vmem_shared>>) target(%dma_start3A_30 : memref<632x128xf32, #tpu.memory_space<hbm>>) target_semaphore(%run_scoped3A : memref<!tpu.dma_semaphore, #tpu.memory_space<semaphore_mem>>)
      %dma_wait3A = arith.constant 0 : i32
      %dma_wait3A_33 = tpu.memref_slice %arg5[%arg0, %mul3A_8, %dma_wait3A] : memref<2x10112x128xf32, #tpu.memory_space<hbm>> -> memref<1x632x128xf32, #tpu.memory_space<hbm>>
      %dma_wait3A_34 = tpu.memref_squeeze %dma_wait3A_33 : memref<1x632x128xf32, #tpu.memory_space<hbm>> -> memref<632x128xf32, #tpu.memory_space<hbm>>
      %dma_wait3A_35 = arith.constant 0 : i32
      %dma_wait3A_36 = tpu.memref_slice %arg9[%mul3A_8, %dma_wait3A_35] : memref<10112x128xf32, #tpu.memory_space<vmem_shared>> -> memref<632x128xf32, #tpu.memory_space<vmem_shared>>
      tpu.wait_dma2 semaphore(%run_scoped3A : memref<!tpu.dma_semaphore, #tpu.memory_space<semaphore_mem>>) src(%dma_wait3A_36 : memref<632x128xf32, #tpu.memory_space<vmem_shared>>) dst(%dma_wait3A_34 : memref<632x128xf32, #tpu.memory_space<hbm>>)
      tpu.yield
    }) : () -> ()
    return
  }
}

#map = affine_map<(d0, d1) -> (0)>
#map1 = affine_map<(d0, d1) -> (0, 0)>
#map2 = affine_map<(d0, d1) -> (0, 0, 0)>
module attributes {stable_mosaic.version = 14 : i64} {
  func.func @sc_kernel(%arg0: i32, %arg1: i32, %arg2: memref<323584xi32, #tpu.memory_space<hbm>>, %arg3: memref<323584xi32, #tpu.memory_space<hbm>>, %arg4: memref<10000x128xf32, #tpu.memory_space<hbm>>, %arg5: memref<2x10112x128xf32, #tpu.memory_space<hbm>>, %arg6: memref<128xi32, #tpu.memory_space<vmem>>, %arg7: memref<128xi32, #tpu.memory_space<vmem>>, %arg8: memref<128x128xf32, #tpu.memory_space<vmem>>, %arg9: memref<10112x128xf32, #tpu.memory_space<vmem_shared>>, %arg10: memref<!tpu.dma_semaphore, #tpu.memory_space<semaphore_mem>>) attributes {dimension_semantics = [#tpu.dimension_semantics<core_parallel>, #tpu.dimension_semantics<subcore_parallel>], iteration_bounds = array<i64: 2, 16>, scalar_prefetch = 0 : i64, scratch_operands = 5 : i64, tpu.core_type = #tpu.core_type<sc_vector_subcore>, window_params = [{transform_indices = #map}, {transform_indices = #map}, {transform_indices = #map1}, {transform_indices = #map2}]} {
    %mul3A = arith.constant 16 : i32
    %mul3A_0 = arith.muli %arg0, %mul3A : i32
    %add3A = arith.addi %mul3A_0, %arg1 : i32
    %scan3A = arith.constant 0 : i32
    %scan3A_1 = arith.constant 0 : i32
    %scan3A_2 = arith.constant 128 : i32
    %scan3A_3 = arith.addi %scan3A_1, %scan3A_2 : i32
    %scan3A_4 = arith.constant 1 : i32
    %scan3A_5 = scf.for %scan3A_29 = %scan3A_1 to %scan3A_3 step %scan3A_4 iter_args(%scan3A_30 = %scan3A) -> (i32)  : i32 {
      %scan3A_31 = arith.constant 0 : i32
      %scan3A_32 = arith.constant 0 : i32
      %scan3A_33 = arith.constant 8 : i32
      %scan3A_34 = arith.addi %scan3A_32, %scan3A_33 : i32
      %scan3A_35 = arith.constant 1 : i32
      %scan3A_36 = scf.for %scan3A_38 = %scan3A_32 to %scan3A_34 step %scan3A_35 iter_args(%scan3A_39 = %scan3A_31) -> (i32)  : i32 {
        %broadcast_in_dim3A = arith.constant 0.000000e+00 : f32
        %broadcast_in_dim3A_40 = vector.broadcast %broadcast_in_dim3A : f32 to vector<16xf32>
        %mul3A_41 = arith.constant 16 : i32
        %mul3A_42 = arith.muli %scan3A_38, %mul3A_41 : i32
        %swap3A = arith.index_cast %scan3A_29 : i32 to index
        %swap3A_43 = arith.index_cast %mul3A_42 : i32 to index
        %swap3A_44 = tpu.vector_load %arg8[%swap3A, %swap3A_43] {strides = array<i32>} : memref<128x128xf32, #tpu.memory_space<vmem>>, vector<1x16xf32>,
        %swap3A_45 = vector.shape_cast %swap3A_44 : vector<1x16xf32> to vector<16xf32>
        %swap3A_46 = vector.shape_cast %broadcast_in_dim3A_40 : vector<16xf32> to vector<1x16xf32>
        tpu.vector_store %arg8[%swap3A, %swap3A_43], %swap3A_46 {strides = array<i32>} : memref<128x128xf32, #tpu.memory_space<vmem>>, vector<1x16xf32>,
        %scan3A_47 = arith.constant 0 : i32
        scf.yield %scan3A_47 : i32
      }
      %scan3A_37 = arith.constant 8 : i32
      scf.yield %scan3A_36 : i32
    }
    %scan3A_6 = arith.constant 128 : i32
    %mul3A_7 = arith.constant 632 : i32
    %mul3A_8 = arith.muli %arg1, %mul3A_7 : i32
    %add3A_9 = arith.constant 0 : i32
    %add3A_10 = arith.addi %mul3A_8, %add3A_9 : i32
    "tpu.region"() ({
      %run_scoped3A = tpu.sem_alloc : memref<!tpu.dma_semaphore, #tpu.memory_space<semaphore_mem>>
      %dma_start3A = arith.constant 0 : i32
      %dma_start3A_29 = arith.constant 0 : i32
      %dma_start3A_30 = tpu.memref_slice %arg8[%dma_start3A, %dma_start3A_29] : memref<128x128xf32, #tpu.memory_space<vmem>> -> memref<128x128xf32, #tpu.memory_space<vmem>>
      %dma_start3A_31 = arith.constant 0 : i32
      %dma_start3A_32 = tpu.memref_slice %arg9[%add3A_10, %dma_start3A_31] : memref<10112x128xf32, #tpu.memory_space<vmem_shared>> -> memref<128x128xf32, #tpu.memory_space<vmem_shared>>
      %dma_start3A_33 = arith.constant 0 : i32
      %dma_start3A_34 = tpu.memref_slice %arg9[%add3A_10, %dma_start3A_33] : memref<10112x128xf32, #tpu.memory_space<vmem_shared>> -> memref<128x128xf32, #tpu.memory_space<vmem_shared>>
      %dma_start3A_35 = arith.constant 0 : i32
      %dma_start3A_36 = arith.constant 0 : i32
      %dma_start3A_37 = tpu.memref_slice %arg8[%dma_start3A_35, %dma_start3A_36] : memref<128x128xf32, #tpu.memory_space<vmem>> -> memref<128x128xf32, #tpu.memory_space<vmem>>
      tpu.enqueue_dma source(%dma_start3A_37 : memref<128x128xf32, #tpu.memory_space<vmem>>) target(%dma_start3A_34 : memref<128x128xf32, #tpu.memory_space<vmem_shared>>) target_semaphore(%run_scoped3A : memref<!tpu.dma_semaphore, #tpu.memory_space<semaphore_mem>>)
      %dma_wait3A = arith.constant 0 : i32
      %dma_wait3A_38 = arith.constant 0 : i32
      %dma_wait3A_39 = tpu.memref_slice %arg8[%dma_wait3A, %dma_wait3A_38] : memref<128x128xf32, #tpu.memory_space<vmem>> -> memref<128x128xf32, #tpu.memory_space<vmem>>
      %dma_wait3A_40 = arith.constant 0 : i32
      %dma_wait3A_41 = tpu.memref_slice %arg9[%add3A_10, %dma_wait3A_40] : memref<10112x128xf32, #tpu.memory_space<vmem_shared>> -> memref<128x128xf32, #tpu.memory_space<vmem_shared>>
      %dma_wait3A_42 = arith.constant 0 : i32
      %dma_wait3A_43 = tpu.memref_slice %arg9[%add3A_10, %dma_wait3A_42] : memref<10112x128xf32, #tpu.memory_space<vmem_shared>> -> memref<128x128xf32, #tpu.memory_space<vmem_shared>>
      %dma_wait3A_44 = arith.constant 0 : i32
      %dma_wait3A_45 = arith.constant 0 : i32
      %dma_wait3A_46 = tpu.memref_slice %arg8[%dma_wait3A_44, %dma_wait3A_45] : memref<128x128xf32, #tpu.memory_space<vmem>> -> memref<128x128xf32, #tpu.memory_space<vmem>>
      tpu.wait_dma2 semaphore(%run_scoped3A : memref<!tpu.dma_semaphore, #tpu.memory_space<semaphore_mem>>) src(%dma_wait3A_46 : memref<128x128xf32, #tpu.memory_space<vmem>>) dst(%dma_wait3A_43 : memref<128x128xf32, #tpu.memory_space<vmem_shared>>)
      tpu.yield
    }) : () -> ()
    %add3A_11 = arith.constant 128 : i32
    %add3A_12 = arith.addi %mul3A_8, %add3A_11 : i32
    "tpu.region"() ({
      %run_scoped3A = tpu.sem_alloc : memref<!tpu.dma_semaphore, #tpu.memory_space<semaphore_mem>>
      %dma_start3A = arith.constant 0 : i32
      %dma_start3A_29 = arith.constant 0 : i32
      %dma_start3A_30 = tpu.memref_slice %arg8[%dma_start3A, %dma_start3A_29] : memref<128x128xf32, #tpu.memory_space<vmem>> -> memref<128x128xf32, #tpu.memory_space<vmem>>
      %dma_start3A_31 = arith.constant 0 : i32
      %dma_start3A_32 = tpu.memref_slice %arg9[%add3A_12, %dma_start3A_31] : memref<10112x128xf32, #tpu.memory_space<vmem_shared>> -> memref<128x128xf32, #tpu.memory_space<vmem_shared>>
      %dma_start3A_33 = arith.constant 0 : i32
      %dma_start3A_34 = tpu.memref_slice %arg9[%add3A_12, %dma_start3A_33] : memref<10112x128xf32, #tpu.memory_space<vmem_shared>> -> memref<128x128xf32, #tpu.memory_space<vmem_shared>>
      %dma_start3A_35 = arith.constant 0 : i32
      %dma_start3A_36 = arith.constant 0 : i32
      %dma_start3A_37 = tpu.memref_slice %arg8[%dma_start3A_35, %dma_start3A_36] : memref<128x128xf32, #tpu.memory_space<vmem>> -> memref<128x128xf32, #tpu.memory_space<vmem>>
      tpu.enqueue_dma source(%dma_start3A_37 : memref<128x128xf32, #tpu.memory_space<vmem>>) target(%dma_start3A_34 : memref<128x128xf32, #tpu.memory_space<vmem_shared>>) target_semaphore(%run_scoped3A : memref<!tpu.dma_semaphore, #tpu.memory_space<semaphore_mem>>)
      %dma_wait3A = arith.constant 0 : i32
      %dma_wait3A_38 = arith.constant 0 : i32
      %dma_wait3A_39 = tpu.memref_slice %arg8[%dma_wait3A, %dma_wait3A_38] : memref<128x128xf32, #tpu.memory_space<vmem>> -> memref<128x128xf32, #tpu.memory_space<vmem>>
      %dma_wait3A_40 = arith.constant 0 : i32
      %dma_wait3A_41 = tpu.memref_slice %arg9[%add3A_12, %dma_wait3A_40] : memref<10112x128xf32, #tpu.memory_space<vmem_shared>> -> memref<128x128xf32, #tpu.memory_space<vmem_shared>>
      %dma_wait3A_42 = arith.constant 0 : i32
      %dma_wait3A_43 = tpu.memref_slice %arg9[%add3A_12, %dma_wait3A_42] : memref<10112x128xf32, #tpu.memory_space<vmem_shared>> -> memref<128x128xf32, #tpu.memory_space<vmem_shared>>
      %dma_wait3A_44 = arith.constant 0 : i32
      %dma_wait3A_45 = arith.constant 0 : i32
      %dma_wait3A_46 = tpu.memref_slice %arg8[%dma_wait3A_44, %dma_wait3A_45] : memref<128x128xf32, #tpu.memory_space<vmem>> -> memref<128x128xf32, #tpu.memory_space<vmem>>
      tpu.wait_dma2 semaphore(%run_scoped3A : memref<!tpu.dma_semaphore, #tpu.memory_space<semaphore_mem>>) src(%dma_wait3A_46 : memref<128x128xf32, #tpu.memory_space<vmem>>) dst(%dma_wait3A_43 : memref<128x128xf32, #tpu.memory_space<vmem_shared>>)
      tpu.yield
    }) : () -> ()
    %add3A_13 = arith.constant 256 : i32
    %add3A_14 = arith.addi %mul3A_8, %add3A_13 : i32
    "tpu.region"() ({
      %run_scoped3A = tpu.sem_alloc : memref<!tpu.dma_semaphore, #tpu.memory_space<semaphore_mem>>
      %dma_start3A = arith.constant 0 : i32
      %dma_start3A_29 = arith.constant 0 : i32
      %dma_start3A_30 = tpu.memref_slice %arg8[%dma_start3A, %dma_start3A_29] : memref<128x128xf32, #tpu.memory_space<vmem>> -> memref<128x128xf32, #tpu.memory_space<vmem>>
      %dma_start3A_31 = arith.constant 0 : i32
      %dma_start3A_32 = tpu.memref_slice %arg9[%add3A_14, %dma_start3A_31] : memref<10112x128xf32, #tpu.memory_space<vmem_shared>> -> memref<128x128xf32, #tpu.memory_space<vmem_shared>>
      %dma_start3A_33 = arith.constant 0 : i32
      %dma_start3A_34 = tpu.memref_slice %arg9[%add3A_14, %dma_start3A_33] : memref<10112x128xf32, #tpu.memory_space<vmem_shared>> -> memref<128x128xf32, #tpu.memory_space<vmem_shared>>
      %dma_start3A_35 = arith.constant 0 : i32
      %dma_start3A_36 = arith.constant 0 : i32
      %dma_start3A_37 = tpu.memref_slice %arg8[%dma_start3A_35, %dma_start3A_36] : memref<128x128xf32, #tpu.memory_space<vmem>> -> memref<128x128xf32, #tpu.memory_space<vmem>>
      tpu.enqueue_dma source(%dma_start3A_37 : memref<128x128xf32, #tpu.memory_space<vmem>>) target(%dma_start3A_34 : memref<128x128xf32, #tpu.memory_space<vmem_shared>>) target_semaphore(%run_scoped3A : memref<!tpu.dma_semaphore, #tpu.memory_space<semaphore_mem>>)
      %dma_wait3A = arith.constant 0 : i32
      %dma_wait3A_38 = arith.constant 0 : i32
      %dma_wait3A_39 = tpu.memref_slice %arg8[%dma_wait3A, %dma_wait3A_38] : memref<128x128xf32, #tpu.memory_space<vmem>> -> memref<128x128xf32, #tpu.memory_space<vmem>>
      %dma_wait3A_40 = arith.constant 0 : i32
      %dma_wait3A_41 = tpu.memref_slice %arg9[%add3A_14, %dma_wait3A_40] : memref<10112x128xf32, #tpu.memory_space<vmem_shared>> -> memref<128x128xf32, #tpu.memory_space<vmem_shared>>
      %dma_wait3A_42 = arith.constant 0 : i32
      %dma_wait3A_43 = tpu.memref_slice %arg9[%add3A_14, %dma_wait3A_42] : memref<10112x128xf32, #tpu.memory_space<vmem_shared>> -> memref<128x128xf32, #tpu.memory_space<vmem_shared>>
      %dma_wait3A_44 = arith.constant 0 : i32
      %dma_wait3A_45 = arith.constant 0 : i32
      %dma_wait3A_46 = tpu.memref_slice %arg8[%dma_wait3A_44, %dma_wait3A_45] : memref<128x128xf32, #tpu.memory_space<vmem>> -> memref<128x128xf32, #tpu.memory_space<vmem>>
      tpu.wait_dma2 semaphore(%run_scoped3A : memref<!tpu.dma_semaphore, #tpu.memory_space<semaphore_mem>>) src(%dma_wait3A_46 : memref<128x128xf32, #tpu.memory_space<vmem>>) dst(%dma_wait3A_43 : memref<128x128xf32, #tpu.memory_space<vmem_shared>>)
      tpu.yield
    }) : () -> ()
    %add3A_15 = arith.constant 384 : i32
    %add3A_16 = arith.addi %mul3A_8, %add3A_15 : i32
    "tpu.region"() ({
      %run_scoped3A = tpu.sem_alloc : memref<!tpu.dma_semaphore, #tpu.memory_space<semaphore_mem>>
      %dma_start3A = arith.constant 0 : i32
      %dma_start3A_29 = arith.constant 0 : i32
      %dma_start3A_30 = tpu.memref_slice %arg8[%dma_start3A, %dma_start3A_29] : memref<128x128xf32, #tpu.memory_space<vmem>> -> memref<128x128xf32, #tpu.memory_space<vmem>>
      %dma_start3A_31 = arith.constant 0 : i32
      %dma_start3A_32 = tpu.memref_slice %arg9[%add3A_16, %dma_start3A_31] : memref<10112x128xf32, #tpu.memory_space<vmem_shared>> -> memref<128x128xf32, #tpu.memory_space<vmem_shared>>
      %dma_start3A_33 = arith.constant 0 : i32
      %dma_start3A_34 = tpu.memref_slice %arg9[%add3A_16, %dma_start3A_33] : memref<10112x128xf32, #tpu.memory_space<vmem_shared>> -> memref<128x128xf32, #tpu.memory_space<vmem_shared>>
      %dma_start3A_35 = arith.constant 0 : i32
      %dma_start3A_36 = arith.constant 0 : i32
      %dma_start3A_37 = tpu.memref_slice %arg8[%dma_start3A_35, %dma_start3A_36] : memref<128x128xf32, #tpu.memory_space<vmem>> -> memref<128x128xf32, #tpu.memory_space<vmem>>
      tpu.enqueue_dma source(%dma_start3A_37 : memref<128x128xf32, #tpu.memory_space<vmem>>) target(%dma_start3A_34 : memref<128x128xf32, #tpu.memory_space<vmem_shared>>) target_semaphore(%run_scoped3A : memref<!tpu.dma_semaphore, #tpu.memory_space<semaphore_mem>>)
      %dma_wait3A = arith.constant 0 : i32
      %dma_wait3A_38 = arith.constant 0 : i32
      %dma_wait3A_39 = tpu.memref_slice %arg8[%dma_wait3A, %dma_wait3A_38] : memref<128x128xf32, #tpu.memory_space<vmem>> -> memref<128x128xf32, #tpu.memory_space<vmem>>
      %dma_wait3A_40 = arith.constant 0 : i32
      %dma_wait3A_41 = tpu.memref_slice %arg9[%add3A_16, %dma_wait3A_40] : memref<10112x128xf32, #tpu.memory_space<vmem_shared>> -> memref<128x128xf32, #tpu.memory_space<vmem_shared>>
      %dma_wait3A_42 = arith.constant 0 : i32
      %dma_wait3A_43 = tpu.memref_slice %arg9[%add3A_16, %dma_wait3A_42] : memref<10112x128xf32, #tpu.memory_space<vmem_shared>> -> memref<128x128xf32, #tpu.memory_space<vmem_shared>>
      %dma_wait3A_44 = arith.constant 0 : i32
      %dma_wait3A_45 = arith.constant 0 : i32
      %dma_wait3A_46 = tpu.memref_slice %arg8[%dma_wait3A_44, %dma_wait3A_45] : memref<128x128xf32, #tpu.memory_space<vmem>> -> memref<128x128xf32, #tpu.memory_space<vmem>>
      tpu.wait_dma2 semaphore(%run_scoped3A : memref<!tpu.dma_semaphore, #tpu.memory_space<semaphore_mem>>) src(%dma_wait3A_46 : memref<128x128xf32, #tpu.memory_space<vmem>>) dst(%dma_wait3A_43 : memref<128x128xf32, #tpu.memory_space<vmem_shared>>)
      tpu.yield
    }) : () -> ()
    %add3A_17 = arith.constant 512 : i32
    %add3A_18 = arith.addi %mul3A_8, %add3A_17 : i32
    "tpu.region"() ({
      %run_scoped3A = tpu.sem_alloc : memref<!tpu.dma_semaphore, #tpu.memory_space<semaphore_mem>>
      %dma_start3A = arith.constant 0 : i32
      %dma_start3A_29 = arith.constant 0 : i32
      %dma_start3A_30 = tpu.memref_slice %arg8[%dma_start3A, %dma_start3A_29] : memref<128x128xf32, #tpu.memory_space<vmem>> -> memref<120x128xf32, #tpu.memory_space<vmem>>
      %dma_start3A_31 = arith.constant 0 : i32
      %dma_start3A_32 = tpu.memref_slice %arg9[%add3A_18, %dma_start3A_31] : memref<10112x128xf32, #tpu.memory_space<vmem_shared>> -> memref<120x128xf32, #tpu.memory_space<vmem_shared>>
      %dma_start3A_33 = arith.constant 0 : i32
      %dma_start3A_34 = tpu.memref_slice %arg9[%add3A_18, %dma_start3A_33] : memref<10112x128xf32, #tpu.memory_space<vmem_shared>> -> memref<120x128xf32, #tpu.memory_space<vmem_shared>>
      %dma_start3A_35 = arith.constant 0 : i32
      %dma_start3A_36 = arith.constant 0 : i32
      %dma_start3A_37 = tpu.memref_slice %arg8[%dma_start3A_35, %dma_start3A_36] : memref<128x128xf32, #tpu.memory_space<vmem>> -> memref<120x128xf32, #tpu.memory_space<vmem>>
      tpu.enqueue_dma source(%dma_start3A_37 : memref<120x128xf32, #tpu.memory_space<vmem>>) target(%dma_start3A_34 : memref<120x128xf32, #tpu.memory_space<vmem_shared>>) target_semaphore(%run_scoped3A : memref<!tpu.dma_semaphore, #tpu.memory_space<semaphore_mem>>)
      %dma_wait3A = arith.constant 0 : i32
      %dma_wait3A_38 = arith.constant 0 : i32
      %dma_wait3A_39 = tpu.memref_slice %arg8[%dma_wait3A, %dma_wait3A_38] : memref<128x128xf32, #tpu.memory_space<vmem>> -> memref<120x128xf32, #tpu.memory_space<vmem>>
      %dma_wait3A_40 = arith.constant 0 : i32
      %dma_wait3A_41 = tpu.memref_slice %arg9[%add3A_18, %dma_wait3A_40] : memref<10112x128xf32, #tpu.memory_space<vmem_shared>> -> memref<120x128xf32, #tpu.memory_space<vmem_shared>>
      %dma_wait3A_42 = arith.constant 0 : i32
      %dma_wait3A_43 = tpu.memref_slice %arg9[%add3A_18, %dma_wait3A_42] : memref<10112x128xf32, #tpu.memory_space<vmem_shared>> -> memref<120x128xf32, #tpu.memory_space<vmem_shared>>
      %dma_wait3A_44 = arith.constant 0 : i32
      %dma_wait3A_45 = arith.constant 0 : i32
      %dma_wait3A_46 = tpu.memref_slice %arg8[%dma_wait3A_44, %dma_wait3A_45] : memref<128x128xf32, #tpu.memory_space<vmem>> -> memref<120x128xf32, #tpu.memory_space<vmem>>
      tpu.wait_dma2 semaphore(%run_scoped3A : memref<!tpu.dma_semaphore, #tpu.memory_space<semaphore_mem>>) src(%dma_wait3A_46 : memref<120x128xf32, #tpu.memory_space<vmem>>) dst(%dma_wait3A_43 : memref<120x128xf32, #tpu.memory_space<vmem_shared>>)
      tpu.yield
    }) : () -> ()
    %barrier3A = arith.constant 0 : index
    tpu.barrier barrier_id(%barrier3A)
    %mul3A_19 = arith.constant 10112 : i32
    %mul3A_20 = arith.muli %add3A, %mul3A_19 : i32
    %scan3A_21 = arith.constant 0 : i32
    %scan3A_22 = arith.constant 0 : i32
    %scan3A_23 = arith.constant 79 : i32
    %scan3A_24 = arith.addi %scan3A_22, %scan3A_23 : i32
    %scan3A_25 = arith.constant 1 : i32
    %scan3A_26 = scf.for %scan3A_29 = %scan3A_22 to %scan3A_24 step %scan3A_25 iter_args(%scan3A_30 = %scan3A_21) -> (i32)  : i32 {
      %mul3A_31 = arith.constant 128 : i32
      %mul3A_32 = arith.muli %scan3A_29, %mul3A_31 : i32
      %add3A_33 = arith.addi %mul3A_20, %mul3A_32 : i32
      %multiple_of3A = tpu.assume_multiple %add3A_33, 8 : i32
      "tpu.region"() ({
        %run_scoped3A = tpu.sem_alloc : memref<!tpu.dma_semaphore, #tpu.memory_space<semaphore_mem>>
        %dma_start3A_39 = tpu.memref_slice %arg2[%multiple_of3A] : memref<323584xi32, #tpu.memory_space<hbm>> -> memref<128xi32, #tpu.memory_space<hbm>>
        %dma_start3A_40 = tpu.memref_slice %arg2[%multiple_of3A] : memref<323584xi32, #tpu.memory_space<hbm>> -> memref<128xi32, #tpu.memory_space<hbm>>
        tpu.enqueue_dma source(%dma_start3A_40 : memref<128xi32, #tpu.memory_space<hbm>>) target(%arg6 : memref<128xi32, #tpu.memory_space<vmem>>) target_semaphore(%run_scoped3A : memref<!tpu.dma_semaphore, #tpu.memory_space<semaphore_mem>>)
        %dma_wait3A_41 = tpu.memref_slice %arg2[%multiple_of3A] : memref<323584xi32, #tpu.memory_space<hbm>> -> memref<128xi32, #tpu.memory_space<hbm>>
        %dma_wait3A_42 = tpu.memref_slice %arg2[%multiple_of3A] : memref<323584xi32, #tpu.memory_space<hbm>> -> memref<128xi32, #tpu.memory_space<hbm>>
        tpu.wait_dma2 semaphore(%run_scoped3A : memref<!tpu.dma_semaphore, #tpu.memory_space<semaphore_mem>>) src(%dma_wait3A_42 : memref<128xi32, #tpu.memory_space<hbm>>) dst(%arg6 : memref<128xi32, #tpu.memory_space<vmem>>)
        tpu.yield
      }) : () -> ()
      "tpu.region"() ({
        %run_scoped3A = tpu.sem_alloc : memref<!tpu.dma_semaphore, #tpu.memory_space<semaphore_mem>>
        %dma_start3A_39 = tpu.memref_slice %arg3[%multiple_of3A] : memref<323584xi32, #tpu.memory_space<hbm>> -> memref<128xi32, #tpu.memory_space<hbm>>
        %dma_start3A_40 = tpu.memref_slice %arg3[%multiple_of3A] : memref<323584xi32, #tpu.memory_space<hbm>> -> memref<128xi32, #tpu.memory_space<hbm>>
        tpu.enqueue_dma source(%dma_start3A_40 : memref<128xi32, #tpu.memory_space<hbm>>) target(%arg7 : memref<128xi32, #tpu.memory_space<vmem>>) target_semaphore(%run_scoped3A : memref<!tpu.dma_semaphore, #tpu.memory_space<semaphore_mem>>)
        %dma_wait3A_41 = tpu.memref_slice %arg3[%multiple_of3A] : memref<323584xi32, #tpu.memory_space<hbm>> -> memref<128xi32, #tpu.memory_space<hbm>>
        %dma_wait3A_42 = tpu.memref_slice %arg3[%multiple_of3A] : memref<323584xi32, #tpu.memory_space<hbm>> -> memref<128xi32, #tpu.memory_space<hbm>>
        tpu.wait_dma2 semaphore(%run_scoped3A : memref<!tpu.dma_semaphore, #tpu.memory_space<semaphore_mem>>) src(%dma_wait3A_42 : memref<128xi32, #tpu.memory_space<hbm>>) dst(%arg7 : memref<128xi32, #tpu.memory_space<vmem>>)
        tpu.yield
      }) : () -> ()
      %dma_start3A = arith.constant 0 : i32
      %dma_start3A_34 = arith.constant 0 : i32
      %dma_start3A_35 = tpu.memref_slice %arg4[%dma_start3A, %dma_start3A_34] : memref<10000x128xf32, #tpu.memory_space<hbm>> -> memref<10000x128xf32, #tpu.memory_space<hbm>>
      tpu.enqueue_indirect_dma source(%dma_start3A_35 : memref<10000x128xf32, #tpu.memory_space<hbm>>) target(%arg8 : memref<128x128xf32, #tpu.memory_space<vmem>>) offsets(%arg6 : memref<128xi32, #tpu.memory_space<vmem>>) semaphore(%arg10 : memref<!tpu.dma_semaphore, #tpu.memory_space<semaphore_mem>>)
      %dma_wait3A = arith.constant 0 : i32
      %dma_wait3A_36 = arith.constant 0 : i32
      %dma_wait3A_37 = tpu.memref_slice %arg4[%dma_wait3A, %dma_wait3A_36] : memref<10000x128xf32, #tpu.memory_space<hbm>> -> memref<10000x128xf32, #tpu.memory_space<hbm>>
      tpu.wait_indirect_dma semaphore(%arg10 : memref<!tpu.dma_semaphore, #tpu.memory_space<semaphore_mem>>) src(%dma_wait3A_37 : memref<10000x128xf32, #tpu.memory_space<hbm>>) dst(%arg8 : memref<128x128xf32, #tpu.memory_space<vmem>>)
      "tpu.region"() ({
        %run_scoped3A = tpu.sem_alloc : memref<!tpu.dma_semaphore, #tpu.memory_space<semaphore_mem>>
        %dma_start3A_39 = arith.constant 0 : i32
        %dma_start3A_40 = arith.constant 0 : i32
        %dma_start3A_41 = tpu.memref_slice %arg9[%dma_start3A_39, %dma_start3A_40] : memref<10112x128xf32, #tpu.memory_space<vmem_shared>> -> memref<10112x128xf32, #tpu.memory_space<vmem_shared>>
        tpu.enqueue_indirect_dma source(%arg8 : memref<128x128xf32, #tpu.memory_space<vmem>>) target(%dma_start3A_41 : memref<10112x128xf32, #tpu.memory_space<vmem_shared>>) offsets(%arg7 : memref<128xi32, #tpu.memory_space<vmem>>) semaphore(%run_scoped3A : memref<!tpu.dma_semaphore, #tpu.memory_space<semaphore_mem>>) {add = true}
        %dma_wait3A_42 = arith.constant 0 : i32
        %dma_wait3A_43 = arith.constant 0 : i32
        %dma_wait3A_44 = tpu.memref_slice %arg9[%dma_wait3A_42, %dma_wait3A_43] : memref<10112x128xf32, #tpu.memory_space<vmem_shared>> -> memref<10112x128xf32, #tpu.memory_space<vmem_shared>>
        tpu.wait_indirect_dma semaphore(%run_scoped3A : memref<!tpu.dma_semaphore, #tpu.memory_space<semaphore_mem>>) src(%arg8 : memref<128x128xf32, #tpu.memory_space<vmem>>) dst(%dma_wait3A_44 : memref<10112x128xf32, #tpu.memory_space<vmem_shared>>)
        tpu.yield
      }) : () -> ()
      %scan3A_38 = arith.constant 0 : i32
      scf.yield %scan3A_38 : i32
    }
    %scan3A_27 = arith.constant 79 : i32
    %barrier3A_28 = arith.constant 0 : index
    tpu.barrier barrier_id(%barrier3A_28)
    "tpu.region"() ({
      %run_scoped3A = tpu.sem_alloc : memref<!tpu.dma_semaphore, #tpu.memory_space<semaphore_mem>>
      %dma_start3A = arith.constant 0 : i32
      %dma_start3A_29 = tpu.memref_slice %arg5[%arg0, %mul3A_8, %dma_start3A] : memref<2x10112x128xf32, #tpu.memory_space<hbm>> -> memref<1x632x128xf32, #tpu.memory_space<hbm>>
      %dma_start3A_30 = tpu.memref_squeeze %dma_start3A_29 : memref<1x632x128xf32, #tpu.memory_space<hbm>> -> memref<632x128xf32, #tpu.memory_space<hbm>>
      %dma_start3A_31 = arith.constant 0 : i32
      %dma_start3A_32 = tpu.memref_slice %arg9[%mul3A_8, %dma_start3A_31] : memref<10112x128xf32, #tpu.memory_space<vmem_shared>> -> memref<632x128xf32, #tpu.memory_space<vmem_shared>>
      tpu.enqueue_dma source(%dma_start3A_32 : memref<632x128xf32, #tpu.memory_space<vmem_shared>>) target(%dma_start3A_30 : memref<632x128xf32, #tpu.memory_space<hbm>>) target_semaphore(%run_scoped3A : memref<!tpu.dma_semaphore, #tpu.memory_space<semaphore_mem>>)
      %dma_wait3A = arith.constant 0 : i32
      %dma_wait3A_33 = tpu.memref_slice %arg5[%arg0, %mul3A_8, %dma_wait3A] : memref<2x10112x128xf32, #tpu.memory_space<hbm>> -> memref<1x632x128xf32, #tpu.memory_space<hbm>>
      %dma_wait3A_34 = tpu.memref_squeeze %dma_wait3A_33 : memref<1x632x128xf32, #tpu.memory_space<hbm>> -> memref<632x128xf32, #tpu.memory_space<hbm>>
      %dma_wait3A_35 = arith.constant 0 : i32
      %dma_wait3A_36 = tpu.memref_slice %arg9[%mul3A_8, %dma_wait3A_35] : memref<10112x128xf32, #tpu.memory_space<vmem_shared>> -> memref<632x128xf32, #tpu.memory_space<vmem_shared>>
      tpu.wait_dma2 semaphore(%run_scoped3A : memref<!tpu.dma_semaphore, #tpu.memory_space<semaphore_mem>>) src(%dma_wait3A_36 : memref<632x128xf32, #tpu.memory_space<vmem_shared>>) dst(%dma_wait3A_34 : memref<632x128xf32, #tpu.memory_space<hbm>>)
      tpu.yield
    }) : () -> ()
    return
  }
}

#map = affine_map<(d0, d1) -> (0)>
#map1 = affine_map<(d0, d1) -> (0, 0)>
#map2 = affine_map<(d0, d1) -> (0, 0, 0)>
module attributes {stable_mosaic.version = 14 : i64} {
  func.func @sc_kernel(%arg0: i32, %arg1: i32, %arg2: memref<323584xi32, #tpu.memory_space<hbm>>, %arg3: memref<323584xi32, #tpu.memory_space<hbm>>, %arg4: memref<10000x128xf32, #tpu.memory_space<hbm>>, %arg5: memref<2x10112x128xf32, #tpu.memory_space<hbm>>, %arg6: memref<128xi32, #tpu.memory_space<vmem>>, %arg7: memref<128xi32, #tpu.memory_space<vmem>>, %arg8: memref<128x128xf32, #tpu.memory_space<vmem>>, %arg9: memref<10112x128xf32, #tpu.memory_space<vmem_shared>>, %arg10: memref<!tpu.dma_semaphore, #tpu.memory_space<semaphore_mem>>) attributes {dimension_semantics = [#tpu.dimension_semantics<core_parallel>, #tpu.dimension_semantics<subcore_parallel>], iteration_bounds = array<i64: 2, 16>, scalar_prefetch = 0 : i64, scratch_operands = 5 : i64, tpu.core_type = #tpu.core_type<sc_vector_subcore>, window_params = [{transform_indices = #map}, {transform_indices = #map}, {transform_indices = #map1}, {transform_indices = #map2}]} {
    %mul3A = arith.constant 16 : i32
    %mul3A_0 = arith.muli %arg0, %mul3A : i32
    %add3A = arith.addi %mul3A_0, %arg1 : i32
    %scan3A = arith.constant 0 : i32
    %scan3A_1 = arith.constant 0 : i32
    %scan3A_2 = arith.constant 128 : i32
    %scan3A_3 = arith.addi %scan3A_1, %scan3A_2 : i32
    %scan3A_4 = arith.constant 1 : i32
    %scan3A_5 = scf.for %scan3A_29 = %scan3A_1 to %scan3A_3 step %scan3A_4 iter_args(%scan3A_30 = %scan3A) -> (i32)  : i32 {
      %scan3A_31 = arith.constant 0 : i32
      %scan3A_32 = arith.constant 0 : i32
      %scan3A_33 = arith.constant 8 : i32
      %scan3A_34 = arith.addi %scan3A_32, %scan3A_33 : i32
      %scan3A_35 = arith.constant 1 : i32
      %scan3A_36 = scf.for %scan3A_38 = %scan3A_32 to %scan3A_34 step %scan3A_35 iter_args(%scan3A_39 = %scan3A_31) -> (i32)  : i32 {
        %broadcast_in_dim3A = arith.constant 0.000000e+00 : f32
        %broadcast_in_dim3A_40 = vector.broadcast %broadcast_in_dim3A : f32 to vector<16xf32>
        %mul3A_41 = arith.constant 16 : i32
        %mul3A_42 = arith.muli %scan3A_38, %mul3A_41 : i32
        %swap3A = arith.index_cast %scan3A_29 : i32 to index
        %swap3A_43 = arith.index_cast %mul3A_42 : i32 to index
        %swap3A_44 = tpu.vector_load %arg8[%swap3A, %swap3A_43] {strides = array<i32>} : memref<128x128xf32, #tpu.memory_space<vmem>>, vector<1x16xf32>,
        %swap3A_45 = vector.shape_cast %swap3A_44 : vector<1x16xf32> to vector<16xf32>
        %swap3A_46 = vector.shape_cast %broadcast_in_dim3A_40 : vector<16xf32> to vector<1x16xf32>
        tpu.vector_store %arg8[%swap3A, %swap3A_43], %swap3A_46 {strides = array<i32>} : memref<128x128xf32, #tpu.memory_space<vmem>>, vector<1x16xf32>,
        %scan3A_47 = arith.constant 0 : i32
        scf.yield %scan3A_47 : i32
      }
      %scan3A_37 = arith.constant 8 : i32
      scf.yield %scan3A_36 : i32
    }
    %scan3A_6 = arith.constant 128 : i32
    %mul3A_7 = arith.constant 632 : i32
    %mul3A_8 = arith.muli %arg1, %mul3A_7 : i32
    %add3A_9 = arith.constant 0 : i32
    %add3A_10 = arith.addi %mul3A_8, %add3A_9 : i32
    "tpu.region"() ({
      %run_scoped3A = tpu.sem_alloc : memref<!tpu.dma_semaphore, #tpu.memory_space<semaphore_mem>>
      %dma_start3A = arith.constant 0 : i32
      %dma_start3A_29 = arith.constant 0 : i32
      %dma_start3A_30 = tpu.memref_slice %arg8[%dma_start3A, %dma_start3A_29] : memref<128x128xf32, #tpu.memory_space<vmem>> -> memref<128x128xf32, #tpu.memory_space<vmem>>
      %dma_start3A_31 = arith.constant 0 : i32
      %dma_start3A_32 = tpu.memref_slice %arg9[%add3A_10, %dma_start3A_31] : memref<10112x128xf32, #tpu.memory_space<vmem_shared>> -> memref<128x128xf32, #tpu.memory_space<vmem_shared>>
      %dma_start3A_33 = arith.constant 0 : i32
      %dma_start3A_34 = tpu.memref_slice %arg9[%add3A_10, %dma_start3A_33] : memref<10112x128xf32, #tpu.memory_space<vmem_shared>> -> memref<128x128xf32, #tpu.memory_space<vmem_shared>>
      %dma_start3A_35 = arith.constant 0 : i32
      %dma_start3A_36 = arith.constant 0 : i32
      %dma_start3A_37 = tpu.memref_slice %arg8[%dma_start3A_35, %dma_start3A_36] : memref<128x128xf32, #tpu.memory_space<vmem>> -> memref<128x128xf32, #tpu.memory_space<vmem>>
      tpu.enqueue_dma source(%dma_start3A_37 : memref<128x128xf32, #tpu.memory_space<vmem>>) target(%dma_start3A_34 : memref<128x128xf32, #tpu.memory_space<vmem_shared>>) target_semaphore(%run_scoped3A : memref<!tpu.dma_semaphore, #tpu.memory_space<semaphore_mem>>)
      %dma_wait3A = arith.constant 0 : i32
      %dma_wait3A_38 = arith.constant 0 : i32
      %dma_wait3A_39 = tpu.memref_slice %arg8[%dma_wait3A, %dma_wait3A_38] : memref<128x128xf32, #tpu.memory_space<vmem>> -> memref<128x128xf32, #tpu.memory_space<vmem>>
      %dma_wait3A_40 = arith.constant 0 : i32
      %dma_wait3A_41 = tpu.memref_slice %arg9[%add3A_10, %dma_wait3A_40] : memref<10112x128xf32, #tpu.memory_space<vmem_shared>> -> memref<128x128xf32, #tpu.memory_space<vmem_shared>>
      %dma_wait3A_42 = arith.constant 0 : i32
      %dma_wait3A_43 = tpu.memref_slice %arg9[%add3A_10, %dma_wait3A_42] : memref<10112x128xf32, #tpu.memory_space<vmem_shared>> -> memref<128x128xf32, #tpu.memory_space<vmem_shared>>
      %dma_wait3A_44 = arith.constant 0 : i32
      %dma_wait3A_45 = arith.constant 0 : i32
      %dma_wait3A_46 = tpu.memref_slice %arg8[%dma_wait3A_44, %dma_wait3A_45] : memref<128x128xf32, #tpu.memory_space<vmem>> -> memref<128x128xf32, #tpu.memory_space<vmem>>
      tpu.wait_dma2 semaphore(%run_scoped3A : memref<!tpu.dma_semaphore, #tpu.memory_space<semaphore_mem>>) src(%dma_wait3A_46 : memref<128x128xf32, #tpu.memory_space<vmem>>) dst(%dma_wait3A_43 : memref<128x128xf32, #tpu.memory_space<vmem_shared>>)
      tpu.yield
    }) : () -> ()
    %add3A_11 = arith.constant 128 : i32
    %add3A_12 = arith.addi %mul3A_8, %add3A_11 : i32
    "tpu.region"() ({
      %run_scoped3A = tpu.sem_alloc : memref<!tpu.dma_semaphore, #tpu.memory_space<semaphore_mem>>
      %dma_start3A = arith.constant 0 : i32
      %dma_start3A_29 = arith.constant 0 : i32
      %dma_start3A_30 = tpu.memref_slice %arg8[%dma_start3A, %dma_start3A_29] : memref<128x128xf32, #tpu.memory_space<vmem>> -> memref<128x128xf32, #tpu.memory_space<vmem>>
      %dma_start3A_31 = arith.constant 0 : i32
      %dma_start3A_32 = tpu.memref_slice %arg9[%add3A_12, %dma_start3A_31] : memref<10112x128xf32, #tpu.memory_space<vmem_shared>> -> memref<128x128xf32, #tpu.memory_space<vmem_shared>>
      %dma_start3A_33 = arith.constant 0 : i32
      %dma_start3A_34 = tpu.memref_slice %arg9[%add3A_12, %dma_start3A_33] : memref<10112x128xf32, #tpu.memory_space<vmem_shared>> -> memref<128x128xf32, #tpu.memory_space<vmem_shared>>
      %dma_start3A_35 = arith.constant 0 : i32
      %dma_start3A_36 = arith.constant 0 : i32
      %dma_start3A_37 = tpu.memref_slice %arg8[%dma_start3A_35, %dma_start3A_36] : memref<128x128xf32, #tpu.memory_space<vmem>> -> memref<128x128xf32, #tpu.memory_space<vmem>>
      tpu.enqueue_dma source(%dma_start3A_37 : memref<128x128xf32, #tpu.memory_space<vmem>>) target(%dma_start3A_34 : memref<128x128xf32, #tpu.memory_space<vmem_shared>>) target_semaphore(%run_scoped3A : memref<!tpu.dma_semaphore, #tpu.memory_space<semaphore_mem>>)
      %dma_wait3A = arith.constant 0 : i32
      %dma_wait3A_38 = arith.constant 0 : i32
      %dma_wait3A_39 = tpu.memref_slice %arg8[%dma_wait3A, %dma_wait3A_38] : memref<128x128xf32, #tpu.memory_space<vmem>> -> memref<128x128xf32, #tpu.memory_space<vmem>>
      %dma_wait3A_40 = arith.constant 0 : i32
      %dma_wait3A_41 = tpu.memref_slice %arg9[%add3A_12, %dma_wait3A_40] : memref<10112x128xf32, #tpu.memory_space<vmem_shared>> -> memref<128x128xf32, #tpu.memory_space<vmem_shared>>
      %dma_wait3A_42 = arith.constant 0 : i32
      %dma_wait3A_43 = tpu.memref_slice %arg9[%add3A_12, %dma_wait3A_42] : memref<10112x128xf32, #tpu.memory_space<vmem_shared>> -> memref<128x128xf32, #tpu.memory_space<vmem_shared>>
      %dma_wait3A_44 = arith.constant 0 : i32
      %dma_wait3A_45 = arith.constant 0 : i32
      %dma_wait3A_46 = tpu.memref_slice %arg8[%dma_wait3A_44, %dma_wait3A_45] : memref<128x128xf32, #tpu.memory_space<vmem>> -> memref<128x128xf32, #tpu.memory_space<vmem>>
      tpu.wait_dma2 semaphore(%run_scoped3A : memref<!tpu.dma_semaphore, #tpu.memory_space<semaphore_mem>>) src(%dma_wait3A_46 : memref<128x128xf32, #tpu.memory_space<vmem>>) dst(%dma_wait3A_43 : memref<128x128xf32, #tpu.memory_space<vmem_shared>>)
      tpu.yield
    }) : () -> ()
    %add3A_13 = arith.constant 256 : i32
    %add3A_14 = arith.addi %mul3A_8, %add3A_13 : i32
    "tpu.region"() ({
      %run_scoped3A = tpu.sem_alloc : memref<!tpu.dma_semaphore, #tpu.memory_space<semaphore_mem>>
      %dma_start3A = arith.constant 0 : i32
      %dma_start3A_29 = arith.constant 0 : i32
      %dma_start3A_30 = tpu.memref_slice %arg8[%dma_start3A, %dma_start3A_29] : memref<128x128xf32, #tpu.memory_space<vmem>> -> memref<128x128xf32, #tpu.memory_space<vmem>>
      %dma_start3A_31 = arith.constant 0 : i32
      %dma_start3A_32 = tpu.memref_slice %arg9[%add3A_14, %dma_start3A_31] : memref<10112x128xf32, #tpu.memory_space<vmem_shared>> -> memref<128x128xf32, #tpu.memory_space<vmem_shared>>
      %dma_start3A_33 = arith.constant 0 : i32
      %dma_start3A_34 = tpu.memref_slice %arg9[%add3A_14, %dma_start3A_33] : memref<10112x128xf32, #tpu.memory_space<vmem_shared>> -> memref<128x128xf32, #tpu.memory_space<vmem_shared>>
      %dma_start3A_35 = arith.constant 0 : i32
      %dma_start3A_36 = arith.constant 0 : i32
      %dma_start3A_37 = tpu.memref_slice %arg8[%dma_start3A_35, %dma_start3A_36] : memref<128x128xf32, #tpu.memory_space<vmem>> -> memref<128x128xf32, #tpu.memory_space<vmem>>
      tpu.enqueue_dma source(%dma_start3A_37 : memref<128x128xf32, #tpu.memory_space<vmem>>) target(%dma_start3A_34 : memref<128x128xf32, #tpu.memory_space<vmem_shared>>) target_semaphore(%run_scoped3A : memref<!tpu.dma_semaphore, #tpu.memory_space<semaphore_mem>>)
      %dma_wait3A = arith.constant 0 : i32
      %dma_wait3A_38 = arith.constant 0 : i32
      %dma_wait3A_39 = tpu.memref_slice %arg8[%dma_wait3A, %dma_wait3A_38] : memref<128x128xf32, #tpu.memory_space<vmem>> -> memref<128x128xf32, #tpu.memory_space<vmem>>
      %dma_wait3A_40 = arith.constant 0 : i32
      %dma_wait3A_41 = tpu.memref_slice %arg9[%add3A_14, %dma_wait3A_40] : memref<10112x128xf32, #tpu.memory_space<vmem_shared>> -> memref<128x128xf32, #tpu.memory_space<vmem_shared>>
      %dma_wait3A_42 = arith.constant 0 : i32
      %dma_wait3A_43 = tpu.memref_slice %arg9[%add3A_14, %dma_wait3A_42] : memref<10112x128xf32, #tpu.memory_space<vmem_shared>> -> memref<128x128xf32, #tpu.memory_space<vmem_shared>>
      %dma_wait3A_44 = arith.constant 0 : i32
      %dma_wait3A_45 = arith.constant 0 : i32
      %dma_wait3A_46 = tpu.memref_slice %arg8[%dma_wait3A_44, %dma_wait3A_45] : memref<128x128xf32, #tpu.memory_space<vmem>> -> memref<128x128xf32, #tpu.memory_space<vmem>>
      tpu.wait_dma2 semaphore(%run_scoped3A : memref<!tpu.dma_semaphore, #tpu.memory_space<semaphore_mem>>) src(%dma_wait3A_46 : memref<128x128xf32, #tpu.memory_space<vmem>>) dst(%dma_wait3A_43 : memref<128x128xf32, #tpu.memory_space<vmem_shared>>)
      tpu.yield
    }) : () -> ()
    %add3A_15 = arith.constant 384 : i32
    %add3A_16 = arith.addi %mul3A_8, %add3A_15 : i32
    "tpu.region"() ({
      %run_scoped3A = tpu.sem_alloc : memref<!tpu.dma_semaphore, #tpu.memory_space<semaphore_mem>>
      %dma_start3A = arith.constant 0 : i32
      %dma_start3A_29 = arith.constant 0 : i32
      %dma_start3A_30 = tpu.memref_slice %arg8[%dma_start3A, %dma_start3A_29] : memref<128x128xf32, #tpu.memory_space<vmem>> -> memref<128x128xf32, #tpu.memory_space<vmem>>
      %dma_start3A_31 = arith.constant 0 : i32
      %dma_start3A_32 = tpu.memref_slice %arg9[%add3A_16, %dma_start3A_31] : memref<10112x128xf32, #tpu.memory_space<vmem_shared>> -> memref<128x128xf32, #tpu.memory_space<vmem_shared>>
      %dma_start3A_33 = arith.constant 0 : i32
      %dma_start3A_34 = tpu.memref_slice %arg9[%add3A_16, %dma_start3A_33] : memref<10112x128xf32, #tpu.memory_space<vmem_shared>> -> memref<128x128xf32, #tpu.memory_space<vmem_shared>>
      %dma_start3A_35 = arith.constant 0 : i32
      %dma_start3A_36 = arith.constant 0 : i32
      %dma_start3A_37 = tpu.memref_slice %arg8[%dma_start3A_35, %dma_start3A_36] : memref<128x128xf32, #tpu.memory_space<vmem>> -> memref<128x128xf32, #tpu.memory_space<vmem>>
      tpu.enqueue_dma source(%dma_start3A_37 : memref<128x128xf32, #tpu.memory_space<vmem>>) target(%dma_start3A_34 : memref<128x128xf32, #tpu.memory_space<vmem_shared>>) target_semaphore(%run_scoped3A : memref<!tpu.dma_semaphore, #tpu.memory_space<semaphore_mem>>)
      %dma_wait3A = arith.constant 0 : i32
      %dma_wait3A_38 = arith.constant 0 : i32
      %dma_wait3A_39 = tpu.memref_slice %arg8[%dma_wait3A, %dma_wait3A_38] : memref<128x128xf32, #tpu.memory_space<vmem>> -> memref<128x128xf32, #tpu.memory_space<vmem>>
      %dma_wait3A_40 = arith.constant 0 : i32
      %dma_wait3A_41 = tpu.memref_slice %arg9[%add3A_16, %dma_wait3A_40] : memref<10112x128xf32, #tpu.memory_space<vmem_shared>> -> memref<128x128xf32, #tpu.memory_space<vmem_shared>>
      %dma_wait3A_42 = arith.constant 0 : i32
      %dma_wait3A_43 = tpu.memref_slice %arg9[%add3A_16, %dma_wait3A_42] : memref<10112x128xf32, #tpu.memory_space<vmem_shared>> -> memref<128x128xf32, #tpu.memory_space<vmem_shared>>
      %dma_wait3A_44 = arith.constant 0 : i32
      %dma_wait3A_45 = arith.constant 0 : i32
      %dma_wait3A_46 = tpu.memref_slice %arg8[%dma_wait3A_44, %dma_wait3A_45] : memref<128x128xf32, #tpu.memory_space<vmem>> -> memref<128x128xf32, #tpu.memory_space<vmem>>
      tpu.wait_dma2 semaphore(%run_scoped3A : memref<!tpu.dma_semaphore, #tpu.memory_space<semaphore_mem>>) src(%dma_wait3A_46 : memref<128x128xf32, #tpu.memory_space<vmem>>) dst(%dma_wait3A_43 : memref<128x128xf32, #tpu.memory_space<vmem_shared>>)
      tpu.yield
    }) : () -> ()
    %add3A_17 = arith.constant 512 : i32
    %add3A_18 = arith.addi %mul3A_8, %add3A_17 : i32
    "tpu.region"() ({
      %run_scoped3A = tpu.sem_alloc : memref<!tpu.dma_semaphore, #tpu.memory_space<semaphore_mem>>
      %dma_start3A = arith.constant 0 : i32
      %dma_start3A_29 = arith.constant 0 : i32
      %dma_start3A_30 = tpu.memref_slice %arg8[%dma_start3A, %dma_start3A_29] : memref<128x128xf32, #tpu.memory_space<vmem>> -> memref<120x128xf32, #tpu.memory_space<vmem>>
      %dma_start3A_31 = arith.constant 0 : i32
      %dma_start3A_32 = tpu.memref_slice %arg9[%add3A_18, %dma_start3A_31] : memref<10112x128xf32, #tpu.memory_space<vmem_shared>> -> memref<120x128xf32, #tpu.memory_space<vmem_shared>>
      %dma_start3A_33 = arith.constant 0 : i32
      %dma_start3A_34 = tpu.memref_slice %arg9[%add3A_18, %dma_start3A_33] : memref<10112x128xf32, #tpu.memory_space<vmem_shared>> -> memref<120x128xf32, #tpu.memory_space<vmem_shared>>
      %dma_start3A_35 = arith.constant 0 : i32
      %dma_start3A_36 = arith.constant 0 : i32
      %dma_start3A_37 = tpu.memref_slice %arg8[%dma_start3A_35, %dma_start3A_36] : memref<128x128xf32, #tpu.memory_space<vmem>> -> memref<120x128xf32, #tpu.memory_space<vmem>>
      tpu.enqueue_dma source(%dma_start3A_37 : memref<120x128xf32, #tpu.memory_space<vmem>>) target(%dma_start3A_34 : memref<120x128xf32, #tpu.memory_space<vmem_shared>>) target_semaphore(%run_scoped3A : memref<!tpu.dma_semaphore, #tpu.memory_space<semaphore_mem>>)
      %dma_wait3A = arith.constant 0 : i32
      %dma_wait3A_38 = arith.constant 0 : i32
      %dma_wait3A_39 = tpu.memref_slice %arg8[%dma_wait3A, %dma_wait3A_38] : memref<128x128xf32, #tpu.memory_space<vmem>> -> memref<120x128xf32, #tpu.memory_space<vmem>>
      %dma_wait3A_40 = arith.constant 0 : i32
      %dma_wait3A_41 = tpu.memref_slice %arg9[%add3A_18, %dma_wait3A_40] : memref<10112x128xf32, #tpu.memory_space<vmem_shared>> -> memref<120x128xf32, #tpu.memory_space<vmem_shared>>
      %dma_wait3A_42 = arith.constant 0 : i32
      %dma_wait3A_43 = tpu.memref_slice %arg9[%add3A_18, %dma_wait3A_42] : memref<10112x128xf32, #tpu.memory_space<vmem_shared>> -> memref<120x128xf32, #tpu.memory_space<vmem_shared>>
      %dma_wait3A_44 = arith.constant 0 : i32
      %dma_wait3A_45 = arith.constant 0 : i32
      %dma_wait3A_46 = tpu.memref_slice %arg8[%dma_wait3A_44, %dma_wait3A_45] : memref<128x128xf32, #tpu.memory_space<vmem>> -> memref<120x128xf32, #tpu.memory_space<vmem>>
      tpu.wait_dma2 semaphore(%run_scoped3A : memref<!tpu.dma_semaphore, #tpu.memory_space<semaphore_mem>>) src(%dma_wait3A_46 : memref<120x128xf32, #tpu.memory_space<vmem>>) dst(%dma_wait3A_43 : memref<120x128xf32, #tpu.memory_space<vmem_shared>>)
      tpu.yield
    }) : () -> ()
    %barrier3A = arith.constant 0 : index
    tpu.barrier barrier_id(%barrier3A)
    %mul3A_19 = arith.constant 10112 : i32
    %mul3A_20 = arith.muli %add3A, %mul3A_19 : i32
    %scan3A_21 = arith.constant 0 : i32
    %scan3A_22 = arith.constant 0 : i32
    %scan3A_23 = arith.constant 79 : i32
    %scan3A_24 = arith.addi %scan3A_22, %scan3A_23 : i32
    %scan3A_25 = arith.constant 1 : i32
    %scan3A_26 = scf.for %scan3A_29 = %scan3A_22 to %scan3A_24 step %scan3A_25 iter_args(%scan3A_30 = %scan3A_21) -> (i32)  : i32 {
      %mul3A_31 = arith.constant 128 : i32
      %mul3A_32 = arith.muli %scan3A_29, %mul3A_31 : i32
      %add3A_33 = arith.addi %mul3A_20, %mul3A_32 : i32
      %multiple_of3A = tpu.assume_multiple %add3A_33, 8 : i32
      "tpu.region"() ({
        %run_scoped3A = tpu.sem_alloc : memref<!tpu.dma_semaphore, #tpu.memory_space<semaphore_mem>>
        %dma_start3A_39 = tpu.memref_slice %arg2[%multiple_of3A] : memref<323584xi32, #tpu.memory_space<hbm>> -> memref<128xi32, #tpu.memory_space<hbm>>
        %dma_start3A_40 = tpu.memref_slice %arg2[%multiple_of3A] : memref<323584xi32, #tpu.memory_space<hbm>> -> memref<128xi32, #tpu.memory_space<hbm>>
        tpu.enqueue_dma source(%dma_start3A_40 : memref<128xi32, #tpu.memory_space<hbm>>) target(%arg6 : memref<128xi32, #tpu.memory_space<vmem>>) target_semaphore(%run_scoped3A : memref<!tpu.dma_semaphore, #tpu.memory_space<semaphore_mem>>)
        %dma_wait3A_41 = tpu.memref_slice %arg2[%multiple_of3A] : memref<323584xi32, #tpu.memory_space<hbm>> -> memref<128xi32, #tpu.memory_space<hbm>>
        %dma_wait3A_42 = tpu.memref_slice %arg2[%multiple_of3A] : memref<323584xi32, #tpu.memory_space<hbm>> -> memref<128xi32, #tpu.memory_space<hbm>>
        tpu.wait_dma2 semaphore(%run_scoped3A : memref<!tpu.dma_semaphore, #tpu.memory_space<semaphore_mem>>) src(%dma_wait3A_42 : memref<128xi32, #tpu.memory_space<hbm>>) dst(%arg6 : memref<128xi32, #tpu.memory_space<vmem>>)
        tpu.yield
      }) : () -> ()
      "tpu.region"() ({
        %run_scoped3A = tpu.sem_alloc : memref<!tpu.dma_semaphore, #tpu.memory_space<semaphore_mem>>
        %dma_start3A_39 = tpu.memref_slice %arg3[%multiple_of3A] : memref<323584xi32, #tpu.memory_space<hbm>> -> memref<128xi32, #tpu.memory_space<hbm>>
        %dma_start3A_40 = tpu.memref_slice %arg3[%multiple_of3A] : memref<323584xi32, #tpu.memory_space<hbm>> -> memref<128xi32, #tpu.memory_space<hbm>>
        tpu.enqueue_dma source(%dma_start3A_40 : memref<128xi32, #tpu.memory_space<hbm>>) target(%arg7 : memref<128xi32, #tpu.memory_space<vmem>>) target_semaphore(%run_scoped3A : memref<!tpu.dma_semaphore, #tpu.memory_space<semaphore_mem>>)
        %dma_wait3A_41 = tpu.memref_slice %arg3[%multiple_of3A] : memref<323584xi32, #tpu.memory_space<hbm>> -> memref<128xi32, #tpu.memory_space<hbm>>
        %dma_wait3A_42 = tpu.memref_slice %arg3[%multiple_of3A] : memref<323584xi32, #tpu.memory_space<hbm>> -> memref<128xi32, #tpu.memory_space<hbm>>
        tpu.wait_dma2 semaphore(%run_scoped3A : memref<!tpu.dma_semaphore, #tpu.memory_space<semaphore_mem>>) src(%dma_wait3A_42 : memref<128xi32, #tpu.memory_space<hbm>>) dst(%arg7 : memref<128xi32, #tpu.memory_space<vmem>>)
        tpu.yield
      }) : () -> ()
      %dma_start3A = arith.constant 0 : i32
      %dma_start3A_34 = arith.constant 0 : i32
      %dma_start3A_35 = tpu.memref_slice %arg4[%dma_start3A, %dma_start3A_34] : memref<10000x128xf32, #tpu.memory_space<hbm>> -> memref<10000x128xf32, #tpu.memory_space<hbm>>
      tpu.enqueue_indirect_dma source(%dma_start3A_35 : memref<10000x128xf32, #tpu.memory_space<hbm>>) target(%arg8 : memref<128x128xf32, #tpu.memory_space<vmem>>) offsets(%arg6 : memref<128xi32, #tpu.memory_space<vmem>>) semaphore(%arg10 : memref<!tpu.dma_semaphore, #tpu.memory_space<semaphore_mem>>)
      %dma_wait3A = arith.constant 0 : i32
      %dma_wait3A_36 = arith.constant 0 : i32
      %dma_wait3A_37 = tpu.memref_slice %arg4[%dma_wait3A, %dma_wait3A_36] : memref<10000x128xf32, #tpu.memory_space<hbm>> -> memref<10000x128xf32, #tpu.memory_space<hbm>>
      tpu.wait_indirect_dma semaphore(%arg10 : memref<!tpu.dma_semaphore, #tpu.memory_space<semaphore_mem>>) src(%dma_wait3A_37 : memref<10000x128xf32, #tpu.memory_space<hbm>>) dst(%arg8 : memref<128x128xf32, #tpu.memory_space<vmem>>)
      "tpu.region"() ({
        %run_scoped3A = tpu.sem_alloc : memref<!tpu.dma_semaphore, #tpu.memory_space<semaphore_mem>>
        %dma_start3A_39 = arith.constant 0 : i32
        %dma_start3A_40 = arith.constant 0 : i32
        %dma_start3A_41 = tpu.memref_slice %arg9[%dma_start3A_39, %dma_start3A_40] : memref<10112x128xf32, #tpu.memory_space<vmem_shared>> -> memref<10112x128xf32, #tpu.memory_space<vmem_shared>>
        tpu.enqueue_indirect_dma source(%arg8 : memref<128x128xf32, #tpu.memory_space<vmem>>) target(%dma_start3A_41 : memref<10112x128xf32, #tpu.memory_space<vmem_shared>>) offsets(%arg7 : memref<128xi32, #tpu.memory_space<vmem>>) semaphore(%run_scoped3A : memref<!tpu.dma_semaphore, #tpu.memory_space<semaphore_mem>>) {add = true}
        %dma_wait3A_42 = arith.constant 0 : i32
        %dma_wait3A_43 = arith.constant 0 : i32
        %dma_wait3A_44 = tpu.memref_slice %arg9[%dma_wait3A_42, %dma_wait3A_43] : memref<10112x128xf32, #tpu.memory_space<vmem_shared>> -> memref<10112x128xf32, #tpu.memory_space<vmem_shared>>
        tpu.wait_indirect_dma semaphore(%run_scoped3A : memref<!tpu.dma_semaphore, #tpu.memory_space<semaphore_mem>>) src(%arg8 : memref<128x128xf32, #tpu.memory_space<vmem>>) dst(%dma_wait3A_44 : memref<10112x128xf32, #tpu.memory_space<vmem_shared>>)
        tpu.yield
      }) : () -> ()
      %scan3A_38 = arith.constant 0 : i32
      scf.yield %scan3A_38 : i32
    }
    %scan3A_27 = arith.constant 79 : i32
    %barrier3A_28 = arith.constant 0 : index
    tpu.barrier barrier_id(%barrier3A_28)
    "tpu.region"() ({
      %run_scoped3A = tpu.sem_alloc : memref<!tpu.dma_semaphore, #tpu.memory_space<semaphore_mem>>
      %dma_start3A = arith.constant 0 : i32
      %dma_start3A_29 = tpu.memref_slice %arg5[%arg0, %mul3A_8, %dma_start3A] : memref<2x10112x128xf32, #tpu.memory_space<hbm>> -> memref<1x632x128xf32, #tpu.memory_space<hbm>>
      %dma_start3A_30 = tpu.memref_squeeze %dma_start3A_29 : memref<1x632x128xf32, #tpu.memory_space<hbm>> -> memref<632x128xf32, #tpu.memory_space<hbm>>
      %dma_start3A_31 = arith.constant 0 : i32
      %dma_start3A_32 = tpu.memref_slice %arg9[%mul3A_8, %dma_start3A_31] : memref<10112x128xf32, #tpu.memory_space<vmem_shared>> -> memref<632x128xf32, #tpu.memory_space<vmem_shared>>
      tpu.enqueue_dma source(%dma_start3A_32 : memref<632x128xf32, #tpu.memory_space<vmem_shared>>) target(%dma_start3A_30 : memref<632x128xf32, #tpu.memory_space<hbm>>) target_semaphore(%run_scoped3A : memref<!tpu.dma_semaphore, #tpu.memory_space<semaphore_mem>>)
      %dma_wait3A = arith.constant 0 : i32
      %dma_wait3A_33 = tpu.memref_slice %arg5[%arg0, %mul3A_8, %dma_wait3A] : memref<2x10112x128xf32, #tpu.memory_space<hbm>> -> memref<1x632x128xf32, #tpu.memory_space<hbm>>
      %dma_wait3A_34 = tpu.memref_squeeze %dma_wait3A_33 : memref<1x632x128xf32, #tpu.memory_space<hbm>> -> memref<632x128xf32, #tpu.memory_space<hbm>>
      %dma_wait3A_35 = arith.constant 0 : i32
      %dma_wait3A_36 = tpu.memref_slice %arg9[%mul3A_8, %dma_wait3A_35] : memref<10112x128xf32, #tpu.memory_space<vmem_shared>> -> memref<632x128xf32, #tpu.memory_space<vmem_shared>>
      tpu.wait_dma2 semaphore(%run_scoped3A : memref<!tpu.dma_semaphore, #tpu.memory_space<semaphore_mem>>) src(%dma_wait3A_36 : memref<632x128xf32, #tpu.memory_space<vmem_shared>>) dst(%dma_wait3A_34 : memref<632x128xf32, #tpu.memory_space<hbm>>)
      tpu.yield
    }) : () -> ()
    return
  }
}

#map = affine_map<(d0, d1) -> (0)>
#map1 = affine_map<(d0, d1) -> (0, 0)>
#map2 = affine_map<(d0, d1) -> (0, 0, 0)>
module attributes {stable_mosaic.version = 14 : i64} {
  func.func @sc_kernel(%arg0: i32, %arg1: i32, %arg2: memref<20480xi32, #tpu.memory_space<hbm>>, %arg3: memref<20480xi32, #tpu.memory_space<hbm>>, %arg4: memref<10128x128xf32, #tpu.memory_space<hbm>>, %arg5: memref<2x4224x128xf32, #tpu.memory_space<hbm>>, %arg6: memref<128xi32, #tpu.memory_space<vmem>>, %arg7: memref<128xi32, #tpu.memory_space<vmem>>, %arg8: memref<128x128xf32, #tpu.memory_space<vmem>>, %arg9: memref<4224x128xf32, #tpu.memory_space<vmem_shared>>, %arg10: memref<!tpu.dma_semaphore, #tpu.memory_space<semaphore_mem>>) attributes {dimension_semantics = [#tpu.dimension_semantics<core_parallel>, #tpu.dimension_semantics<subcore_parallel>], iteration_bounds = array<i64: 2, 16>, scalar_prefetch = 0 : i64, scratch_operands = 5 : i64, tpu.core_type = #tpu.core_type<sc_vector_subcore>, window_params = [{transform_indices = #map}, {transform_indices = #map}, {transform_indices = #map1}, {transform_indices = #map2}]} {
    %mul3A = arith.constant 16 : i32
    %mul3A_0 = arith.muli %arg0, %mul3A : i32
    %add3A = arith.addi %mul3A_0, %arg1 : i32
    %scan3A = arith.constant 0 : i32
    %scan3A_1 = arith.constant 0 : i32
    %scan3A_2 = arith.constant 128 : i32
    %scan3A_3 = arith.addi %scan3A_1, %scan3A_2 : i32
    %scan3A_4 = arith.constant 1 : i32
    %scan3A_5 = scf.for %scan3A_25 = %scan3A_1 to %scan3A_3 step %scan3A_4 iter_args(%scan3A_26 = %scan3A) -> (i32)  : i32 {
      %scan3A_27 = arith.constant 0 : i32
      %scan3A_28 = arith.constant 0 : i32
      %scan3A_29 = arith.constant 8 : i32
      %scan3A_30 = arith.addi %scan3A_28, %scan3A_29 : i32
      %scan3A_31 = arith.constant 1 : i32
      %scan3A_32 = scf.for %scan3A_34 = %scan3A_28 to %scan3A_30 step %scan3A_31 iter_args(%scan3A_35 = %scan3A_27) -> (i32)  : i32 {
        %broadcast_in_dim3A = arith.constant 0.000000e+00 : f32
        %broadcast_in_dim3A_36 = vector.broadcast %broadcast_in_dim3A : f32 to vector<16xf32>
        %mul3A_37 = arith.constant 16 : i32
        %mul3A_38 = arith.muli %scan3A_34, %mul3A_37 : i32
        %swap3A = arith.index_cast %scan3A_25 : i32 to index
        %swap3A_39 = arith.index_cast %mul3A_38 : i32 to index
        %swap3A_40 = tpu.vector_load %arg8[%swap3A, %swap3A_39] {strides = array<i32>} : memref<128x128xf32, #tpu.memory_space<vmem>>, vector<1x16xf32>,
        %swap3A_41 = vector.shape_cast %swap3A_40 : vector<1x16xf32> to vector<16xf32>
        %swap3A_42 = vector.shape_cast %broadcast_in_dim3A_36 : vector<16xf32> to vector<1x16xf32>
        tpu.vector_store %arg8[%swap3A, %swap3A_39], %swap3A_42 {strides = array<i32>} : memref<128x128xf32, #tpu.memory_space<vmem>>, vector<1x16xf32>,
        %scan3A_43 = arith.constant 0 : i32
        scf.yield %scan3A_43 : i32
      }
      %scan3A_33 = arith.constant 8 : i32
      scf.yield %scan3A_32 : i32
    }
    %scan3A_6 = arith.constant 128 : i32
    %mul3A_7 = arith.constant 264 : i32
    %mul3A_8 = arith.muli %arg1, %mul3A_7 : i32
    %add3A_9 = arith.constant 0 : i32
    %add3A_10 = arith.addi %mul3A_8, %add3A_9 : i32
    "tpu.region"() ({
      %run_scoped3A = tpu.sem_alloc : memref<!tpu.dma_semaphore, #tpu.memory_space<semaphore_mem>>
      %dma_start3A = arith.constant 0 : i32
      %dma_start3A_25 = arith.constant 0 : i32
      %dma_start3A_26 = tpu.memref_slice %arg8[%dma_start3A, %dma_start3A_25] : memref<128x128xf32, #tpu.memory_space<vmem>> -> memref<128x128xf32, #tpu.memory_space<vmem>>
      %dma_start3A_27 = arith.constant 0 : i32
      %dma_start3A_28 = tpu.memref_slice %arg9[%add3A_10, %dma_start3A_27] : memref<4224x128xf32, #tpu.memory_space<vmem_shared>> -> memref<128x128xf32, #tpu.memory_space<vmem_shared>>
      %dma_start3A_29 = arith.constant 0 : i32
      %dma_start3A_30 = tpu.memref_slice %arg9[%add3A_10, %dma_start3A_29] : memref<4224x128xf32, #tpu.memory_space<vmem_shared>> -> memref<128x128xf32, #tpu.memory_space<vmem_shared>>
      %dma_start3A_31 = arith.constant 0 : i32
      %dma_start3A_32 = arith.constant 0 : i32
      %dma_start3A_33 = tpu.memref_slice %arg8[%dma_start3A_31, %dma_start3A_32] : memref<128x128xf32, #tpu.memory_space<vmem>> -> memref<128x128xf32, #tpu.memory_space<vmem>>
      tpu.enqueue_dma source(%dma_start3A_33 : memref<128x128xf32, #tpu.memory_space<vmem>>) target(%dma_start3A_30 : memref<128x128xf32, #tpu.memory_space<vmem_shared>>) target_semaphore(%run_scoped3A : memref<!tpu.dma_semaphore, #tpu.memory_space<semaphore_mem>>)
      %dma_wait3A = arith.constant 0 : i32
      %dma_wait3A_34 = arith.constant 0 : i32
      %dma_wait3A_35 = tpu.memref_slice %arg8[%dma_wait3A, %dma_wait3A_34] : memref<128x128xf32, #tpu.memory_space<vmem>> -> memref<128x128xf32, #tpu.memory_space<vmem>>
      %dma_wait3A_36 = arith.constant 0 : i32
      %dma_wait3A_37 = tpu.memref_slice %arg9[%add3A_10, %dma_wait3A_36] : memref<4224x128xf32, #tpu.memory_space<vmem_shared>> -> memref<128x128xf32, #tpu.memory_space<vmem_shared>>
      %dma_wait3A_38 = arith.constant 0 : i32
      %dma_wait3A_39 = tpu.memref_slice %arg9[%add3A_10, %dma_wait3A_38] : memref<4224x128xf32, #tpu.memory_space<vmem_shared>> -> memref<128x128xf32, #tpu.memory_space<vmem_shared>>
      %dma_wait3A_40 = arith.constant 0 : i32
      %dma_wait3A_41 = arith.constant 0 : i32
      %dma_wait3A_42 = tpu.memref_slice %arg8[%dma_wait3A_40, %dma_wait3A_41] : memref<128x128xf32, #tpu.memory_space<vmem>> -> memref<128x128xf32, #tpu.memory_space<vmem>>
      tpu.wait_dma2 semaphore(%run_scoped3A : memref<!tpu.dma_semaphore, #tpu.memory_space<semaphore_mem>>) src(%dma_wait3A_42 : memref<128x128xf32, #tpu.memory_space<vmem>>) dst(%dma_wait3A_39 : memref<128x128xf32, #tpu.memory_space<vmem_shared>>)
      tpu.yield
    }) : () -> ()
    %add3A_11 = arith.constant 128 : i32
    %add3A_12 = arith.addi %mul3A_8, %add3A_11 : i32
    "tpu.region"() ({
      %run_scoped3A = tpu.sem_alloc : memref<!tpu.dma_semaphore, #tpu.memory_space<semaphore_mem>>
      %dma_start3A = arith.constant 0 : i32
      %dma_start3A_25 = arith.constant 0 : i32
      %dma_start3A_26 = tpu.memref_slice %arg8[%dma_start3A, %dma_start3A_25] : memref<128x128xf32, #tpu.memory_space<vmem>> -> memref<128x128xf32, #tpu.memory_space<vmem>>
      %dma_start3A_27 = arith.constant 0 : i32
      %dma_start3A_28 = tpu.memref_slice %arg9[%add3A_12, %dma_start3A_27] : memref<4224x128xf32, #tpu.memory_space<vmem_shared>> -> memref<128x128xf32, #tpu.memory_space<vmem_shared>>
      %dma_start3A_29 = arith.constant 0 : i32
      %dma_start3A_30 = tpu.memref_slice %arg9[%add3A_12, %dma_start3A_29] : memref<4224x128xf32, #tpu.memory_space<vmem_shared>> -> memref<128x128xf32, #tpu.memory_space<vmem_shared>>
      %dma_start3A_31 = arith.constant 0 : i32
      %dma_start3A_32 = arith.constant 0 : i32
      %dma_start3A_33 = tpu.memref_slice %arg8[%dma_start3A_31, %dma_start3A_32] : memref<128x128xf32, #tpu.memory_space<vmem>> -> memref<128x128xf32, #tpu.memory_space<vmem>>
      tpu.enqueue_dma source(%dma_start3A_33 : memref<128x128xf32, #tpu.memory_space<vmem>>) target(%dma_start3A_30 : memref<128x128xf32, #tpu.memory_space<vmem_shared>>) target_semaphore(%run_scoped3A : memref<!tpu.dma_semaphore, #tpu.memory_space<semaphore_mem>>)
      %dma_wait3A = arith.constant 0 : i32
      %dma_wait3A_34 = arith.constant 0 : i32
      %dma_wait3A_35 = tpu.memref_slice %arg8[%dma_wait3A, %dma_wait3A_34] : memref<128x128xf32, #tpu.memory_space<vmem>> -> memref<128x128xf32, #tpu.memory_space<vmem>>
      %dma_wait3A_36 = arith.constant 0 : i32
      %dma_wait3A_37 = tpu.memref_slice %arg9[%add3A_12, %dma_wait3A_36] : memref<4224x128xf32, #tpu.memory_space<vmem_shared>> -> memref<128x128xf32, #tpu.memory_space<vmem_shared>>
      %dma_wait3A_38 = arith.constant 0 : i32
      %dma_wait3A_39 = tpu.memref_slice %arg9[%add3A_12, %dma_wait3A_38] : memref<4224x128xf32, #tpu.memory_space<vmem_shared>> -> memref<128x128xf32, #tpu.memory_space<vmem_shared>>
      %dma_wait3A_40 = arith.constant 0 : i32
      %dma_wait3A_41 = arith.constant 0 : i32
      %dma_wait3A_42 = tpu.memref_slice %arg8[%dma_wait3A_40, %dma_wait3A_41] : memref<128x128xf32, #tpu.memory_space<vmem>> -> memref<128x128xf32, #tpu.memory_space<vmem>>
      tpu.wait_dma2 semaphore(%run_scoped3A : memref<!tpu.dma_semaphore, #tpu.memory_space<semaphore_mem>>) src(%dma_wait3A_42 : memref<128x128xf32, #tpu.memory_space<vmem>>) dst(%dma_wait3A_39 : memref<128x128xf32, #tpu.memory_space<vmem_shared>>)
      tpu.yield
    }) : () -> ()
    %add3A_13 = arith.constant 256 : i32
    %add3A_14 = arith.addi %mul3A_8, %add3A_13 : i32
    "tpu.region"() ({
      %run_scoped3A = tpu.sem_alloc : memref<!tpu.dma_semaphore, #tpu.memory_space<semaphore_mem>>
      %dma_start3A = arith.constant 0 : i32
      %dma_start3A_25 = arith.constant 0 : i32
      %dma_start3A_26 = tpu.memref_slice %arg8[%dma_start3A, %dma_start3A_25] : memref<128x128xf32, #tpu.memory_space<vmem>> -> memref<8x128xf32, #tpu.memory_space<vmem>>
      %dma_start3A_27 = arith.constant 0 : i32
      %dma_start3A_28 = tpu.memref_slice %arg9[%add3A_14, %dma_start3A_27] : memref<4224x128xf32, #tpu.memory_space<vmem_shared>> -> memref<8x128xf32, #tpu.memory_space<vmem_shared>>
      %dma_start3A_29 = arith.constant 0 : i32
      %dma_start3A_30 = tpu.memref_slice %arg9[%add3A_14, %dma_start3A_29] : memref<4224x128xf32, #tpu.memory_space<vmem_shared>> -> memref<8x128xf32, #tpu.memory_space<vmem_shared>>
      %dma_start3A_31 = arith.constant 0 : i32
      %dma_start3A_32 = arith.constant 0 : i32
      %dma_start3A_33 = tpu.memref_slice %arg8[%dma_start3A_31, %dma_start3A_32] : memref<128x128xf32, #tpu.memory_space<vmem>> -> memref<8x128xf32, #tpu.memory_space<vmem>>
      tpu.enqueue_dma source(%dma_start3A_33 : memref<8x128xf32, #tpu.memory_space<vmem>>) target(%dma_start3A_30 : memref<8x128xf32, #tpu.memory_space<vmem_shared>>) target_semaphore(%run_scoped3A : memref<!tpu.dma_semaphore, #tpu.memory_space<semaphore_mem>>)
      %dma_wait3A = arith.constant 0 : i32
      %dma_wait3A_34 = arith.constant 0 : i32
      %dma_wait3A_35 = tpu.memref_slice %arg8[%dma_wait3A, %dma_wait3A_34] : memref<128x128xf32, #tpu.memory_space<vmem>> -> memref<8x128xf32, #tpu.memory_space<vmem>>
      %dma_wait3A_36 = arith.constant 0 : i32
      %dma_wait3A_37 = tpu.memref_slice %arg9[%add3A_14, %dma_wait3A_36] : memref<4224x128xf32, #tpu.memory_space<vmem_shared>> -> memref<8x128xf32, #tpu.memory_space<vmem_shared>>
      %dma_wait3A_38 = arith.constant 0 : i32
      %dma_wait3A_39 = tpu.memref_slice %arg9[%add3A_14, %dma_wait3A_38] : memref<4224x128xf32, #tpu.memory_space<vmem_shared>> -> memref<8x128xf32, #tpu.memory_space<vmem_shared>>
      %dma_wait3A_40 = arith.constant 0 : i32
      %dma_wait3A_41 = arith.constant 0 : i32
      %dma_wait3A_42 = tpu.memref_slice %arg8[%dma_wait3A_40, %dma_wait3A_41] : memref<128x128xf32, #tpu.memory_space<vmem>> -> memref<8x128xf32, #tpu.memory_space<vmem>>
      tpu.wait_dma2 semaphore(%run_scoped3A : memref<!tpu.dma_semaphore, #tpu.memory_space<semaphore_mem>>) src(%dma_wait3A_42 : memref<8x128xf32, #tpu.memory_space<vmem>>) dst(%dma_wait3A_39 : memref<8x128xf32, #tpu.memory_space<vmem_shared>>)
      tpu.yield
    }) : () -> ()
    %barrier3A = arith.constant 0 : index
    tpu.barrier barrier_id(%barrier3A)
    %mul3A_15 = arith.constant 640 : i32
    %mul3A_16 = arith.muli %add3A, %mul3A_15 : i32
    %scan3A_17 = arith.constant 0 : i32
    %scan3A_18 = arith.constant 0 : i32
    %scan3A_19 = arith.constant 5 : i32
    %scan3A_20 = arith.addi %scan3A_18, %scan3A_19 : i32
    %scan3A_21 = arith.constant 1 : i32
    %scan3A_22 = scf.for %scan3A_25 = %scan3A_18 to %scan3A_20 step %scan3A_21 iter_args(%scan3A_26 = %scan3A_17) -> (i32)  : i32 {
      %mul3A_27 = arith.constant 128 : i32
      %mul3A_28 = arith.muli %scan3A_25, %mul3A_27 : i32
      %add3A_29 = arith.addi %mul3A_16, %mul3A_28 : i32
      %multiple_of3A = tpu.assume_multiple %add3A_29, 8 : i32
      "tpu.region"() ({
        %run_scoped3A = tpu.sem_alloc : memref<!tpu.dma_semaphore, #tpu.memory_space<semaphore_mem>>
        %dma_start3A_35 = tpu.memref_slice %arg2[%multiple_of3A] : memref<20480xi32, #tpu.memory_space<hbm>> -> memref<128xi32, #tpu.memory_space<hbm>>
        %dma_start3A_36 = tpu.memref_slice %arg2[%multiple_of3A] : memref<20480xi32, #tpu.memory_space<hbm>> -> memref<128xi32, #tpu.memory_space<hbm>>
        tpu.enqueue_dma source(%dma_start3A_36 : memref<128xi32, #tpu.memory_space<hbm>>) target(%arg6 : memref<128xi32, #tpu.memory_space<vmem>>) target_semaphore(%run_scoped3A : memref<!tpu.dma_semaphore, #tpu.memory_space<semaphore_mem>>)
        %dma_wait3A_37 = tpu.memref_slice %arg2[%multiple_of3A] : memref<20480xi32, #tpu.memory_space<hbm>> -> memref<128xi32, #tpu.memory_space<hbm>>
        %dma_wait3A_38 = tpu.memref_slice %arg2[%multiple_of3A] : memref<20480xi32, #tpu.memory_space<hbm>> -> memref<128xi32, #tpu.memory_space<hbm>>
        tpu.wait_dma2 semaphore(%run_scoped3A : memref<!tpu.dma_semaphore, #tpu.memory_space<semaphore_mem>>) src(%dma_wait3A_38 : memref<128xi32, #tpu.memory_space<hbm>>) dst(%arg6 : memref<128xi32, #tpu.memory_space<vmem>>)
        tpu.yield
      }) : () -> ()
      "tpu.region"() ({
        %run_scoped3A = tpu.sem_alloc : memref<!tpu.dma_semaphore, #tpu.memory_space<semaphore_mem>>
        %dma_start3A_35 = tpu.memref_slice %arg3[%multiple_of3A] : memref<20480xi32, #tpu.memory_space<hbm>> -> memref<128xi32, #tpu.memory_space<hbm>>
        %dma_start3A_36 = tpu.memref_slice %arg3[%multiple_of3A] : memref<20480xi32, #tpu.memory_space<hbm>> -> memref<128xi32, #tpu.memory_space<hbm>>
        tpu.enqueue_dma source(%dma_start3A_36 : memref<128xi32, #tpu.memory_space<hbm>>) target(%arg7 : memref<128xi32, #tpu.memory_space<vmem>>) target_semaphore(%run_scoped3A : memref<!tpu.dma_semaphore, #tpu.memory_space<semaphore_mem>>)
        %dma_wait3A_37 = tpu.memref_slice %arg3[%multiple_of3A] : memref<20480xi32, #tpu.memory_space<hbm>> -> memref<128xi32, #tpu.memory_space<hbm>>
        %dma_wait3A_38 = tpu.memref_slice %arg3[%multiple_of3A] : memref<20480xi32, #tpu.memory_space<hbm>> -> memref<128xi32, #tpu.memory_space<hbm>>
        tpu.wait_dma2 semaphore(%run_scoped3A : memref<!tpu.dma_semaphore, #tpu.memory_space<semaphore_mem>>) src(%dma_wait3A_38 : memref<128xi32, #tpu.memory_space<hbm>>) dst(%arg7 : memref<128xi32, #tpu.memory_space<vmem>>)
        tpu.yield
      }) : () -> ()
      %dma_start3A = arith.constant 0 : i32
      %dma_start3A_30 = arith.constant 0 : i32
      %dma_start3A_31 = tpu.memref_slice %arg4[%dma_start3A, %dma_start3A_30] : memref<10128x128xf32, #tpu.memory_space<hbm>> -> memref<10128x128xf32, #tpu.memory_space<hbm>>
      tpu.enqueue_indirect_dma source(%dma_start3A_31 : memref<10128x128xf32, #tpu.memory_space<hbm>>) target(%arg8 : memref<128x128xf32, #tpu.memory_space<vmem>>) offsets(%arg6 : memref<128xi32, #tpu.memory_space<vmem>>) semaphore(%arg10 : memref<!tpu.dma_semaphore, #tpu.memory_space<semaphore_mem>>)
      %dma_wait3A = arith.constant 0 : i32
      %dma_wait3A_32 = arith.constant 0 : i32
      %dma_wait3A_33 = tpu.memref_slice %arg4[%dma_wait3A, %dma_wait3A_32] : memref<10128x128xf32, #tpu.memory_space<hbm>> -> memref<10128x128xf32, #tpu.memory_space<hbm>>
      tpu.wait_indirect_dma semaphore(%arg10 : memref<!tpu.dma_semaphore, #tpu.memory_space<semaphore_mem>>) src(%dma_wait3A_33 : memref<10128x128xf32, #tpu.memory_space<hbm>>) dst(%arg8 : memref<128x128xf32, #tpu.memory_space<vmem>>)
      "tpu.region"() ({
        %run_scoped3A = tpu.sem_alloc : memref<!tpu.dma_semaphore, #tpu.memory_space<semaphore_mem>>
        %dma_start3A_35 = arith.constant 0 : i32
        %dma_start3A_36 = arith.constant 0 : i32
        %dma_start3A_37 = tpu.memref_slice %arg9[%dma_start3A_35, %dma_start3A_36] : memref<4224x128xf32, #tpu.memory_space<vmem_shared>> -> memref<4224x128xf32, #tpu.memory_space<vmem_shared>>
        tpu.enqueue_indirect_dma source(%arg8 : memref<128x128xf32, #tpu.memory_space<vmem>>) target(%dma_start3A_37 : memref<4224x128xf32, #tpu.memory_space<vmem_shared>>) offsets(%arg7 : memref<128xi32, #tpu.memory_space<vmem>>) semaphore(%run_scoped3A : memref<!tpu.dma_semaphore, #tpu.memory_space<semaphore_mem>>) {add = true}
        %dma_wait3A_38 = arith.constant 0 : i32
        %dma_wait3A_39 = arith.constant 0 : i32
        %dma_wait3A_40 = tpu.memref_slice %arg9[%dma_wait3A_38, %dma_wait3A_39] : memref<4224x128xf32, #tpu.memory_space<vmem_shared>> -> memref<4224x128xf32, #tpu.memory_space<vmem_shared>>
        tpu.wait_indirect_dma semaphore(%run_scoped3A : memref<!tpu.dma_semaphore, #tpu.memory_space<semaphore_mem>>) src(%arg8 : memref<128x128xf32, #tpu.memory_space<vmem>>) dst(%dma_wait3A_40 : memref<4224x128xf32, #tpu.memory_space<vmem_shared>>)
        tpu.yield
      }) : () -> ()
      %scan3A_34 = arith.constant 0 : i32
      scf.yield %scan3A_34 : i32
    }
    %scan3A_23 = arith.constant 5 : i32
    %barrier3A_24 = arith.constant 0 : index
    tpu.barrier barrier_id(%barrier3A_24)
    "tpu.region"() ({
      %run_scoped3A = tpu.sem_alloc : memref<!tpu.dma_semaphore, #tpu.memory_space<semaphore_mem>>
      %dma_start3A = arith.constant 0 : i32
      %dma_start3A_25 = tpu.memref_slice %arg5[%arg0, %mul3A_8, %dma_start3A] : memref<2x4224x128xf32, #tpu.memory_space<hbm>> -> memref<1x264x128xf32, #tpu.memory_space<hbm>>
      %dma_start3A_26 = tpu.memref_squeeze %dma_start3A_25 : memref<1x264x128xf32, #tpu.memory_space<hbm>> -> memref<264x128xf32, #tpu.memory_space<hbm>>
      %dma_start3A_27 = arith.constant 0 : i32
      %dma_start3A_28 = tpu.memref_slice %arg9[%mul3A_8, %dma_start3A_27] : memref<4224x128xf32, #tpu.memory_space<vmem_shared>> -> memref<264x128xf32, #tpu.memory_space<vmem_shared>>
      tpu.enqueue_dma source(%dma_start3A_28 : memref<264x128xf32, #tpu.memory_space<vmem_shared>>) target(%dma_start3A_26 : memref<264x128xf32, #tpu.memory_space<hbm>>) target_semaphore(%run_scoped3A : memref<!tpu.dma_semaphore, #tpu.memory_space<semaphore_mem>>)
      %dma_wait3A = arith.constant 0 : i32
      %dma_wait3A_29 = tpu.memref_slice %arg5[%arg0, %mul3A_8, %dma_wait3A] : memref<2x4224x128xf32, #tpu.memory_space<hbm>> -> memref<1x264x128xf32, #tpu.memory_space<hbm>>
      %dma_wait3A_30 = tpu.memref_squeeze %dma_wait3A_29 : memref<1x264x128xf32, #tpu.memory_space<hbm>> -> memref<264x128xf32, #tpu.memory_space<hbm>>
      %dma_wait3A_31 = arith.constant 0 : i32
      %dma_wait3A_32 = tpu.memref_slice %arg9[%mul3A_8, %dma_wait3A_31] : memref<4224x128xf32, #tpu.memory_space<vmem_shared>> -> memref<264x128xf32, #tpu.memory_space<vmem_shared>>
      tpu.wait_dma2 semaphore(%run_scoped3A : memref<!tpu.dma_semaphore, #tpu.memory_space<semaphore_mem>>) src(%dma_wait3A_32 : memref<264x128xf32, #tpu.memory_space<vmem_shared>>) dst(%dma_wait3A_30 : memref<264x128xf32, #tpu.memory_space<hbm>>)
      tpu.yield
    }) : () -> ()
    return
  }
}

module attributes {stable_mosaic.version = 14 : i64} {
  func.func @body(%arg0: memref<10000x128xf32, #tpu.memory_space<vmem>>, %arg1: memref<2x10000x128xf32, #tpu.memory_space<vmem>>, %arg2: memref<128x256xf32, #tpu.memory_space<vmem>>, %arg3: memref<1x256xf32, #tpu.memory_space<vmem>>, %arg4: memref<256x128xf32, #tpu.memory_space<vmem>>, %arg5: memref<1x128xf32, #tpu.memory_space<vmem>>, %arg6: memref<1x128xf32, #tpu.memory_space<vmem>>, %arg7: memref<1x128xf32, #tpu.memory_space<vmem>>, %arg8: memref<1x1xf32, #tpu.memory_space<vmem>>, %arg9: memref<10000x128xf32, #tpu.memory_space<vmem>>) attributes {dimension_semantics = [], scalar_prefetch = 0 : i64, scratch_operands = 0 : i64, tpu.core_type = #tpu.core_type<tc>} {
    %get3A = arith.constant 0 : index
    %get3A_0 = arith.constant 0 : index
    %get3A_1 = vector.load %arg8[%get3A, %get3A_0] : memref<1x1xf32, #tpu.memory_space<vmem>>, vector<1x1xf32>
    %get3A_2 = vector.extract %get3A_1[0, 0] : f32 from vector<1x1xf32>
    %add3A = arith.constant 1.000000e+00 : f32
    %add3A_3 = arith.addf %add3A, %get3A_2 : f32
    %get3A_4 = arith.constant 0 : index
    %get3A_5 = arith.constant 0 : index
    %get3A_6 = vector.load %arg0[%get3A_4, %get3A_5] : memref<10000x128xf32, #tpu.memory_space<vmem>>, vector<10000x128xf32>
    %mul3A = vector.broadcast %add3A_3 : f32 to vector<10000x128xf32>
    %mul3A_7 = arith.mulf %mul3A, %get3A_6 : vector<10000x128xf32>
    %get3A_8 = arith.constant 0 : index
    %get3A_9 = arith.constant 0 : index
    %get3A_10 = arith.constant 0 : index
    %get3A_11 = vector.load %arg1[%get3A_8, %get3A_9, %get3A_10] : memref<2x10000x128xf32, #tpu.memory_space<vmem>>, vector<1x10000x128xf32>
    %get3A_12 = vector.shape_cast %get3A_11 : vector<1x10000x128xf32> to vector<10000x128xf32>
    %add3A_13 = arith.addf %mul3A_7, %get3A_12 : vector<10000x128xf32>
    %get3A_14 = arith.constant 1 : index
    %get3A_15 = arith.constant 0 : index
    %get3A_16 = arith.constant 0 : index
    %get3A_17 = vector.load %arg1[%get3A_14, %get3A_15, %get3A_16] : memref<2x10000x128xf32, #tpu.memory_space<vmem>>, vector<1x10000x128xf32>
    %get3A_18 = vector.shape_cast %get3A_17 : vector<1x10000x128xf32> to vector<10000x128xf32>
    %add3A_19 = arith.addf %add3A_13, %get3A_18 : vector<10000x128xf32>
    %get3A_20 = arith.constant 0 : index
    %get3A_21 = arith.constant 0 : index
    %get3A_22 = vector.load %arg2[%get3A_20, %get3A_21] : memref<128x256xf32, #tpu.memory_space<vmem>>, vector<128x256xf32>
    %dot_general3A = arith.constant dense<0.000000e+00> : vector<10000x256xf32>
    %dot_general3A_23 = tpu.matmul %add3A_19, %get3A_22, %dot_general3A {dimension_numbers = #tpu.dot_dimension_numbers<[1], [0], [0], [1], [0, 0, 1, 1], [], []>, transpose_lhs_hint = false} : vector<10000x128xf32>, vector<128x256xf32>, vector<10000x256xf32> -> vector<10000x256xf32>
    %get3A_24 = arith.constant 0 : index
    %get3A_25 = arith.constant 0 : index
    %get3A_26 = vector.load %arg3[%get3A_24, %get3A_25] : memref<1x256xf32, #tpu.memory_space<vmem>>, vector<1x256xf32>
    %add3A_27 = vector.broadcast %get3A_26 : vector<1x256xf32> to vector<10000x256xf32>
    %add3A_28 = arith.addf %dot_general3A_23, %add3A_27 : vector<10000x256xf32>
    %max3A = arith.constant 0.000000e+00 : f32
    %max3A_29 = vector.broadcast %max3A : f32 to vector<10000x256xf32>
    %max3A_30 = arith.maximumf %add3A_28, %max3A_29 : vector<10000x256xf32>
    %get3A_31 = arith.constant 0 : index
    %get3A_32 = arith.constant 0 : index
    %get3A_33 = vector.load %arg4[%get3A_31, %get3A_32] : memref<256x128xf32, #tpu.memory_space<vmem>>, vector<256x128xf32>
    %dot_general3A_34 = arith.constant dense<0.000000e+00> : vector<10000x128xf32>
    %dot_general3A_35 = tpu.matmul %max3A_30, %get3A_33, %dot_general3A_34 {dimension_numbers = #tpu.dot_dimension_numbers<[1], [0], [0], [1], [0, 0, 1, 1], [], []>, transpose_lhs_hint = false} : vector<10000x256xf32>, vector<256x128xf32>, vector<10000x128xf32> -> vector<10000x128xf32>
    %get3A_36 = arith.constant 0 : index
    %get3A_37 = arith.constant 0 : index
    %get3A_38 = vector.load %arg5[%get3A_36, %get3A_37] : memref<1x128xf32, #tpu.memory_space<vmem>>, vector<1x128xf32>
    %add3A_39 = vector.broadcast %get3A_38 : vector<1x128xf32> to vector<10000x128xf32>
    %add3A_40 = arith.addf %dot_general3A_35, %add3A_39 : vector<10000x128xf32>
    %reduce_sum3A = arith.constant dense<0.000000e+00> : vector<128xf32>
    %reduce_sum3A_41 = vector.multi_reduction <add>, %add3A_40, %reduce_sum3A [0] : vector<10000x128xf32> to vector<128xf32>
    %broadcast_in_dim3A = vector.shape_cast %reduce_sum3A_41 : vector<128xf32> to vector<1x128xf32>
    %div3A = arith.constant 1.000000e+04 : f32
    %div3A_42 = vector.broadcast %div3A : f32 to vector<1x128xf32>
    %div3A_43 = arith.divf %broadcast_in_dim3A, %div3A_42 : vector<1x128xf32>
    %sub3A = vector.broadcast %div3A_43 : vector<1x128xf32> to vector<10000x128xf32>
    %sub3A_44 = arith.subf %add3A_40, %sub3A : vector<10000x128xf32>
    %mul3A_45 = arith.mulf %sub3A_44, %sub3A_44 : vector<10000x128xf32>
    %reduce_sum3A_46 = arith.constant dense<0.000000e+00> : vector<128xf32>
    %reduce_sum3A_47 = vector.multi_reduction <add>, %mul3A_45, %reduce_sum3A_46 [0] : vector<10000x128xf32> to vector<128xf32>
    %broadcast_in_dim3A_48 = vector.shape_cast %reduce_sum3A_47 : vector<128xf32> to vector<1x128xf32>
    %div3A_49 = arith.constant 1.000000e+04 : f32
    %div3A_50 = vector.broadcast %div3A_49 : f32 to vector<1x128xf32>
    %div3A_51 = arith.divf %broadcast_in_dim3A_48, %div3A_50 : vector<1x128xf32>
    %add3A_52 = arith.constant 9.99999974E-6 : f32
    %add3A_53 = vector.broadcast %add3A_52 : f32 to vector<1x128xf32>
    %add3A_54 = arith.addf %div3A_51, %add3A_53 : vector<1x128xf32>
    %rsqrt3A = math.rsqrt %add3A_54 : vector<1x128xf32>
    %mul3A_55 = vector.broadcast %rsqrt3A : vector<1x128xf32> to vector<10000x128xf32>
    %mul3A_56 = arith.mulf %sub3A_44, %mul3A_55 : vector<10000x128xf32>
    %get3A_57 = arith.constant 0 : index
    %get3A_58 = arith.constant 0 : index
    %get3A_59 = vector.load %arg6[%get3A_57, %get3A_58] : memref<1x128xf32, #tpu.memory_space<vmem>>, vector<1x128xf32>
    %mul3A_60 = vector.broadcast %get3A_59 : vector<1x128xf32> to vector<10000x128xf32>
    %mul3A_61 = arith.mulf %mul3A_56, %mul3A_60 : vector<10000x128xf32>
    %get3A_62 = arith.constant 0 : index
    %get3A_63 = arith.constant 0 : index
    %get3A_64 = vector.load %arg7[%get3A_62, %get3A_63] : memref<1x128xf32, #tpu.memory_space<vmem>>, vector<1x128xf32>
    %add3A_65 = vector.broadcast %get3A_64 : vector<1x128xf32> to vector<10000x128xf32>
    %add3A_66 = arith.addf %mul3A_61, %add3A_65 : vector<10000x128xf32>
    %max3A_67 = arith.constant 0.000000e+00 : f32
    %max3A_68 = vector.broadcast %max3A_67 : f32 to vector<10000x128xf32>
    %max3A_69 = arith.maximumf %add3A_66, %max3A_68 : vector<10000x128xf32>
    %swap3A = arith.constant 0 : index
    %swap3A_70 = arith.constant 0 : index
    %swap3A_71 = vector.load %arg9[%swap3A, %swap3A_70] : memref<10000x128xf32, #tpu.memory_space<vmem>>, vector<10000x128xf32>
    tpu.vector_store %arg9[%swap3A, %swap3A_70], %max3A_69 {strides = array<i32>} : memref<10000x128xf32, #tpu.memory_space<vmem>>, vector<10000x128xf32>,
    return
  }
}

module attributes {stable_mosaic.version = 14 : i64} {
  func.func @body(%arg0: memref<10000x128xf32, #tpu.memory_space<vmem>>, %arg1: memref<2x10000x128xf32, #tpu.memory_space<vmem>>, %arg2: memref<128x256xf32, #tpu.memory_space<vmem>>, %arg3: memref<1x256xf32, #tpu.memory_space<vmem>>, %arg4: memref<256x128xf32, #tpu.memory_space<vmem>>, %arg5: memref<1x128xf32, #tpu.memory_space<vmem>>, %arg6: memref<1x128xf32, #tpu.memory_space<vmem>>, %arg7: memref<1x128xf32, #tpu.memory_space<vmem>>, %arg8: memref<1x1xf32, #tpu.memory_space<vmem>>, %arg9: memref<10128x128xf32, #tpu.memory_space<vmem>>) attributes {dimension_semantics = [], scalar_prefetch = 0 : i64, scratch_operands = 0 : i64, tpu.core_type = #tpu.core_type<tc>} {
    %get3A = arith.constant 0 : index
    %get3A_0 = arith.constant 0 : index
    %get3A_1 = vector.load %arg8[%get3A, %get3A_0] : memref<1x1xf32, #tpu.memory_space<vmem>>, vector<1x1xf32>
    %get3A_2 = vector.extract %get3A_1[0, 0] : f32 from vector<1x1xf32>
    %add3A = arith.constant 1.000000e+00 : f32
    %add3A_3 = arith.addf %add3A, %get3A_2 : f32
    %get3A_4 = arith.constant 0 : index
    %get3A_5 = arith.constant 0 : index
    %get3A_6 = vector.load %arg0[%get3A_4, %get3A_5] : memref<10000x128xf32, #tpu.memory_space<vmem>>, vector<10000x128xf32>
    %mul3A = vector.broadcast %add3A_3 : f32 to vector<10000x128xf32>
    %mul3A_7 = arith.mulf %mul3A, %get3A_6 : vector<10000x128xf32>
    %get3A_8 = arith.constant 0 : index
    %get3A_9 = arith.constant 0 : index
    %get3A_10 = arith.constant 0 : index
    %get3A_11 = vector.load %arg1[%get3A_8, %get3A_9, %get3A_10] : memref<2x10000x128xf32, #tpu.memory_space<vmem>>, vector<1x10000x128xf32>
    %get3A_12 = vector.shape_cast %get3A_11 : vector<1x10000x128xf32> to vector<10000x128xf32>
    %add3A_13 = arith.addf %mul3A_7, %get3A_12 : vector<10000x128xf32>
    %get3A_14 = arith.constant 1 : index
    %get3A_15 = arith.constant 0 : index
    %get3A_16 = arith.constant 0 : index
    %get3A_17 = vector.load %arg1[%get3A_14, %get3A_15, %get3A_16] : memref<2x10000x128xf32, #tpu.memory_space<vmem>>, vector<1x10000x128xf32>
    %get3A_18 = vector.shape_cast %get3A_17 : vector<1x10000x128xf32> to vector<10000x128xf32>
    %add3A_19 = arith.addf %add3A_13, %get3A_18 : vector<10000x128xf32>
    %get3A_20 = arith.constant 0 : index
    %get3A_21 = arith.constant 0 : index
    %get3A_22 = vector.load %arg2[%get3A_20, %get3A_21] : memref<128x256xf32, #tpu.memory_space<vmem>>, vector<128x256xf32>
    %dot_general3A = arith.constant dense<0.000000e+00> : vector<10000x256xf32>
    %dot_general3A_23 = tpu.matmul %add3A_19, %get3A_22, %dot_general3A {dimension_numbers = #tpu.dot_dimension_numbers<[1], [0], [0], [1], [0, 0, 1, 1], [], []>, transpose_lhs_hint = false} : vector<10000x128xf32>, vector<128x256xf32>, vector<10000x256xf32> -> vector<10000x256xf32>
    %get3A_24 = arith.constant 0 : index
    %get3A_25 = arith.constant 0 : index
    %get3A_26 = vector.load %arg3[%get3A_24, %get3A_25] : memref<1x256xf32, #tpu.memory_space<vmem>>, vector<1x256xf32>
    %add3A_27 = vector.broadcast %get3A_26 : vector<1x256xf32> to vector<10000x256xf32>
    %add3A_28 = arith.addf %dot_general3A_23, %add3A_27 : vector<10000x256xf32>
    %max3A = arith.constant 0.000000e+00 : f32
    %max3A_29 = vector.broadcast %max3A : f32 to vector<10000x256xf32>
    %max3A_30 = arith.maximumf %add3A_28, %max3A_29 : vector<10000x256xf32>
    %get3A_31 = arith.constant 0 : index
    %get3A_32 = arith.constant 0 : index
    %get3A_33 = vector.load %arg4[%get3A_31, %get3A_32] : memref<256x128xf32, #tpu.memory_space<vmem>>, vector<256x128xf32>
    %dot_general3A_34 = arith.constant dense<0.000000e+00> : vector<10000x128xf32>
    %dot_general3A_35 = tpu.matmul %max3A_30, %get3A_33, %dot_general3A_34 {dimension_numbers = #tpu.dot_dimension_numbers<[1], [0], [0], [1], [0, 0, 1, 1], [], []>, transpose_lhs_hint = false} : vector<10000x256xf32>, vector<256x128xf32>, vector<10000x128xf32> -> vector<10000x128xf32>
    %get3A_36 = arith.constant 0 : index
    %get3A_37 = arith.constant 0 : index
    %get3A_38 = vector.load %arg5[%get3A_36, %get3A_37] : memref<1x128xf32, #tpu.memory_space<vmem>>, vector<1x128xf32>
    %add3A_39 = vector.broadcast %get3A_38 : vector<1x128xf32> to vector<10000x128xf32>
    %add3A_40 = arith.addf %dot_general3A_35, %add3A_39 : vector<10000x128xf32>
    %reduce_sum3A = arith.constant dense<0.000000e+00> : vector<128xf32>
    %reduce_sum3A_41 = vector.multi_reduction <add>, %add3A_40, %reduce_sum3A [0] : vector<10000x128xf32> to vector<128xf32>
    %broadcast_in_dim3A = vector.shape_cast %reduce_sum3A_41 : vector<128xf32> to vector<1x128xf32>
    %div3A = arith.constant 1.000000e+04 : f32
    %div3A_42 = vector.broadcast %div3A : f32 to vector<1x128xf32>
    %div3A_43 = arith.divf %broadcast_in_dim3A, %div3A_42 : vector<1x128xf32>
    %sub3A = vector.broadcast %div3A_43 : vector<1x128xf32> to vector<10000x128xf32>
    %sub3A_44 = arith.subf %add3A_40, %sub3A : vector<10000x128xf32>
    %mul3A_45 = arith.mulf %sub3A_44, %sub3A_44 : vector<10000x128xf32>
    %reduce_sum3A_46 = arith.constant dense<0.000000e+00> : vector<128xf32>
    %reduce_sum3A_47 = vector.multi_reduction <add>, %mul3A_45, %reduce_sum3A_46 [0] : vector<10000x128xf32> to vector<128xf32>
    %broadcast_in_dim3A_48 = vector.shape_cast %reduce_sum3A_47 : vector<128xf32> to vector<1x128xf32>
    %div3A_49 = arith.constant 1.000000e+04 : f32
    %div3A_50 = vector.broadcast %div3A_49 : f32 to vector<1x128xf32>
    %div3A_51 = arith.divf %broadcast_in_dim3A_48, %div3A_50 : vector<1x128xf32>
    %add3A_52 = arith.constant 9.99999974E-6 : f32
    %add3A_53 = vector.broadcast %add3A_52 : f32 to vector<1x128xf32>
    %add3A_54 = arith.addf %div3A_51, %add3A_53 : vector<1x128xf32>
    %rsqrt3A = math.rsqrt %add3A_54 : vector<1x128xf32>
    %mul3A_55 = vector.broadcast %rsqrt3A : vector<1x128xf32> to vector<10000x128xf32>
    %mul3A_56 = arith.mulf %sub3A_44, %mul3A_55 : vector<10000x128xf32>
    %get3A_57 = arith.constant 0 : index
    %get3A_58 = arith.constant 0 : index
    %get3A_59 = vector.load %arg6[%get3A_57, %get3A_58] : memref<1x128xf32, #tpu.memory_space<vmem>>, vector<1x128xf32>
    %mul3A_60 = vector.broadcast %get3A_59 : vector<1x128xf32> to vector<10000x128xf32>
    %mul3A_61 = arith.mulf %mul3A_56, %mul3A_60 : vector<10000x128xf32>
    %get3A_62 = arith.constant 0 : index
    %get3A_63 = arith.constant 0 : index
    %get3A_64 = vector.load %arg7[%get3A_62, %get3A_63] : memref<1x128xf32, #tpu.memory_space<vmem>>, vector<1x128xf32>
    %add3A_65 = vector.broadcast %get3A_64 : vector<1x128xf32> to vector<10000x128xf32>
    %add3A_66 = arith.addf %mul3A_61, %add3A_65 : vector<10000x128xf32>
    %broadcast_in_dim3A_67 = arith.constant 1.000000e+00 : f32
    %broadcast_in_dim3A_68 = vector.broadcast %broadcast_in_dim3A_67 : f32 to vector<128x128xf32>
    %concatenate3A = tpu.concatenate %add3A_66, %broadcast_in_dim3A_68 in 0 : vector<10000x128xf32>, vector<128x128xf32> -> vector<10128x128xf32>
    %swap3A = arith.constant 0 : index
    %swap3A_69 = arith.constant 0 : index
    %swap3A_70 = vector.load %arg9[%swap3A, %swap3A_69] : memref<10128x128xf32, #tpu.memory_space<vmem>>, vector<10128x128xf32>
    tpu.vector_store %arg9[%swap3A, %swap3A_69], %concatenate3A {strides = array<i32>} : memref<10128x128xf32, #tpu.memory_space<vmem>>, vector<10128x128xf32>,
    return
  }
}

module attributes {stable_mosaic.version = 14 : i64} {
  func.func @body(%arg0: memref<2x4096x128xf32, #tpu.memory_space<vmem>>, %arg1: memref<2048x128xf32, #tpu.memory_space<vmem>>) attributes {dimension_semantics = [], scalar_prefetch = 0 : i64, scratch_operands = 0 : i64, tpu.core_type = #tpu.core_type<tc>} {
    %get3A = arith.constant 0 : index
    %get3A_0 = arith.constant 0 : index
    %get3A_1 = arith.constant 0 : index
    %get3A_2 = vector.load %arg0[%get3A, %get3A_0, %get3A_1] : memref<2x4096x128xf32, #tpu.memory_space<vmem>>, vector<1x2048x128xf32>
    %get3A_3 = vector.shape_cast %get3A_2 : vector<1x2048x128xf32> to vector<2048x128xf32>
    %get3A_4 = arith.constant 1 : index
    %get3A_5 = arith.constant 0 : index
    %get3A_6 = arith.constant 0 : index
    %get3A_7 = vector.load %arg0[%get3A_4, %get3A_5, %get3A_6] : memref<2x4096x128xf32, #tpu.memory_space<vmem>>, vector<1x2048x128xf32>
    %get3A_8 = vector.shape_cast %get3A_7 : vector<1x2048x128xf32> to vector<2048x128xf32>
    %add3A = arith.addf %get3A_3, %get3A_8 : vector<2048x128xf32>
    %get3A_9 = arith.constant 0 : index
    %get3A_10 = arith.constant 2048 : index
    %get3A_11 = arith.constant 0 : index
    %get3A_12 = vector.load %arg0[%get3A_9, %get3A_10, %get3A_11] : memref<2x4096x128xf32, #tpu.memory_space<vmem>>, vector<1x2048x128xf32>
    %get3A_13 = vector.shape_cast %get3A_12 : vector<1x2048x128xf32> to vector<2048x128xf32>
    %get3A_14 = arith.constant 1 : index
    %get3A_15 = arith.constant 2048 : index
    %get3A_16 = arith.constant 0 : index
    %get3A_17 = vector.load %arg0[%get3A_14, %get3A_15, %get3A_16] : memref<2x4096x128xf32, #tpu.memory_space<vmem>>, vector<1x2048x128xf32>
    %get3A_18 = vector.shape_cast %get3A_17 : vector<1x2048x128xf32> to vector<2048x128xf32>
    %add3A_19 = arith.addf %get3A_13, %get3A_18 : vector<2048x128xf32>
    %jit3A = arith.constant 1.000000e+00 : f32
    %max3A = vector.broadcast %jit3A : f32 to vector<2048x128xf32>
    %max3A_20 = arith.maximumf %max3A, %add3A_19 : vector<2048x128xf32>
    %div3A = arith.divf %add3A, %max3A_20 : vector<2048x128xf32>
    %swap3A = arith.constant 0 : index
    %swap3A_21 = arith.constant 0 : index
    %swap3A_22 = vector.load %arg1[%swap3A, %swap3A_21] : memref<2048x128xf32, #tpu.memory_space<vmem>>, vector<2048x128xf32>
    tpu.vector_store %arg1[%swap3A, %swap3A_21], %div3A {strides = array<i32>} : memref<2048x128xf32, #tpu.memory_space<vmem>>, vector<2048x128xf32>,
    return
  }
}

</mosaic_0001>

<sc_bundles>
// kernel: kernel.14.cloned.1.call-start
scs
__scs_entry_jumppad:
0x0: {  	(pc) =	sbr.rel $0x88, $3  }
0x1: {  	(tag) =	ssettag $0x0;
	lr =	simm.s32 $0x1  }
0x2: {  	[smem:$0x3F97] =	sst lr;
	_ =	strace $0xD0000000  }
0x3: {  	_ = 	snop  }
0x4: {  	_ = 	snop  }
0x5: {  	_ = 	snop  }
0x6: {  	_ = 	snop  }
0x7: {  	_ = 	snop  }
__scs_overlays_trampoline_lowered:
0x8: {  	[smem:$0x3FA6] =	sst s0  }
0x9: {  	[smem:$0x3FA7] =	sst s1  }
0xa: {  	[smem:$0x3FA8] =	sst s2  }
0xb: {  	[smem:$0x3FA9] =	sst s3  }
0xc: {  	[smem:$0x3FAA] =	sst s4  }
0xd: {  	[smem:$0x3FAB] =	sst s5  }
0xe: {  	[smem:$0x3FAC] =	sst s6  }
0xf: {  	[smem:$0x3FAD] =	sst s7  }
0x10: {  	[smem:$0x3FAE] =	sst s8  }
0x11: {  	[smem:$0x3FAF] =	sst s9;
	s0 =	simm.s32 @!p0 $0x0  }
0x12: {  	s1 =	sld [smem:$0x3F95];
	s0 =	simm.s32 @p0 $0x1  }
0x13: {  	[smem:$0x3FB0] =	sst s0;
	s0 =	simm.s32 @!p1 $0x0  }
0x14: {  	s2 =	sld [smem:$0x3F94];
	s0 =	simm.s32 @p1 $0x1  }
0x15: {  	[smem:$0x3FB1] =	sst s0;
	s0 =	simm.s32 @!p2 $0x0  }
0x16: {  	s3 =	sld [smem:$0x3FDB];
	s0 =	simm.s32 @p2 $0x1  }
0x17: {  	s4 =	simm.s32 $0x1BF5;
	[smem:$0x3FB3] =	sst s0  }
0x18: {  	s0 =	sld [smem:$0x3F96];
	_ =	swait.ge [sflag:s4], $0x0  }
0x19: {  	s7 =	sld [smem:$0x3F97]  }
0x1a: {  	s8 =	sadd.s32 $0xFFFFE003, lr  }
0x1b: {  	s9 =	sadd.s32 $0xFFFFFEF7, lr;
	s5 =	simm.s32 $0xFFFFFFFF;
	p2 =	slt.u32 s8, $0xFFFFF086  }
0x1c: {  	p1 =	slt.u32 s9, $0xF7A;
	s5 =	simm.s32 @!p2 $0x0  }
0x1d: {  	s5 =	simm.s32 @p1 $0x1;
	p0 =	seq.s32 s7, s2  }
0x1e: {  	s7 =	smul.u32 @!p0 $0xF7A, s2;
	p2 =	seq.s32 @!p0 s5, $0x0  }
0x1f: {  	s9 =	smul.u32 $0xF7A, s1;
	s8 =	simm.s32 @!p0 $0x1BF5;
	p2 =	por !p2, p0  }
0x20: {  	[sflag:s8] =	ssyncset.s32 @!p0 $0xFFFFF086;
	s6 =	sadd.s32 @!p0 s3, s7;
	s7 =	simm.s32 @!p0 $0x108  }
0x21: {  	s3 =	sadd.s32 s3, s9;
	s6 =	sadd.s32 @!p0 $0x88, s6;
	s7 =	simm.s32 @p2 $0x1082  }
0x22: {  	[simem:s7], [sflag:s8] =	dma.local @!p0 [hbm:s6], $0xF7A  }
0x23: {  	s9 =	sor.u32 $0xD0000000, s2;
	s6 =	simm.s32 $0x108;
	_ =	swait.ge @!p0 [sflag:s8], $0x0  }
0x24: {  	s3 =	sadd.s32 $0x88, s3;
	s6 =	simm.s32 @!p1 $0x1082;
	[sflag:s4] =	ssyncset.s32 $0xFFFFF086  }
0x25: {  	[simem:s6], [sflag:s4] =	dma.local [hbm:s3], $0xF7A  }
0x26: {  	[smem:$0x3F97] =	sst s1;
	(tag) =	ssettag s2;
	_ =	strace s9  }
0x27: {  	s1 =	sld [smem:$0x3FA7]  }
0x28: {  	s2 =	sld [smem:$0x3FA8]  }
0x29: {  	s4 =	sld [smem:$0x3FAA]  }
0x2a: {  	p0 =	seq.s32 s5, $0x0;
	s5 =	sld [smem:$0x3FAB]  }
0x2b: {  	s6 =	sld [smem:$0x3FAC]  }
0x2c: {  	s7 =	sld [smem:$0x3FAD]  }
0x2d: {  	s3 =	simm.s32 $0x108;
	s8 =	sld [smem:$0x3FAE]  }
0x2e: {  	s3 =	simm.s32 @!p0 $0x1082;
	s9 =	sld [smem:$0x3FAF]  }
0x2f: {  	lr =	sadd.s32 s0, s3;
	s0 =	sld [smem:$0x3FA6]  }
0x30: {  	s3 =	sld [smem:$0x3FA9]  }
0x31: {  	[smem:$0x3FB2] =	sst s10  }
0x32: {  	s10 =	sld [smem:$0x3FB0];
	_ =	sdelay $0x3  }
0x33: {  	p0 =	seq.s32 s10, $0x1;
	s10 =	sld [smem:$0x3FB2];
	_ =	sdelay $0x3  }
0x34: {  	[smem:$0x3FB2] =	sst s10  }
0x35: {  	s10 =	sld [smem:$0x3FB1];
	_ =	sdelay $0x3  }
0x36: {  	p1 =	seq.s32 s10, $0x1;
	s10 =	sld [smem:$0x3FB2];
	_ =	sdelay $0x3  }
0x37: {  	[smem:$0x3FB2] =	sst s10  }
0x38: {  	s10 =	sld [smem:$0x3FB3]  }
0x39: {  	_ = 	snop;
	(pc) =	sbr.ind lr, $3  }
0x3a: {  	_ = 	snop  }
0x3b: {  	_ = 	snop  }
0x3c: {  	p2 =	seq.s32 s10, $0x1;
	s10 =	sld [smem:$0x3FB2]  }
0x3d: {  	_ =	shalt  }
0x3e: {  	_ =	shalt  }
0x3f: {  	_ =	shalt  }
0x40: {  	_ =	shalt  }
0x41: {  	_ =	shalt  }
0x42: {  	_ =	shalt  }
0x43: {  	_ =	shalt  }
0x44: {  	_ =	shalt  }
0x45: {  	_ =	shalt  }
0x46: {  	_ =	shalt  }
0x47: {  	_ =	shalt  }
0x48: {  	_ =	shalt  }
0x49: {  	_ =	shalt  }
0x4a: {  	_ =	shalt  }
0x4b: {  	_ =	shalt  }
0x4c: {  	_ =	shalt  }
0x4d: {  	_ =	shalt  }
0x4e: {  	_ =	shalt  }
0x4f: {  	_ =	shalt  }
0x50: {  	_ =	shalt  }
0x51: {  	_ =	shalt  }
0x52: {  	_ =	shalt  }
0x53: {  	_ =	shalt  }
0x54: {  	_ =	shalt  }
0x55: {  	_ =	shalt  }
0x56: {  	_ =	shalt  }
0x57: {  	_ =	shalt  }
0x58: {  	_ =	shalt  }
0x59: {  	_ =	shalt  }
0x5a: {  	_ =	shalt  }
0x5b: {  	_ =	shalt  }
0x5c: {  	_ =	shalt  }
0x5d: {  	_ =	shalt  }
0x5e: {  	_ =	shalt  }
0x5f: {  	_ =	shalt  }
0x60: {  	_ =	shalt  }
0x61: {  	_ =	shalt  }
0x62: {  	_ =	shalt  }
0x63: {  	_ =	shalt  }
0x64: {  	_ =	shalt  }
0x65: {  	_ =	shalt  }
0x66: {  	_ =	shalt  }
0x67: {  	_ =	shalt  }
0x68: {  	_ =	shalt  }
0x69: {  	_ =	shalt  }
0x6a: {  	_ =	shalt  }
0x6b: {  	_ =	shalt  }
0x6c: {  	_ =	shalt  }
0x6d: {  	_ =	shalt  }
0x6e: {  	_ =	shalt  }
0x6f: {  	_ =	shalt  }
0x70: {  	_ =	shalt  }
0x71: {  	_ =	shalt  }
0x72: {  	_ =	shalt  }
0x73: {  	_ =	shalt  }
0x74: {  	_ =	shalt  }
0x75: {  	_ =	shalt  }
0x76: {  	_ =	shalt  }
0x77: {  	_ =	shalt  }
0x78: {  	_ =	shalt  }
0x79: {  	_ =	shalt  }
0x7a: {  	_ =	shalt  }
0x7b: {  	_ =	shalt  }
0x7c: {  	_ =	shalt  }
0x7d: {  	_ =	shalt  }
0x7e: {  	_ =	shalt  }
0x7f: {  	_ =	shalt  }
0x80: {  	_ =	shalt  }
0x81: {  	_ =	shalt  }
0x82: {  	_ =	shalt  }
0x83: {  	_ =	shalt  }
0x84: {  	_ =	shalt  }
0x85: {  	_ =	shalt  }
0x86: {  	_ =	shalt  }
0x87: {  	_ =	shalt  }
.Lfunc_end0:
.L_simem_size_0:
called_computation_lowered:
.L_overlay_start_0:
0x88: {  	s2 =	sld [smem:$0x3FD9]  }
0x89: {  	s3 =	sld [smem:$0x3FFE];
	_ =	sdelay $0x1  }
0x8a: {  	s1 =	srdreg.scid  }
0x8b: {  	s0 =	sand.u32 $0x1, s1  }
0x8c: {  	s17 =	sshll.u32 s0, $0xA;
	s2 =	sadd.s32 s3, s2  }
0x8d: {  	s2 =	sadd.s32 s2, s17  }
0x8e: {  	[smem:$0x3FBE] =	sst s2  }
0x8f: {  	_ = 	snop  }
0x90: {  	s2 =	sld [smem:$0x3FC9];
	(tm) =	ssettm $0x1  }
0x91: {  	s18 =	sld [smem:$0x3FFB];
	_ =	sdelay $0x3  }
0x92: {  	_ =	strace s18  }
0x93: {  	s3 =	sld [smem:$0x3FFC];
	_ =	sdelay $0x3  }
0x94: {  	_ =	strace s3  }
0x95: {  	s3 =	sld [smem:$0x3FFD];
	_ =	sdelay $0x3  }
0x96: {  	_ =	strace s3  }
0x97: {  	_ =	strace $0x8FFFFFFF  }
0x98: {  	s19 =	sld [smem:$0x3FDB];
	_ =	sdelay $0x1  }
0x99: {  	s4 =	simm.s32 $_scs_section_size  }
0x9a: {  	s5 =	simm.s32 $_size__tile_overlayer_lowered;
	s6 =	simm.s32 $_tile_overlayer_lowered  }
0x9b: {  	s22 =	simm.s32 $0x1BFF;
	s21 =	sshll.u32 s6, $0x1;
	s3 =	sadd.s32 s4, s19  }
0x9c: {  	s7 =	simm.s32 $0x0;
	s20 =	sshll.u32 s5, $0x1;
	s5 =	sadd.s32 s21, s3  }
0x9d: {  	[timem:s7], [sflag:s22] =	dma.local [hbm:s5], s20  }
0x9e: {  	_ =	swait.ge [sflag:s22], s20  }
0x9f: {  	s4 =	ssub.s32 $0x0, s20;
	[sflag:s22] =	ssyncset.done $0x0  }
0xa0: {  	[sflag:s22] =	ssyncadd.s32 s4;
	_ =	sdelay $0x1  }
0xa1: {  	s23 =	simm.s32 $0x1B8B  }
0xa2: {  	_ =	swait.ge [sflag:s23], $0x1  }
0xa3: {  	[sflag:s23] =	ssyncset.done $0x0  }
0xa4: {  	s25 =	simm.s32 $0x1B8E;
	s24 =	sld [smem:$0x3FFE];
	[sflag:s23] =	ssyncadd.s32 $0xFFFFFFFF  }
0xa5: {  	s26 =	simm.s32 $execute0_lowered;
	[smem:$0x3FD2] =	sst s25  }
0xa6: {  	s5 =	sshll.u32 s26, $0x1;
	_ =	strace $0x80000046;
	[dreg:$0x1] =	wrdreg $0xFFFFFFFF  }
0xa7: {  	s28 =	simm.s32 $_size_execute0_lowered;
	s3 =	sadd.s32 s3, s5;
	[dreg:$0x0] =	wrdreg $0x0  }
0xa8: {  	s5 =	sshll.u32 s28, $0x1;
	[dreg:$0x2] =	wrdreg s3  }
0xa9: {  	[dreg:$0x3] =	wrdreg s5  }
0xaa: {  	[dreg:$0x4] =	wrdreg $0xC0  }
0xab: {  	_ =	task [dreg:s7], $0x5FFFF  }
0xac: {  	[dreg:$0x1] =	wrdreg $0xFFFFFFFF  }
0xad: {  	[dreg:$0x0] =	wrdreg $0x60  }
0xae: {  	[dreg:$0x2] =	wrdreg s24  }
0xaf: {  	[dreg:$0x3] =	wrdreg s2  }
0xb0: {  	[dreg:$0x4] =	wrdreg $0x41000  }
0xb1: {  	[dreg:$0x5] =	wrdreg $0x9  }
0xb2: {  	_ =	task.clear_ibuf [dreg:s7], $0x6FFFF;
	_ =	strace $0x90000046  }
0xb3: {  	s29 =	simm.s32 $0x9;
	_ =	strace $0x80000048  }
0xb4: {  	_ =	swait.ge [sflag:s29], $0x1  }
0xb5: {  	[sflag:s29] =	ssyncadd.s32 $0xFFFFFFFF  }
0xb6: {  	_ =	strace $0x90000048  }
0xb7: {  	_ =	sfence  }
0xb8: {  	s30 =	sld [smem:$0x0];
	_ =	sdelay $0x2  }
0xb9: {  	s31 =	sshll.u32 s1, $0xD;
	s1 =	sshrl.u32 s1, $0x2  }
0xba: {  	s3 =	sand.u32 $0x4000, s31;
	s1 =	sadd.s32 s1, s30  }
0xbb: {  	s0 =	sor.u32 s3, s0;
	s1 =	sshll.u32 s1, $0x11  }
0xbc: {  	s0 =	sor.u32 s1, s0  }
0xbd: {  	s0 =	sadd.s32 $0x8F2B, s0  }
0xbe: {  	[sflag:s0] =	ssyncadd.remote.s32 $0x1  }
0xbf: {  	_ =	sfence.sel $0xFFFF  }
0xc0: {  	[dreg:$0x0] =	wrdreg $0xFFFFFFFF;
	(pc) =	sbr.abs _section_cstart, $3  }
0xc1: {  	[dreg:$0x1] =	wrdreg $0xFFFFFFFF  }
0xc2: {  	_ =	task.clear_ibuf [dreg:s7], $0x2FFFF;
	_ =	strace $0x9FFFFFFF  }
0xc3: {  	(tm) =	ssettm $0x7FFFFFFF  }
tec
execute0_lowered:
.L_overlay_start_1:
0x0: {  	(tag) =	ssettag $0x1  }
0x1: {  	s5 =	rddreg [dreg:$0x0]  }
0x2: {  	s2 =	rddreg [dreg:$0x1]  }
0x3: {  	s0 =	srdreg.scid;
	s3 =	rddreg [dreg:$0x2]  }
0x4: {  	s1 =	rddreg [dreg:$0x3];
	s6 =	sand.u32 $0x1, s0  }
0x5: {  	s0 =	stileid.u32;
	s7 =	smul.u32 $0x13C000, s6  }
0x6: {  	s4 =	simm.s32 $0x0;
	s15 =	simm.s32 $0x2;
	s8 =	smul.u32 $0x13C00, s0  }
0x7: {  	s16 =	simm.s32 $0x80;
	s17 =	simm.s32 $0x1;
	s9 =	smul.u32 $0x4F00, s6  }
0x8: {  	s20 =	simm.s32 $0x0;
	[smem:$0x7FF] =	sst s4;
	s29 =	smul.u32 $0x4F000, s0  }
0x9: {  	_ =	strace $0x80000047;
	s6 =	ssub.s32 $0x2, s6;
	s18 =	sshll.u32 s0, $0x6  }
0xa: {  	s12 =	smul.u32 $0x4F0, s0;
	s31 =	sshrl.u32 s6, $0x1;
	s18 =	sor.u32 $0x1C02, s18  }
0xb: {  	s7 =	sadd.s32 s8, s7;
	s10 =	sadd.s32 s9, s5;
	s30 =	sshrl.u32 s29, $0x2  }
0xc: {  	s13 =	ssub.s32 s6, s31;
	s7 =	sshrl.u32 s7, $0x3;
	s14 =	sadd.s32 s12, s10  }
0xd: {  	s11 =	sadd.s32 s7, s5;
	s5 =	sadd.s32 s30, s3;
	s12 =	sadd.s32 $0xFE00, s14  }
0xe: {  	s6 =	sadd.s32 $0x4000, s5;
	s7 =	sadd.s32 $0x8000, s5;
	s8 =	sadd.s32 $0xC000, s5  }
0xf: {  	s9 =	sadd.s32 $0x10000, s5;
	s10 =	sadd.s32 $0x19C00, s11;
	s11 =	smax.u32 s13, $0x1  }
0x10: {  	v0 =	vimm.f32 $0.0e+00;
	s13 =	sadd.s32 $0x6000, s14;
	s14 =	simm.s32 $0x100;
	s19 =	sshrl.u32 s5, $0x3  }
.LBB2_1:
0x11: {  	s21 =	simm.s32 $0x0;
	s22 =	simm.s32 $0x200  }
.LBB2_2:
0x12: {  	p0 =	sne.s32 s22, $0xFE00;
	[tilespmem:s21+$0x170] =	vst v0  }
0x13: {  	[tilespmem:s21+$0x100] =	vst v0  }
0x14: {  	[tilespmem:s21+$0x110] =	vst v0  }
.Ltmp0:
0x15: {  	[tilespmem:s21+$0x120] =	vst v0;
	(pc) =	sbr.rel @p0 .LBB2_2-.Ltmp0, $4  }
0x16: {  	[tilespmem:s21+$0x130] =	vst v0  }
0x17: {  	[tilespmem:s21+$0x140] =	vst v0  }
0x18: {  	[tilespmem:s21+$0x150] =	vst v0  }
0x19: {  	[tilespmem:s21+$0x160] =	vst v0;
	s21 =	sshra.s32 s22, $0x2;
	s22 =	sadd.s32 $0x200, s22  }
0x1a: {  	[tilespmem:s21+$0x170] =	vst v0  }
0x1b: {  	[tilespmem:s21+$0x100] =	vst v0  }
0x1c: {  	[tilespmem:s21+$0x110] =	vst v0  }
0x1d: {  	[tilespmem:s21+$0x120] =	vst v0  }
0x1e: {  	[tilespmem:s21+$0x130] =	vst v0  }
0x1f: {  	[tilespmem:s21+$0x140] =	vst v0  }
0x20: {  	[tilespmem:s21+$0x150] =	vst v0  }
0x21: {  	[tilespmem:s21+$0x160] =	vst v0  }
0x22: {  	[spmem:s5] =	stream.linear.scatter [tilespmem:s14], [sflag:$0x2], $0x4000, $0x38;
	[tilespmem:$0x17D00] =	vst v63  }
0x23: {  	_ =	swait.ge [sflag:s15], $0x4000  }
0x24: {  	[sflag:s15] =	ssyncset.done $0x0  }
0x25: {  	[sflag:s15] =	ssyncadd.s32 $0xFFFFC000  }
0x26: {  	[spmem:s6] =	stream.linear.scatter [tilespmem:s14], [sflag:$0x2], $0x4000, $0x38;
	[tilespmem:$0x17D00] =	vst v63  }
0x27: {  	_ =	swait.ge [sflag:s15], $0x4000  }
0x28: {  	[sflag:s15] =	ssyncset.done $0x0  }
0x29: {  	[sflag:s15] =	ssyncadd.s32 $0xFFFFC000  }
0x2a: {  	[spmem:s7] =	stream.linear.scatter [tilespmem:s14], [sflag:$0x2], $0x4000, $0x38;
	[tilespmem:$0x17D00] =	vst v63  }
0x2b: {  	_ =	swait.ge [sflag:s15], $0x4000  }
0x2c: {  	[sflag:s15] =	ssyncset.done $0x0  }
0x2d: {  	[sflag:s15] =	ssyncadd.s32 $0xFFFFC000  }
0x2e: {  	[spmem:s8] =	stream.linear.scatter [tilespmem:s14], [sflag:$0x2], $0x4000, $0x38;
	[tilespmem:$0x17D00] =	vst v63  }
0x2f: {  	_ =	swait.ge [sflag:s15], $0x4000  }
0x30: {  	[sflag:s15] =	ssyncset.done $0x0  }
0x31: {  	[sflag:s15] =	ssyncadd.s32 $0xFFFFC000  }
0x32: {  	[spmem:s9] =	stream.linear.scatter [tilespmem:s14], [sflag:$0x2], $0x3C00, $0x38;
	[tilespmem:$0x17D00] =	vst v63  }
0x33: {  	_ =	swait.ge [sflag:s15], $0x3C00  }
0x34: {  	[sflag:s15] =	ssyncset.done $0x0  }
0x35: {  	[sflag:s15] =	ssyncadd.s32 $0xFFFFC400  }
0x36: {  	s30 =	sadd.s32 $0x0, s13;
	[bflag:$0x0] =	sbarrier.arrive $0xFFFF  }
0x37: {  	[tilespmem:s4], [sflag:$0x2] =	stream.linear.gather [hbm4b:s30+s4], $0x80, $0x38;
	[tilespmem:$0x17D00] =	vst v63  }
0x38: {  	_ =	swait.ge [sflag:s15], $0x80  }
0x39: {  	[sflag:s15] =	ssyncset.done $0x0  }
0x3a: {  	s31 =	sadd.s32 $0x0, s12;
	[sflag:s15] =	ssyncadd.s32 $0xFFFFFF80  }
0x3b: {  	[tilespmem:s16], [sflag:$0x2] =	stream.linear.gather [hbm4b:s31+s4], $0x80, $0x38;
	[tilespmem:$0x17D00] =	vst v63  }
0x3c: {  	_ =	swait.ge [sflag:s15], $0x80  }
0x3d: {  	[sflag:s15] =	ssyncset.done $0x0  }
0x3e: {  	[sflag:s15] =	ssyncadd.s32 $0xFFFFFF80  }
0x3f: {  	[tilespmem:s14], [sflag:$0x1] =	stream.indirect.gather [hbm4b:s2+s16], $0x80, s4, s16, $0xb8;
	[tilespmem:$0x17D00] =	vst v63  }
0x40: {  	_ =	swait.ge [sflag:s17], $0x4000  }
0x41: {  	[sflag:s17] =	ssyncset.done $0x0  }
0x42: {  	[sflag:s17] =	ssyncadd.s32 $0xFFFFC000  }
0x43: {  	[spmem:s3] =	stream.indirect.scatter.add.f32 [tilespmem:s14], [sflag:$0x2], $0x80, s16, s16, $0xb8;
	[tilespmem:$0x17D00] =	vst v63  }
0x44: {  	_ =	swait.ge [sflag:s15], $0x4000  }
0x45: {  	s21 =	simm.s32 $0x10;
	s22 =	simm.s32 $0x20;
	[sflag:s15] =	ssyncset.done $0x0  }
.LBB2_4:
0x46: {  	s23 =	sadd.s32 s21, s13  }
0x47: {  	[sflag:s15] =	ssyncadd.s32 $0xFFFFC000;
	s24 =	smov.u32 s22;
	s25 =	sadd.s32 $0x10, s22  }
0x48: {  	[tilespmem:s4], [sflag:$0x2] =	stream.linear.gather [hbm4b:s23+s4], $0x80, $0x38;
	[tilespmem:$0x17D00] =	vst v63  }
0x49: {  	p0 =	sne.s32 s22, $0x4E0;
	_ =	swait.ge [sflag:s15], $0x80  }
0x4a: {  	[sflag:s15] =	ssyncset.done $0x0  }
0x4b: {  	s22 =	sadd.s32 s21, s12;
	s21 =	smov.u32 s24;
	[sflag:s15] =	ssyncadd.s32 $0xFFFFFF80  }
0x4c: {  	[tilespmem:s16], [sflag:$0x2] =	stream.linear.gather [hbm4b:s22+s4], $0x80, $0x38;
	[tilespmem:$0x17D00] =	vst v63  }
0x4d: {  	_ =	swait.ge [sflag:s15], $0x80  }
0x4e: {  	[sflag:s15] =	ssyncset.done $0x0  }
0x4f: {  	[sflag:s15] =	ssyncadd.s32 $0xFFFFFF80  }
0x50: {  	[tilespmem:s14], [sflag:$0x1] =	stream.indirect.gather [hbm4b:s2+s16], $0x80, s4, s16, $0xb8;
	[tilespmem:$0x17D00] =	vst v63  }
0x51: {  	_ =	swait.ge [sflag:s17], $0x4000  }
.Ltmp1:
0x52: {  	[sflag:s17] =	ssyncset.done $0x0;
	(pc) =	sbr.rel @p0 .LBB2_4-.Ltmp1, $4  }
0x53: {  	[sflag:s17] =	ssyncadd.s32 $0xFFFFC000  }
0x54: {  	[spmem:s3] =	stream.indirect.scatter.add.f32 [tilespmem:s14], [sflag:$0x2], $0x80, s16, s16, $0xb8;
	[tilespmem:$0x17D00] =	vst v63  }
0x55: {  	_ =	swait.ge [sflag:s15], $0x4000  }
0x56: {  	s22 =	smov.u32 s25;
	[sflag:s15] =	ssyncset.done $0x0  }
0x57: {  	s22 =	sadd.s32 s21, s13;
	[sflag:s15] =	ssyncadd.s32 $0xFFFFC000  }
0x58: {  	[tilespmem:s4], [sflag:$0x2] =	stream.linear.gather [hbm4b:s22+s4], $0x80, $0x38;
	[tilespmem:$0x17D00] =	vst v63  }
0x59: {  	_ =	swait.ge [sflag:s15], $0x80  }
0x5a: {  	[sflag:s15] =	ssyncset.done $0x0  }
0x5b: {  	s31 =	sadd.s32 s21, s12;
	[sflag:s15] =	ssyncadd.s32 $0xFFFFFF80  }
0x5c: {  	[tilespmem:s16], [sflag:$0x2] =	stream.linear.gather [hbm4b:s31+s4], $0x80, $0x38;
	[tilespmem:$0x17D00] =	vst v63  }
0x5d: {  	_ =	swait.ge [sflag:s15], $0x80  }
0x5e: {  	[sflag:s15] =	ssyncset.done $0x0  }
0x5f: {  	[sflag:s15] =	ssyncadd.s32 $0xFFFFFF80  }
0x60: {  	[tilespmem:s14], [sflag:$0x1] =	stream.indirect.gather [hbm4b:s2+s16], $0x80, s4, s16, $0xb8;
	[tilespmem:$0x17D00] =	vst v63  }
0x61: {  	_ =	swait.ge [sflag:s17], $0x4000  }
0x62: {  	[sflag:s17] =	ssyncset.done $0x0  }
0x63: {  	[sflag:s17] =	ssyncadd.s32 $0xFFFFC000  }
0x64: {  	[spmem:s3] =	stream.indirect.scatter.add.f32 [tilespmem:s14], [sflag:$0x2], $0x80, s16, s16, $0xb8;
	[tilespmem:$0x17D00] =	vst v63  }
0x65: {  	_ =	swait.ge [sflag:s15], $0x4000  }
0x66: {  	s20 =	sadd.s32 $0x1, s20;
	[sflag:s15] =	ssyncset.done $0x0  }
0x67: {  	p0 =	sne.s32 s20, s11;
	[sflag:s15] =	ssyncadd.s32 $0xFFFFC000  }
.Ltmp2:
0x68: {  	[bflag:$0x0] =	sbarrier.arrive $0xFFFF;
	(pc) =	sbr.rel @p0 .LBB2_1-.Ltmp2, $4  }
0x69: {  	[hbm:s10], [sflag:s18] =	dma.local [spmem:s19], $0x2780  }
0x6a: {  	_ =	swait.ge [sflag:s15], $0x2780  }
0x6b: {  	[sflag:s15] =	ssyncset.done $0x0  }
0x6c: {  	[sflag:s15] =	ssyncadd.s32 $0xFFFFD880  }
0x6d: {  	_ =	sfence.sel $0x180000  }
0x6e: {  	[bflag:$0x0] =	sbarrier.arrive $0xFFFF  }
0x6f: {  	p0 =	sne.s32 s0, $0x0;
	_ =	strace $0x90000047  }
0x70: {  	s0 =	sadd.s32 @!p0 $0x100000, s1;
	[bflag:$0x2] =	sbarrier.arrive $0xFFFF  }
0x71: {  	[sflag:s0] =	ssyncadd.tile.s32 @!p0 $0x1;
	_ =	shalt  }
.Lfunc_end2:
_tile_overlayer_lowered:
.L_overlay_start_2:
0x72: {  	(tag) =	ssettag $0x2  }
0x73: {  	s0 =	rddreg [dreg:$0x0];
	s2 =	stileid.u32  }
0x74: {  	s1 =	rddreg [dreg:$0x1];
	p0 =	sne.s32 s2, $0x0  }
0x75: {  	s3 =	rddreg [dreg:$0x2];
	[bflag:$0x3] =	sbarrier.arrive $0xFFFF;
	s2 =	simm.s32 @!p0 $0x1C02  }
0x76: {  	[timem:s3], [sflag:s2] =	dma.local @!p0 [hbm:s0], s1  }
0x77: {  	s0 =	simm.s32 @!p0 $0x2  }
0x78: {  	_ =	swait.ge @!p0 [sflag:s0], s1  }
0x79: {  	s1 =	ssub.s32 @!p0 $0x0, s1;
	[sflag:s0] =	ssyncset.done @!p0 $0x0  }
0x7a: {  	[sflag:s0] =	ssyncadd.s32 @!p0 s1  }
0x7b: {  	[bflag:$0x3] =	sbarrier.arrive $0xFFFF  }
0x7c: {  	_ =	shalt  }

// kernel: kernel.17.cloned.1.call-start
scs
__scs_entry_jumppad:
0x0: {  	(pc) =	sbr.rel $0x88, $3  }
0x1: {  	(tag) =	ssettag $0x0;
	lr =	simm.s32 $0x1  }
0x2: {  	[smem:$0x3F97] =	sst lr;
	_ =	strace $0xD0000000  }
0x3: {  	_ = 	snop  }
0x4: {  	_ = 	snop  }
0x5: {  	_ = 	snop  }
0x6: {  	_ = 	snop  }
0x7: {  	_ = 	snop  }
__scs_overlays_trampoline_lowered:
0x8: {  	[smem:$0x3FA6] =	sst s0  }
0x9: {  	[smem:$0x3FA7] =	sst s1  }
0xa: {  	[smem:$0x3FA8] =	sst s2  }
0xb: {  	[smem:$0x3FA9] =	sst s3  }
0xc: {  	[smem:$0x3FAA] =	sst s4  }
0xd: {  	[smem:$0x3FAB] =	sst s5  }
0xe: {  	[smem:$0x3FAC] =	sst s6  }
0xf: {  	[smem:$0x3FAD] =	sst s7  }
0x10: {  	[smem:$0x3FAE] =	sst s8  }
0x11: {  	[smem:$0x3FAF] =	sst s9;
	s0 =	simm.s32 @!p0 $0x0  }
0x12: {  	s1 =	sld [smem:$0x3F95];
	s0 =	simm.s32 @p0 $0x1  }
0x13: {  	[smem:$0x3FB0] =	sst s0;
	s0 =	simm.s32 @!p1 $0x0  }
0x14: {  	s2 =	sld [smem:$0x3F94];
	s0 =	simm.s32 @p1 $0x1  }
0x15: {  	[smem:$0x3FB1] =	sst s0;
	s0 =	simm.s32 @!p2 $0x0  }
0x16: {  	s3 =	sld [smem:$0x3FDB];
	s0 =	simm.s32 @p2 $0x1  }
0x17: {  	s4 =	simm.s32 $0x1BF5;
	[smem:$0x3FB3] =	sst s0  }
0x18: {  	s0 =	sld [smem:$0x3F96];
	_ =	swait.ge [sflag:s4], $0x0  }
0x19: {  	s7 =	sld [smem:$0x3F97]  }
0x1a: {  	s8 =	sadd.s32 $0xFFFFE003, lr  }
0x1b: {  	s9 =	sadd.s32 $0xFFFFFEF7, lr;
	s5 =	simm.s32 $0xFFFFFFFF;
	p2 =	slt.u32 s8, $0xFFFFF086  }
0x1c: {  	p1 =	slt.u32 s9, $0xF7A;
	s5 =	simm.s32 @!p2 $0x0  }
0x1d: {  	s5 =	simm.s32 @p1 $0x1;
	p0 =	seq.s32 s7, s2  }
0x1e: {  	s7 =	smul.u32 @!p0 $0xF7A, s2;
	p2 =	seq.s32 @!p0 s5, $0x0  }
0x1f: {  	s9 =	smul.u32 $0xF7A, s1;
	s8 =	simm.s32 @!p0 $0x1BF5;
	p2 =	por !p2, p0  }
0x20: {  	[sflag:s8] =	ssyncset.s32 @!p0 $0xFFFFF086;
	s6 =	sadd.s32 @!p0 s3, s7;
	s7 =	simm.s32 @!p0 $0x108  }
0x21: {  	s3 =	sadd.s32 s3, s9;
	s6 =	sadd.s32 @!p0 $0x88, s6;
	s7 =	simm.s32 @p2 $0x1082  }
0x22: {  	[simem:s7], [sflag:s8] =	dma.local @!p0 [hbm:s6], $0xF7A  }
0x23: {  	s9 =	sor.u32 $0xD0000000, s2;
	s6 =	simm.s32 $0x108;
	_ =	swait.ge @!p0 [sflag:s8], $0x0  }
0x24: {  	s3 =	sadd.s32 $0x88, s3;
	s6 =	simm.s32 @!p1 $0x1082;
	[sflag:s4] =	ssyncset.s32 $0xFFFFF086  }
0x25: {  	[simem:s6], [sflag:s4] =	dma.local [hbm:s3], $0xF7A  }
0x26: {  	[smem:$0x3F97] =	sst s1;
	(tag) =	ssettag s2;
	_ =	strace s9  }
0x27: {  	s1 =	sld [smem:$0x3FA7]  }
0x28: {  	s2 =	sld [smem:$0x3FA8]  }
0x29: {  	s4 =	sld [smem:$0x3FAA]  }
0x2a: {  	p0 =	seq.s32 s5, $0x0;
	s5 =	sld [smem:$0x3FAB]  }
0x2b: {  	s6 =	sld [smem:$0x3FAC]  }
0x2c: {  	s7 =	sld [smem:$0x3FAD]  }
0x2d: {  	s3 =	simm.s32 $0x108;
	s8 =	sld [smem:$0x3FAE]  }
0x2e: {  	s3 =	simm.s32 @!p0 $0x1082;
	s9 =	sld [smem:$0x3FAF]  }
0x2f: {  	lr =	sadd.s32 s0, s3;
	s0 =	sld [smem:$0x3FA6]  }
0x30: {  	s3 =	sld [smem:$0x3FA9]  }
0x31: {  	[smem:$0x3FB2] =	sst s10  }
0x32: {  	s10 =	sld [smem:$0x3FB0];
	_ =	sdelay $0x3  }
0x33: {  	p0 =	seq.s32 s10, $0x1;
	s10 =	sld [smem:$0x3FB2];
	_ =	sdelay $0x3  }
0x34: {  	[smem:$0x3FB2] =	sst s10  }
0x35: {  	s10 =	sld [smem:$0x3FB1];
	_ =	sdelay $0x3  }
0x36: {  	p1 =	seq.s32 s10, $0x1;
	s10 =	sld [smem:$0x3FB2];
	_ =	sdelay $0x3  }
0x37: {  	[smem:$0x3FB2] =	sst s10  }
0x38: {  	s10 =	sld [smem:$0x3FB3]  }
0x39: {  	_ = 	snop;
	(pc) =	sbr.ind lr, $3  }
0x3a: {  	_ = 	snop  }
0x3b: {  	_ = 	snop  }
0x3c: {  	p2 =	seq.s32 s10, $0x1;
	s10 =	sld [smem:$0x3FB2]  }
0x3d: {  	_ =	shalt  }
0x3e: {  	_ =	shalt  }
0x3f: {  	_ =	shalt  }
0x40: {  	_ =	shalt  }
0x41: {  	_ =	shalt  }
0x42: {  	_ =	shalt  }
0x43: {  	_ =	shalt  }
0x44: {  	_ =	shalt  }
0x45: {  	_ =	shalt  }
0x46: {  	_ =	shalt  }
0x47: {  	_ =	shalt  }
0x48: {  	_ =	shalt  }
0x49: {  	_ =	shalt  }
0x4a: {  	_ =	shalt  }
0x4b: {  	_ =	shalt  }
0x4c: {  	_ =	shalt  }
0x4d: {  	_ =	shalt  }
0x4e: {  	_ =	shalt  }
0x4f: {  	_ =	shalt  }
0x50: {  	_ =	shalt  }
0x51: {  	_ =	shalt  }
0x52: {  	_ =	shalt  }
0x53: {  	_ =	shalt  }
0x54: {  	_ =	shalt  }
0x55: {  	_ =	shalt  }
0x56: {  	_ =	shalt  }
0x57: {  	_ =	shalt  }
0x58: {  	_ =	shalt  }
0x59: {  	_ =	shalt  }
0x5a: {  	_ =	shalt  }
0x5b: {  	_ =	shalt  }
0x5c: {  	_ =	shalt  }
0x5d: {  	_ =	shalt  }
0x5e: {  	_ =	shalt  }
0x5f: {  	_ =	shalt  }
0x60: {  	_ =	shalt  }
0x61: {  	_ =	shalt  }
0x62: {  	_ =	shalt  }
0x63: {  	_ =	shalt  }
0x64: {  	_ =	shalt  }
0x65: {  	_ =	shalt  }
0x66: {  	_ =	shalt  }
0x67: {  	_ =	shalt  }
0x68: {  	_ =	shalt  }
0x69: {  	_ =	shalt  }
0x6a: {  	_ =	shalt  }
0x6b: {  	_ =	shalt  }
0x6c: {  	_ =	shalt  }
0x6d: {  	_ =	shalt  }
0x6e: {  	_ =	shalt  }
0x6f: {  	_ =	shalt  }
0x70: {  	_ =	shalt  }
0x71: {  	_ =	shalt  }
0x72: {  	_ =	shalt  }
0x73: {  	_ =	shalt  }
0x74: {  	_ =	shalt  }
0x75: {  	_ =	shalt  }
0x76: {  	_ =	shalt  }
0x77: {  	_ =	shalt  }
0x78: {  	_ =	shalt  }
0x79: {  	_ =	shalt  }
0x7a: {  	_ =	shalt  }
0x7b: {  	_ =	shalt  }
0x7c: {  	_ =	shalt  }
0x7d: {  	_ =	shalt  }
0x7e: {  	_ =	shalt  }
0x7f: {  	_ =	shalt  }
0x80: {  	_ =	shalt  }
0x81: {  	_ =	shalt  }
0x82: {  	_ =	shalt  }
0x83: {  	_ =	shalt  }
0x84: {  	_ =	shalt  }
0x85: {  	_ =	shalt  }
0x86: {  	_ =	shalt  }
0x87: {  	_ =	shalt  }
.Lfunc_end0:
.L_simem_size_0:
called_computation.1_lowered:
.L_overlay_start_0:
0x88: {  	s2 =	sld [smem:$0x3FD9]  }
0x89: {  	s3 =	sld [smem:$0x3FFE];
	_ =	sdelay $0x1  }
0x8a: {  	s1 =	srdreg.scid  }
0x8b: {  	s0 =	sand.u32 $0x1, s1  }
0x8c: {  	s16 =	sshll.u32 s0, $0xA;
	s2 =	sadd.s32 s3, s2  }
0x8d: {  	s2 =	sadd.s32 s2, s16  }
0x8e: {  	[smem:$0x3FBE] =	sst s2  }
0x8f: {  	_ = 	snop  }
0x90: {  	(tm) =	ssettm $0x1  }
0x91: {  	s17 =	sld [smem:$0x3FFB];
	_ =	sdelay $0x3  }
0x92: {  	_ =	strace s17  }
0x93: {  	s2 =	sld [smem:$0x3FFC];
	_ =	sdelay $0x3  }
0x94: {  	_ =	strace s2  }
0x95: {  	s2 =	sld [smem:$0x3FFD];
	_ =	sdelay $0x3  }
0x96: {  	_ =	strace s2  }
0x97: {  	_ =	strace $0x8FFFFFFF  }
0x98: {  	s18 =	sld [smem:$0x3FDB];
	_ =	sdelay $0x1  }
0x99: {  	s19 =	simm.s32 $_scs_section_size  }
0x9a: {  	s4 =	simm.s32 $_size__tile_overlayer_lowered;
	s5 =	simm.s32 $_tile_overlayer_lowered  }
0x9b: {  	s22 =	simm.s32 $0x1BFF;
	s21 =	sshll.u32 s5, $0x1;
	s2 =	sadd.s32 s19, s18  }
0x9c: {  	s6 =	simm.s32 $0x0;
	s20 =	sshll.u32 s4, $0x1;
	s4 =	sadd.s32 s21, s2  }
0x9d: {  	[timem:s6], [sflag:s22] =	dma.local [hbm:s4], s20  }
0x9e: {  	_ =	swait.ge [sflag:s22], s20  }
0x9f: {  	s3 =	ssub.s32 $0x0, s20;
	[sflag:s22] =	ssyncset.done $0x0  }
0xa0: {  	[sflag:s22] =	ssyncadd.s32 s3;
	_ =	sdelay $0x1  }
0xa1: {  	s23 =	simm.s32 $0x1B8B  }
0xa2: {  	_ =	swait.ge [sflag:s23], $0x1  }
0xa3: {  	[sflag:s23] =	ssyncset.done $0x0  }
0xa4: {  	s25 =	simm.s32 $0x1B8E;
	s24 =	sld [smem:$0x3FFE];
	[sflag:s23] =	ssyncadd.s32 $0xFFFFFFFF  }
0xa5: {  	s26 =	simm.s32 $execute0_lowered;
	[smem:$0x3FD2] =	sst s25  }
0xa6: {  	s4 =	sshll.u32 s26, $0x1;
	_ =	strace $0x80000049;
	[dreg:$0x1] =	wrdreg $0xFFFFFFFF  }
0xa7: {  	s28 =	simm.s32 $_size_execute0_lowered;
	s2 =	sadd.s32 s2, s4;
	[dreg:$0x0] =	wrdreg $0x0  }
0xa8: {  	s4 =	sshll.u32 s28, $0x1;
	[dreg:$0x2] =	wrdreg s2  }
0xa9: {  	[dreg:$0x3] =	wrdreg s4  }
0xaa: {  	[dreg:$0x4] =	wrdreg $0xC0  }
0xab: {  	_ =	task [dreg:s6], $0x5FFFF  }
0xac: {  	[dreg:$0x1] =	wrdreg $0xFFFFFFFF  }
0xad: {  	[dreg:$0x0] =	wrdreg $0x60  }
0xae: {  	[dreg:$0x2] =	wrdreg s24  }
0xaf: {  	[dreg:$0x3] =	wrdreg $0x41000  }
0xb0: {  	[dreg:$0x4] =	wrdreg $0x9  }
0xb1: {  	_ =	task.clear_ibuf [dreg:s6], $0x5FFFF;
	_ =	strace $0x90000049  }
0xb2: {  	s29 =	simm.s32 $0x9;
	_ =	strace $0x8000004B  }
0xb3: {  	_ =	swait.ge [sflag:s29], $0x1  }
0xb4: {  	[sflag:s29] =	ssyncadd.s32 $0xFFFFFFFF  }
0xb5: {  	_ =	strace $0x9000004B  }
0xb6: {  	_ =	sfence  }
0xb7: {  	s30 =	sld [smem:$0x0];
	_ =	sdelay $0x2  }
0xb8: {  	s31 =	sshll.u32 s1, $0xD;
	s1 =	sshrl.u32 s1, $0x2  }
0xb9: {  	s3 =	sand.u32 $0x4000, s31;
	s1 =	sadd.s32 s1, s30  }
0xba: {  	s0 =	sor.u32 s3, s0;
	s1 =	sshll.u32 s1, $0x11  }
0xbb: {  	s0 =	sor.u32 s1, s0  }
0xbc: {  	s0 =	sadd.s32 $0x8F2B, s0  }
0xbd: {  	[sflag:s0] =	ssyncadd.remote.s32 $0x1  }
0xbe: {  	_ =	sfence.sel $0xFFFF  }
0xbf: {  	[dreg:$0x0] =	wrdreg $0xFFFFFFFF;
	(pc) =	sbr.abs _section_cstart, $3  }
0xc0: {  	[dreg:$0x1] =	wrdreg $0xFFFFFFFF  }
0xc1: {  	_ =	task.clear_ibuf [dreg:s6], $0x2FFFF;
	_ =	strace $0x9FFFFFFF  }
0xc2: {  	(tm) =	ssettm $0x7FFFFFFF  }
0xc3: {  	_ =	shalt  }
tec
execute0_lowered:
.L_overlay_start_1:
0x0: {  	(tag) =	ssettag $0x1  }
0x1: {  	s5 =	rddreg [dreg:$0x0];
	s0 =	srdreg.scid  }
0x2: {  	s2 =	rddreg [dreg:$0x1];
	s1 =	stileid.u32;
	s3 =	simm.s32 $0x0  }
0x3: {  	s15 =	simm.s32 $0x2;
	s16 =	simm.s32 $0x80;
	s7 =	smul.u32 $0x13C00, s1  }
0x4: {  	s17 =	simm.s32 $0x1;
	s20 =	simm.s32 $0x0;
	s9 =	smul.u32 $0x4F000, s1  }
0x5: {  	s6 =	sand.u32 $0x1, s0;
	s0 =	rddreg [dreg:$0x2];
	s12 =	smul.u32 $0x4F0, s1  }
0x6: {  	[smem:$0x7FF] =	sst s3;
	s18 =	sshll.u32 s1, $0x6;
	s4 =	smul.u32 $0x13C000, s6  }
0x7: {  	s8 =	smul.u32 $0x4F00, s6;
	_ =	strace $0x8000004A;
	s6 =	ssub.s32 $0x2, s6  }
0x8: {  	s18 =	sor.u32 $0x1C02, s18;
	s30 =	sshrl.u32 s9, $0x2;
	s31 =	sshrl.u32 s6, $0x1  }
0x9: {  	s7 =	sadd.s32 s7, s4;
	s10 =	sadd.s32 s8, s5;
	s4 =	sadd.s32 $0x19C00, s5  }
0xa: {  	s13 =	ssub.s32 s6, s31;
	s7 =	sshrl.u32 s7, $0x3;
	s14 =	sadd.s32 s12, s10  }
0xb: {  	s11 =	sadd.s32 s7, s5;
	s5 =	sadd.s32 s30, s2;
	s12 =	sadd.s32 $0xFE00, s14  }
0xc: {  	s6 =	sadd.s32 $0x4000, s5;
	s7 =	sadd.s32 $0x8000, s5;
	s8 =	sadd.s32 $0xC000, s5  }
0xd: {  	s9 =	sadd.s32 $0x10000, s5;
	s10 =	sadd.s32 $0x69400, s11;
	s11 =	smax.u32 s13, $0x1  }
0xe: {  	v0 =	vimm.f32 $0.0e+00;
	s13 =	sadd.s32 $0x6000, s14;
	s14 =	simm.s32 $0x100;
	s19 =	sshrl.u32 s5, $0x3  }
.LBB2_1:
0xf: {  	s21 =	simm.s32 $0x0;
	s22 =	simm.s32 $0x200  }
.LBB2_2:
0x10: {  	p0 =	sne.s32 s22, $0xFE00;
	[tilespmem:s21+$0x170] =	vst v0  }
0x11: {  	[tilespmem:s21+$0x100] =	vst v0  }
0x12: {  	[tilespmem:s21+$0x110] =	vst v0  }
.Ltmp0:
0x13: {  	[tilespmem:s21+$0x120] =	vst v0;
	(pc) =	sbr.rel @p0 .LBB2_2-.Ltmp0, $4  }
0x14: {  	[tilespmem:s21+$0x130] =	vst v0  }
0x15: {  	[tilespmem:s21+$0x140] =	vst v0  }
0x16: {  	[tilespmem:s21+$0x150] =	vst v0  }
0x17: {  	[tilespmem:s21+$0x160] =	vst v0;
	s21 =	sshra.s32 s22, $0x2;
	s22 =	sadd.s32 $0x200, s22  }
0x18: {  	[tilespmem:s21+$0x170] =	vst v0  }
0x19: {  	[tilespmem:s21+$0x100] =	vst v0  }
0x1a: {  	[tilespmem:s21+$0x110] =	vst v0  }
0x1b: {  	[tilespmem:s21+$0x120] =	vst v0  }
0x1c: {  	[tilespmem:s21+$0x130] =	vst v0  }
0x1d: {  	[tilespmem:s21+$0x140] =	vst v0  }
0x1e: {  	[tilespmem:s21+$0x150] =	vst v0  }
0x1f: {  	[tilespmem:s21+$0x160] =	vst v0  }
0x20: {  	[spmem:s5] =	stream.linear.scatter [tilespmem:s14], [sflag:$0x2], $0x4000, $0x38;
	[tilespmem:$0x17D00] =	vst v63  }
0x21: {  	_ =	swait.ge [sflag:s15], $0x4000  }
0x22: {  	[sflag:s15] =	ssyncset.done $0x0  }
0x23: {  	[sflag:s15] =	ssyncadd.s32 $0xFFFFC000  }
0x24: {  	[spmem:s6] =	stream.linear.scatter [tilespmem:s14], [sflag:$0x2], $0x4000, $0x38;
	[tilespmem:$0x17D00] =	vst v63  }
0x25: {  	_ =	swait.ge [sflag:s15], $0x4000  }
0x26: {  	[sflag:s15] =	ssyncset.done $0x0  }
0x27: {  	[sflag:s15] =	ssyncadd.s32 $0xFFFFC000  }
0x28: {  	[spmem:s7] =	stream.linear.scatter [tilespmem:s14], [sflag:$0x2], $0x4000, $0x38;
	[tilespmem:$0x17D00] =	vst v63  }
0x29: {  	_ =	swait.ge [sflag:s15], $0x4000  }
0x2a: {  	[sflag:s15] =	ssyncset.done $0x0  }
0x2b: {  	[sflag:s15] =	ssyncadd.s32 $0xFFFFC000  }
0x2c: {  	[spmem:s8] =	stream.linear.scatter [tilespmem:s14], [sflag:$0x2], $0x4000, $0x38;
	[tilespmem:$0x17D00] =	vst v63  }
0x2d: {  	_ =	swait.ge [sflag:s15], $0x4000  }
0x2e: {  	[sflag:s15] =	ssyncset.done $0x0  }
0x2f: {  	[sflag:s15] =	ssyncadd.s32 $0xFFFFC000  }
0x30: {  	[spmem:s9] =	stream.linear.scatter [tilespmem:s14], [sflag:$0x2], $0x3C00, $0x38;
	[tilespmem:$0x17D00] =	vst v63  }
0x31: {  	_ =	swait.ge [sflag:s15], $0x3C00  }
0x32: {  	[sflag:s15] =	ssyncset.done $0x0  }
0x33: {  	[sflag:s15] =	ssyncadd.s32 $0xFFFFC400  }
0x34: {  	s30 =	sadd.s32 $0x0, s13;
	[bflag:$0x0] =	sbarrier.arrive $0xFFFF  }
0x35: {  	[tilespmem:s3], [sflag:$0x2] =	stream.linear.gather [hbm4b:s30+s3], $0x80, $0x38;
	[tilespmem:$0x17D00] =	vst v63  }
0x36: {  	_ =	swait.ge [sflag:s15], $0x80  }
0x37: {  	[sflag:s15] =	ssyncset.done $0x0  }
0x38: {  	s31 =	sadd.s32 $0x0, s12;
	[sflag:s15] =	ssyncadd.s32 $0xFFFFFF80  }
0x39: {  	[tilespmem:s16], [sflag:$0x2] =	stream.linear.gather [hbm4b:s31+s3], $0x80, $0x38;
	[tilespmem:$0x17D00] =	vst v63  }
0x3a: {  	_ =	swait.ge [sflag:s15], $0x80  }
0x3b: {  	[sflag:s15] =	ssyncset.done $0x0  }
0x3c: {  	[sflag:s15] =	ssyncadd.s32 $0xFFFFFF80  }
0x3d: {  	[tilespmem:s14], [sflag:$0x1] =	stream.indirect.gather [hbm4b:s4+s16], $0x80, s3, s16, $0xb8;
	[tilespmem:$0x17D00] =	vst v63  }
0x3e: {  	_ =	swait.ge [sflag:s17], $0x4000  }
0x3f: {  	[sflag:s17] =	ssyncset.done $0x0  }
0x40: {  	[sflag:s17] =	ssyncadd.s32 $0xFFFFC000  }
0x41: {  	[spmem:s2] =	stream.indirect.scatter.add.f32 [tilespmem:s14], [sflag:$0x2], $0x80, s16, s16, $0xb8;
	[tilespmem:$0x17D00] =	vst v63  }
0x42: {  	_ =	swait.ge [sflag:s15], $0x4000  }
0x43: {  	s21 =	simm.s32 $0x10;
	s22 =	simm.s32 $0x20;
	[sflag:s15] =	ssyncset.done $0x0  }
.LBB2_4:
0x44: {  	s23 =	sadd.s32 s21, s13  }
0x45: {  	[sflag:s15] =	ssyncadd.s32 $0xFFFFC000;
	s24 =	smov.u32 s22;
	s25 =	sadd.s32 $0x10, s22  }
0x46: {  	[tilespmem:s3], [sflag:$0x2] =	stream.linear.gather [hbm4b:s23+s3], $0x80, $0x38;
	[tilespmem:$0x17D00] =	vst v63  }
0x47: {  	p0 =	sne.s32 s22, $0x4E0;
	_ =	swait.ge [sflag:s15], $0x80  }
0x48: {  	[sflag:s15] =	ssyncset.done $0x0  }
0x49: {  	s22 =	sadd.s32 s21, s12;
	s21 =	smov.u32 s24;
	[sflag:s15] =	ssyncadd.s32 $0xFFFFFF80  }
0x4a: {  	[tilespmem:s16], [sflag:$0x2] =	stream.linear.gather [hbm4b:s22+s3], $0x80, $0x38;
	[tilespmem:$0x17D00] =	vst v63  }
0x4b: {  	_ =	swait.ge [sflag:s15], $0x80  }
0x4c: {  	[sflag:s15] =	ssyncset.done $0x0  }
0x4d: {  	[sflag:s15] =	ssyncadd.s32 $0xFFFFFF80  }
0x4e: {  	[tilespmem:s14], [sflag:$0x1] =	stream.indirect.gather [hbm4b:s4+s16], $0x80, s3, s16, $0xb8;
	[tilespmem:$0x17D00] =	vst v63  }
0x4f: {  	_ =	swait.ge [sflag:s17], $0x4000  }
.Ltmp1:
0x50: {  	[sflag:s17] =	ssyncset.done $0x0;
	(pc) =	sbr.rel @p0 .LBB2_4-.Ltmp1, $4  }
0x51: {  	[sflag:s17] =	ssyncadd.s32 $0xFFFFC000  }
0x52: {  	[spmem:s2] =	stream.indirect.scatter.add.f32 [tilespmem:s14], [sflag:$0x2], $0x80, s16, s16, $0xb8;
	[tilespmem:$0x17D00] =	vst v63  }
0x53: {  	_ =	swait.ge [sflag:s15], $0x4000  }
0x54: {  	s22 =	smov.u32 s25;
	[sflag:s15] =	ssyncset.done $0x0  }
0x55: {  	s22 =	sadd.s32 s21, s13;
	[sflag:s15] =	ssyncadd.s32 $0xFFFFC000  }
0x56: {  	[tilespmem:s3], [sflag:$0x2] =	stream.linear.gather [hbm4b:s22+s3], $0x80, $0x38;
	[tilespmem:$0x17D00] =	vst v63  }
0x57: {  	_ =	swait.ge [sflag:s15], $0x80  }
0x58: {  	[sflag:s15] =	ssyncset.done $0x0  }
0x59: {  	s31 =	sadd.s32 s21, s12;
	[sflag:s15] =	ssyncadd.s32 $0xFFFFFF80  }
0x5a: {  	[tilespmem:s16], [sflag:$0x2] =	stream.linear.gather [hbm4b:s31+s3], $0x80, $0x38;
	[tilespmem:$0x17D00] =	vst v63  }
0x5b: {  	_ =	swait.ge [sflag:s15], $0x80  }
0x5c: {  	[sflag:s15] =	ssyncset.done $0x0  }
0x5d: {  	[sflag:s15] =	ssyncadd.s32 $0xFFFFFF80  }
0x5e: {  	[tilespmem:s14], [sflag:$0x1] =	stream.indirect.gather [hbm4b:s4+s16], $0x80, s3, s16, $0xb8;
	[tilespmem:$0x17D00] =	vst v63  }
0x5f: {  	_ =	swait.ge [sflag:s17], $0x4000  }
0x60: {  	[sflag:s17] =	ssyncset.done $0x0  }
0x61: {  	[sflag:s17] =	ssyncadd.s32 $0xFFFFC000  }
0x62: {  	[spmem:s2] =	stream.indirect.scatter.add.f32 [tilespmem:s14], [sflag:$0x2], $0x80, s16, s16, $0xb8;
	[tilespmem:$0x17D00] =	vst v63  }
0x63: {  	_ =	swait.ge [sflag:s15], $0x4000  }
0x64: {  	s20 =	sadd.s32 $0x1, s20;
	[sflag:s15] =	ssyncset.done $0x0  }
0x65: {  	p0 =	sne.s32 s20, s11;
	[sflag:s15] =	ssyncadd.s32 $0xFFFFC000  }
.Ltmp2:
0x66: {  	[bflag:$0x0] =	sbarrier.arrive $0xFFFF;
	(pc) =	sbr.rel @p0 .LBB2_1-.Ltmp2, $4  }
0x67: {  	[hbm:s10], [sflag:s18] =	dma.local [spmem:s19], $0x2780  }
0x68: {  	_ =	swait.ge [sflag:s15], $0x2780  }
0x69: {  	[sflag:s15] =	ssyncset.done $0x0  }
0x6a: {  	[sflag:s15] =	ssyncadd.s32 $0xFFFFD880  }
0x6b: {  	_ =	sfence.sel $0x180000  }
0x6c: {  	[bflag:$0x0] =	sbarrier.arrive $0xFFFF  }
0x6d: {  	p0 =	sne.s32 s1, $0x0;
	_ =	strace $0x9000004A  }
0x6e: {  	s0 =	sadd.s32 @!p0 $0x100000, s0;
	[bflag:$0x2] =	sbarrier.arrive $0xFFFF  }
0x6f: {  	[sflag:s0] =	ssyncadd.tile.s32 @!p0 $0x1;
	_ =	shalt  }
.Lfunc_end2:
_tile_overlayer_lowered:
.L_overlay_start_2:
0x70: {  	(tag) =	ssettag $0x2  }
0x71: {  	s0 =	rddreg [dreg:$0x0];
	s2 =	stileid.u32  }
0x72: {  	s1 =	rddreg [dreg:$0x1];
	p0 =	sne.s32 s2, $0x0  }
0x73: {  	s3 =	rddreg [dreg:$0x2];
	[bflag:$0x3] =	sbarrier.arrive $0xFFFF;
	s2 =	simm.s32 @!p0 $0x1C02  }
0x74: {  	[timem:s3], [sflag:s2] =	dma.local @!p0 [hbm:s0], s1  }
0x75: {  	s0 =	simm.s32 @!p0 $0x2  }
0x76: {  	_ =	swait.ge @!p0 [sflag:s0], s1  }
0x77: {  	s1 =	ssub.s32 @!p0 $0x0, s1;
	[sflag:s0] =	ssyncset.done @!p0 $0x0  }
0x78: {  	[sflag:s0] =	ssyncadd.s32 @!p0 s1  }
0x79: {  	[bflag:$0x3] =	sbarrier.arrive $0xFFFF  }
0x7a: {  	_ =	shalt  }

// kernel: kernel.20.cloned.1.call-start
scs
__scs_entry_jumppad:
0x0: {  	(pc) =	sbr.rel $0x88, $3  }
0x1: {  	(tag) =	ssettag $0x0;
	lr =	simm.s32 $0x1  }
0x2: {  	[smem:$0x3F97] =	sst lr;
	_ =	strace $0xD0000000  }
0x3: {  	_ = 	snop  }
0x4: {  	_ = 	snop  }
0x5: {  	_ = 	snop  }
0x6: {  	_ = 	snop  }
0x7: {  	_ = 	snop  }
__scs_overlays_trampoline_lowered:
0x8: {  	[smem:$0x3FA6] =	sst s0  }
0x9: {  	[smem:$0x3FA7] =	sst s1  }
0xa: {  	[smem:$0x3FA8] =	sst s2  }
0xb: {  	[smem:$0x3FA9] =	sst s3  }
0xc: {  	[smem:$0x3FAA] =	sst s4  }
0xd: {  	[smem:$0x3FAB] =	sst s5  }
0xe: {  	[smem:$0x3FAC] =	sst s6  }
0xf: {  	[smem:$0x3FAD] =	sst s7  }
0x10: {  	[smem:$0x3FAE] =	sst s8  }
0x11: {  	[smem:$0x3FAF] =	sst s9;
	s0 =	simm.s32 @!p0 $0x0  }
0x12: {  	s1 =	sld [smem:$0x3F95];
	s0 =	simm.s32 @p0 $0x1  }
0x13: {  	[smem:$0x3FB0] =	sst s0;
	s0 =	simm.s32 @!p1 $0x0  }
0x14: {  	s2 =	sld [smem:$0x3F94];
	s0 =	simm.s32 @p1 $0x1  }
0x15: {  	[smem:$0x3FB1] =	sst s0;
	s0 =	simm.s32 @!p2 $0x0  }
0x16: {  	s3 =	sld [smem:$0x3FDB];
	s0 =	simm.s32 @p2 $0x1  }
0x17: {  	s4 =	simm.s32 $0x1BF5;
	[smem:$0x3FB3] =	sst s0  }
0x18: {  	s0 =	sld [smem:$0x3F96];
	_ =	swait.ge [sflag:s4], $0x0  }
0x19: {  	s7 =	sld [smem:$0x3F97]  }
0x1a: {  	s8 =	sadd.s32 $0xFFFFE003, lr  }
0x1b: {  	s9 =	sadd.s32 $0xFFFFFEF7, lr;
	s5 =	simm.s32 $0xFFFFFFFF;
	p2 =	slt.u32 s8, $0xFFFFF086  }
0x1c: {  	p1 =	slt.u32 s9, $0xF7A;
	s5 =	simm.s32 @!p2 $0x0  }
0x1d: {  	s5 =	simm.s32 @p1 $0x1;
	p0 =	seq.s32 s7, s2  }
0x1e: {  	s7 =	smul.u32 @!p0 $0xF7A, s2;
	p2 =	seq.s32 @!p0 s5, $0x0  }
0x1f: {  	s9 =	smul.u32 $0xF7A, s1;
	s8 =	simm.s32 @!p0 $0x1BF5;
	p2 =	por !p2, p0  }
0x20: {  	[sflag:s8] =	ssyncset.s32 @!p0 $0xFFFFF086;
	s6 =	sadd.s32 @!p0 s3, s7;
	s7 =	simm.s32 @!p0 $0x108  }
0x21: {  	s3 =	sadd.s32 s3, s9;
	s6 =	sadd.s32 @!p0 $0x88, s6;
	s7 =	simm.s32 @p2 $0x1082  }
0x22: {  	[simem:s7], [sflag:s8] =	dma.local @!p0 [hbm:s6], $0xF7A  }
0x23: {  	s9 =	sor.u32 $0xD0000000, s2;
	s6 =	simm.s32 $0x108;
	_ =	swait.ge @!p0 [sflag:s8], $0x0  }
0x24: {  	s3 =	sadd.s32 $0x88, s3;
	s6 =	simm.s32 @!p1 $0x1082;
	[sflag:s4] =	ssyncset.s32 $0xFFFFF086  }
0x25: {  	[simem:s6], [sflag:s4] =	dma.local [hbm:s3], $0xF7A  }
0x26: {  	[smem:$0x3F97] =	sst s1;
	(tag) =	ssettag s2;
	_ =	strace s9  }
0x27: {  	s1 =	sld [smem:$0x3FA7]  }
0x28: {  	s2 =	sld [smem:$0x3FA8]  }
0x29: {  	s4 =	sld [smem:$0x3FAA]  }
0x2a: {  	p0 =	seq.s32 s5, $0x0;
	s5 =	sld [smem:$0x3FAB]  }
0x2b: {  	s6 =	sld [smem:$0x3FAC]  }
0x2c: {  	s7 =	sld [smem:$0x3FAD]  }
0x2d: {  	s3 =	simm.s32 $0x108;
	s8 =	sld [smem:$0x3FAE]  }
0x2e: {  	s3 =	simm.s32 @!p0 $0x1082;
	s9 =	sld [smem:$0x3FAF]  }
0x2f: {  	lr =	sadd.s32 s0, s3;
	s0 =	sld [smem:$0x3FA6]  }
0x30: {  	s3 =	sld [smem:$0x3FA9]  }
0x31: {  	[smem:$0x3FB2] =	sst s10  }
0x32: {  	s10 =	sld [smem:$0x3FB0];
	_ =	sdelay $0x3  }
0x33: {  	p0 =	seq.s32 s10, $0x1;
	s10 =	sld [smem:$0x3FB2];
	_ =	sdelay $0x3  }
0x34: {  	[smem:$0x3FB2] =	sst s10  }
0x35: {  	s10 =	sld [smem:$0x3FB1];
	_ =	sdelay $0x3  }
0x36: {  	p1 =	seq.s32 s10, $0x1;
	s10 =	sld [smem:$0x3FB2];
	_ =	sdelay $0x3  }
0x37: {  	[smem:$0x3FB2] =	sst s10  }
0x38: {  	s10 =	sld [smem:$0x3FB3]  }
0x39: {  	_ = 	snop;
	(pc) =	sbr.ind lr, $3  }
0x3a: {  	_ = 	snop  }
0x3b: {  	_ = 	snop  }
0x3c: {  	p2 =	seq.s32 s10, $0x1;
	s10 =	sld [smem:$0x3FB2]  }
0x3d: {  	_ =	shalt  }
0x3e: {  	_ =	shalt  }
0x3f: {  	_ =	shalt  }
0x40: {  	_ =	shalt  }
0x41: {  	_ =	shalt  }
0x42: {  	_ =	shalt  }
0x43: {  	_ =	shalt  }
0x44: {  	_ =	shalt  }
0x45: {  	_ =	shalt  }
0x46: {  	_ =	shalt  }
0x47: {  	_ =	shalt  }
0x48: {  	_ =	shalt  }
0x49: {  	_ =	shalt  }
0x4a: {  	_ =	shalt  }
0x4b: {  	_ =	shalt  }
0x4c: {  	_ =	shalt  }
0x4d: {  	_ =	shalt  }
0x4e: {  	_ =	shalt  }
0x4f: {  	_ =	shalt  }
0x50: {  	_ =	shalt  }
0x51: {  	_ =	shalt  }
0x52: {  	_ =	shalt  }
0x53: {  	_ =	shalt  }
0x54: {  	_ =	shalt  }
0x55: {  	_ =	shalt  }
0x56: {  	_ =	shalt  }
0x57: {  	_ =	shalt  }
0x58: {  	_ =	shalt  }
0x59: {  	_ =	shalt  }
0x5a: {  	_ =	shalt  }
0x5b: {  	_ =	shalt  }
0x5c: {  	_ =	shalt  }
0x5d: {  	_ =	shalt  }
0x5e: {  	_ =	shalt  }
0x5f: {  	_ =	shalt  }
0x60: {  	_ =	shalt  }
0x61: {  	_ =	shalt  }
0x62: {  	_ =	shalt  }
0x63: {  	_ =	shalt  }
0x64: {  	_ =	shalt  }
0x65: {  	_ =	shalt  }
0x66: {  	_ =	shalt  }
0x67: {  	_ =	shalt  }
0x68: {  	_ =	shalt  }
0x69: {  	_ =	shalt  }
0x6a: {  	_ =	shalt  }
0x6b: {  	_ =	shalt  }
0x6c: {  	_ =	shalt  }
0x6d: {  	_ =	shalt  }
0x6e: {  	_ =	shalt  }
0x6f: {  	_ =	shalt  }
0x70: {  	_ =	shalt  }
0x71: {  	_ =	shalt  }
0x72: {  	_ =	shalt  }
0x73: {  	_ =	shalt  }
0x74: {  	_ =	shalt  }
0x75: {  	_ =	shalt  }
0x76: {  	_ =	shalt  }
0x77: {  	_ =	shalt  }
0x78: {  	_ =	shalt  }
0x79: {  	_ =	shalt  }
0x7a: {  	_ =	shalt  }
0x7b: {  	_ =	shalt  }
0x7c: {  	_ =	shalt  }
0x7d: {  	_ =	shalt  }
0x7e: {  	_ =	shalt  }
0x7f: {  	_ =	shalt  }
0x80: {  	_ =	shalt  }
0x81: {  	_ =	shalt  }
0x82: {  	_ =	shalt  }
0x83: {  	_ =	shalt  }
0x84: {  	_ =	shalt  }
0x85: {  	_ =	shalt  }
0x86: {  	_ =	shalt  }
0x87: {  	_ =	shalt  }
.Lfunc_end0:
.L_simem_size_0:
called_computation.2_lowered:
.L_overlay_start_0:
0x88: {  	s2 =	sld [smem:$0x3FD9]  }
0x89: {  	s3 =	sld [smem:$0x3FFE];
	_ =	sdelay $0x1  }
0x8a: {  	s1 =	srdreg.scid  }
0x8b: {  	s0 =	sand.u32 $0x1, s1  }
0x8c: {  	s16 =	sshll.u32 s0, $0xA;
	s2 =	sadd.s32 s3, s2  }
0x8d: {  	s2 =	sadd.s32 s2, s16  }
0x8e: {  	[smem:$0x3FBE] =	sst s2  }
0x8f: {  	_ = 	snop  }
0x90: {  	(tm) =	ssettm $0x1  }
0x91: {  	s17 =	sld [smem:$0x3FFB];
	_ =	sdelay $0x3  }
0x92: {  	_ =	strace s17  }
0x93: {  	s2 =	sld [smem:$0x3FFC];
	_ =	sdelay $0x3  }
0x94: {  	_ =	strace s2  }
0x95: {  	s2 =	sld [smem:$0x3FFD];
	_ =	sdelay $0x3  }
0x96: {  	_ =	strace s2  }
0x97: {  	_ =	strace $0x8FFFFFFF  }
0x98: {  	s18 =	sld [smem:$0x3FDB];
	_ =	sdelay $0x1  }
0x99: {  	s19 =	simm.s32 $_scs_section_size  }
0x9a: {  	s4 =	simm.s32 $_size__tile_overlayer_lowered;
	s5 =	simm.s32 $_tile_overlayer_lowered  }
0x9b: {  	s22 =	simm.s32 $0x1BFF;
	s21 =	sshll.u32 s5, $0x1;
	s2 =	sadd.s32 s19, s18  }
0x9c: {  	s6 =	simm.s32 $0x0;
	s20 =	sshll.u32 s4, $0x1;
	s4 =	sadd.s32 s21, s2  }
0x9d: {  	[timem:s6], [sflag:s22] =	dma.local [hbm:s4], s20  }
0x9e: {  	_ =	swait.ge [sflag:s22], s20  }
0x9f: {  	s3 =	ssub.s32 $0x0, s20;
	[sflag:s22] =	ssyncset.done $0x0  }
0xa0: {  	[sflag:s22] =	ssyncadd.s32 s3;
	_ =	sdelay $0x1  }
0xa1: {  	s23 =	simm.s32 $0x1B8B  }
0xa2: {  	_ =	swait.ge [sflag:s23], $0x1  }
0xa3: {  	[sflag:s23] =	ssyncset.done $0x0  }
0xa4: {  	s25 =	simm.s32 $0x1B8E;
	s24 =	sld [smem:$0x3FFE];
	[sflag:s23] =	ssyncadd.s32 $0xFFFFFFFF  }
0xa5: {  	s26 =	simm.s32 $execute0_lowered;
	[smem:$0x3FD2] =	sst s25  }
0xa6: {  	s4 =	sshll.u32 s26, $0x1;
	_ =	strace $0x8000004C;
	[dreg:$0x1] =	wrdreg $0xFFFFFFFF  }
0xa7: {  	s28 =	simm.s32 $_size_execute0_lowered;
	s2 =	sadd.s32 s2, s4;
	[dreg:$0x0] =	wrdreg $0x0  }
0xa8: {  	s4 =	sshll.u32 s28, $0x1;
	[dreg:$0x2] =	wrdreg s2  }
0xa9: {  	[dreg:$0x3] =	wrdreg s4  }
0xaa: {  	[dreg:$0x4] =	wrdreg $0xC0  }
0xab: {  	_ =	task [dreg:s6], $0x5FFFF  }
0xac: {  	[dreg:$0x1] =	wrdreg $0xFFFFFFFF  }
0xad: {  	[dreg:$0x0] =	wrdreg $0x60  }
0xae: {  	[dreg:$0x2] =	wrdreg s24  }
0xaf: {  	[dreg:$0x3] =	wrdreg $0x41000  }
0xb0: {  	[dreg:$0x4] =	wrdreg $0x9  }
0xb1: {  	_ =	task.clear_ibuf [dreg:s6], $0x5FFFF;
	_ =	strace $0x9000004C  }
0xb2: {  	s29 =	simm.s32 $0x9;
	_ =	strace $0x8000004E  }
0xb3: {  	_ =	swait.ge [sflag:s29], $0x1  }
0xb4: {  	[sflag:s29] =	ssyncadd.s32 $0xFFFFFFFF  }
0xb5: {  	_ =	strace $0x9000004E  }
0xb6: {  	_ =	sfence  }
0xb7: {  	s30 =	sld [smem:$0x0];
	_ =	sdelay $0x2  }
0xb8: {  	s31 =	sshll.u32 s1, $0xD;
	s1 =	sshrl.u32 s1, $0x2  }
0xb9: {  	s3 =	sand.u32 $0x4000, s31;
	s1 =	sadd.s32 s1, s30  }
0xba: {  	s0 =	sor.u32 s3, s0;
	s1 =	sshll.u32 s1, $0x11  }
0xbb: {  	s0 =	sor.u32 s1, s0  }
0xbc: {  	s0 =	sadd.s32 $0x8F2B, s0  }
0xbd: {  	[sflag:s0] =	ssyncadd.remote.s32 $0x1  }
0xbe: {  	_ =	sfence.sel $0xFFFF  }
0xbf: {  	[dreg:$0x0] =	wrdreg $0xFFFFFFFF;
	(pc) =	sbr.abs _section_cstart, $3  }
0xc0: {  	[dreg:$0x1] =	wrdreg $0xFFFFFFFF  }
0xc1: {  	_ =	task.clear_ibuf [dreg:s6], $0x2FFFF;
	_ =	strace $0x9FFFFFFF  }
0xc2: {  	(tm) =	ssettm $0x7FFFFFFF  }
0xc3: {  	_ =	shalt  }
tec
execute0_lowered:
.L_overlay_start_1:
0x0: {  	(tag) =	ssettag $0x1  }
0x1: {  	s5 =	rddreg [dreg:$0x0];
	s0 =	srdreg.scid  }
0x2: {  	s2 =	rddreg [dreg:$0x1];
	s1 =	stileid.u32;
	s3 =	simm.s32 $0x0  }
0x3: {  	s15 =	simm.s32 $0x2;
	s16 =	simm.s32 $0x80;
	s7 =	smul.u32 $0x13C00, s1  }
0x4: {  	s17 =	simm.s32 $0x1;
	s20 =	simm.s32 $0x0;
	s9 =	smul.u32 $0x4F000, s1  }
0x5: {  	s6 =	sand.u32 $0x1, s0;
	s0 =	rddreg [dreg:$0x2];
	s12 =	smul.u32 $0x4F0, s1  }
0x6: {  	[smem:$0x7FF] =	sst s3;
	s18 =	sshll.u32 s1, $0x6;
	s4 =	smul.u32 $0x13C000, s6  }
0x7: {  	s8 =	smul.u32 $0x4F00, s6;
	_ =	strace $0x8000004D;
	s6 =	ssub.s32 $0x2, s6  }
0x8: {  	s18 =	sor.u32 $0x1C02, s18;
	s30 =	sshrl.u32 s9, $0x2;
	s31 =	sshrl.u32 s6, $0x1  }
0x9: {  	s7 =	sadd.s32 s7, s4;
	s10 =	sadd.s32 s8, s5;
	s4 =	sadd.s32 $0x19C00, s5  }
0xa: {  	s13 =	ssub.s32 s6, s31;
	s7 =	sshrl.u32 s7, $0x3;
	s14 =	sadd.s32 s12, s10  }
0xb: {  	s11 =	sadd.s32 s7, s5;
	s5 =	sadd.s32 s30, s2;
	s12 =	sadd.s32 $0xFE00, s14  }
0xc: {  	s6 =	sadd.s32 $0x4000, s5;
	s7 =	sadd.s32 $0x8000, s5;
	s8 =	sadd.s32 $0xC000, s5  }
0xd: {  	s9 =	sadd.s32 $0x10000, s5;
	s10 =	sadd.s32 $0x69400, s11;
	s11 =	smax.u32 s13, $0x1  }
0xe: {  	v0 =	vimm.f32 $0.0e+00;
	s13 =	sadd.s32 $0x6000, s14;
	s14 =	simm.s32 $0x100;
	s19 =	sshrl.u32 s5, $0x3  }
.LBB2_1:
0xf: {  	s21 =	simm.s32 $0x0;
	s22 =	simm.s32 $0x200  }
.LBB2_2:
0x10: {  	p0 =	sne.s32 s22, $0xFE00;
	[tilespmem:s21+$0x170] =	vst v0  }
0x11: {  	[tilespmem:s21+$0x100] =	vst v0  }
0x12: {  	[tilespmem:s21+$0x110] =	vst v0  }
.Ltmp0:
0x13: {  	[tilespmem:s21+$0x120] =	vst v0;
	(pc) =	sbr.rel @p0 .LBB2_2-.Ltmp0, $4  }
0x14: {  	[tilespmem:s21+$0x130] =	vst v0  }
0x15: {  	[tilespmem:s21+$0x140] =	vst v0  }
0x16: {  	[tilespmem:s21+$0x150] =	vst v0  }
0x17: {  	[tilespmem:s21+$0x160] =	vst v0;
	s21 =	sshra.s32 s22, $0x2;
	s22 =	sadd.s32 $0x200, s22  }
0x18: {  	[tilespmem:s21+$0x170] =	vst v0  }
0x19: {  	[tilespmem:s21+$0x100] =	vst v0  }
0x1a: {  	[tilespmem:s21+$0x110] =	vst v0  }
0x1b: {  	[tilespmem:s21+$0x120] =	vst v0  }
0x1c: {  	[tilespmem:s21+$0x130] =	vst v0  }
0x1d: {  	[tilespmem:s21+$0x140] =	vst v0  }
0x1e: {  	[tilespmem:s21+$0x150] =	vst v0  }
0x1f: {  	[tilespmem:s21+$0x160] =	vst v0  }
0x20: {  	[spmem:s5] =	stream.linear.scatter [tilespmem:s14], [sflag:$0x2], $0x4000, $0x38;
	[tilespmem:$0x17D00] =	vst v63  }
0x21: {  	_ =	swait.ge [sflag:s15], $0x4000  }
0x22: {  	[sflag:s15] =	ssyncset.done $0x0  }
0x23: {  	[sflag:s15] =	ssyncadd.s32 $0xFFFFC000  }
0x24: {  	[spmem:s6] =	stream.linear.scatter [tilespmem:s14], [sflag:$0x2], $0x4000, $0x38;
	[tilespmem:$0x17D00] =	vst v63  }
0x25: {  	_ =	swait.ge [sflag:s15], $0x4000  }
0x26: {  	[sflag:s15] =	ssyncset.done $0x0  }
0x27: {  	[sflag:s15] =	ssyncadd.s32 $0xFFFFC000  }
0x28: {  	[spmem:s7] =	stream.linear.scatter [tilespmem:s14], [sflag:$0x2], $0x4000, $0x38;
	[tilespmem:$0x17D00] =	vst v63  }
0x29: {  	_ =	swait.ge [sflag:s15], $0x4000  }
0x2a: {  	[sflag:s15] =	ssyncset.done $0x0  }
0x2b: {  	[sflag:s15] =	ssyncadd.s32 $0xFFFFC000  }
0x2c: {  	[spmem:s8] =	stream.linear.scatter [tilespmem:s14], [sflag:$0x2], $0x4000, $0x38;
	[tilespmem:$0x17D00] =	vst v63  }
0x2d: {  	_ =	swait.ge [sflag:s15], $0x4000  }
0x2e: {  	[sflag:s15] =	ssyncset.done $0x0  }
0x2f: {  	[sflag:s15] =	ssyncadd.s32 $0xFFFFC000  }
0x30: {  	[spmem:s9] =	stream.linear.scatter [tilespmem:s14], [sflag:$0x2], $0x3C00, $0x38;
	[tilespmem:$0x17D00] =	vst v63  }
0x31: {  	_ =	swait.ge [sflag:s15], $0x3C00  }
0x32: {  	[sflag:s15] =	ssyncset.done $0x0  }
0x33: {  	[sflag:s15] =	ssyncadd.s32 $0xFFFFC400  }
0x34: {  	s30 =	sadd.s32 $0x0, s13;
	[bflag:$0x0] =	sbarrier.arrive $0xFFFF  }
0x35: {  	[tilespmem:s3], [sflag:$0x2] =	stream.linear.gather [hbm4b:s30+s3], $0x80, $0x38;
	[tilespmem:$0x17D00] =	vst v63  }
0x36: {  	_ =	swait.ge [sflag:s15], $0x80  }
0x37: {  	[sflag:s15] =	ssyncset.done $0x0  }
0x38: {  	s31 =	sadd.s32 $0x0, s12;
	[sflag:s15] =	ssyncadd.s32 $0xFFFFFF80  }
0x39: {  	[tilespmem:s16], [sflag:$0x2] =	stream.linear.gather [hbm4b:s31+s3], $0x80, $0x38;
	[tilespmem:$0x17D00] =	vst v63  }
0x3a: {  	_ =	swait.ge [sflag:s15], $0x80  }
0x3b: {  	[sflag:s15] =	ssyncset.done $0x0  }
0x3c: {  	[sflag:s15] =	ssyncadd.s32 $0xFFFFFF80  }
0x3d: {  	[tilespmem:s14], [sflag:$0x1] =	stream.indirect.gather [hbm4b:s4+s16], $0x80, s3, s16, $0xb8;
	[tilespmem:$0x17D00] =	vst v63  }
0x3e: {  	_ =	swait.ge [sflag:s17], $0x4000  }
0x3f: {  	[sflag:s17] =	ssyncset.done $0x0  }
0x40: {  	[sflag:s17] =	ssyncadd.s32 $0xFFFFC000  }
0x41: {  	[spmem:s2] =	stream.indirect.scatter.add.f32 [tilespmem:s14], [sflag:$0x2], $0x80, s16, s16, $0xb8;
	[tilespmem:$0x17D00] =	vst v63  }
0x42: {  	_ =	swait.ge [sflag:s15], $0x4000  }
0x43: {  	s21 =	simm.s32 $0x10;
	s22 =	simm.s32 $0x20;
	[sflag:s15] =	ssyncset.done $0x0  }
.LBB2_4:
0x44: {  	s23 =	sadd.s32 s21, s13  }
0x45: {  	[sflag:s15] =	ssyncadd.s32 $0xFFFFC000;
	s24 =	smov.u32 s22;
	s25 =	sadd.s32 $0x10, s22  }
0x46: {  	[tilespmem:s3], [sflag:$0x2] =	stream.linear.gather [hbm4b:s23+s3], $0x80, $0x38;
	[tilespmem:$0x17D00] =	vst v63  }
0x47: {  	p0 =	sne.s32 s22, $0x4E0;
	_ =	swait.ge [sflag:s15], $0x80  }
0x48: {  	[sflag:s15] =	ssyncset.done $0x0  }
0x49: {  	s22 =	sadd.s32 s21, s12;
	s21 =	smov.u32 s24;
	[sflag:s15] =	ssyncadd.s32 $0xFFFFFF80  }
0x4a: {  	[tilespmem:s16], [sflag:$0x2] =	stream.linear.gather [hbm4b:s22+s3], $0x80, $0x38;
	[tilespmem:$0x17D00] =	vst v63  }
0x4b: {  	_ =	swait.ge [sflag:s15], $0x80  }
0x4c: {  	[sflag:s15] =	ssyncset.done $0x0  }
0x4d: {  	[sflag:s15] =	ssyncadd.s32 $0xFFFFFF80  }
0x4e: {  	[tilespmem:s14], [sflag:$0x1] =	stream.indirect.gather [hbm4b:s4+s16], $0x80, s3, s16, $0xb8;
	[tilespmem:$0x17D00] =	vst v63  }
0x4f: {  	_ =	swait.ge [sflag:s17], $0x4000  }
.Ltmp1:
0x50: {  	[sflag:s17] =	ssyncset.done $0x0;
	(pc) =	sbr.rel @p0 .LBB2_4-.Ltmp1, $4  }
0x51: {  	[sflag:s17] =	ssyncadd.s32 $0xFFFFC000  }
0x52: {  	[spmem:s2] =	stream.indirect.scatter.add.f32 [tilespmem:s14], [sflag:$0x2], $0x80, s16, s16, $0xb8;
	[tilespmem:$0x17D00] =	vst v63  }
0x53: {  	_ =	swait.ge [sflag:s15], $0x4000  }
0x54: {  	s22 =	smov.u32 s25;
	[sflag:s15] =	ssyncset.done $0x0  }
0x55: {  	s22 =	sadd.s32 s21, s13;
	[sflag:s15] =	ssyncadd.s32 $0xFFFFC000  }
0x56: {  	[tilespmem:s3], [sflag:$0x2] =	stream.linear.gather [hbm4b:s22+s3], $0x80, $0x38;
	[tilespmem:$0x17D00] =	vst v63  }
0x57: {  	_ =	swait.ge [sflag:s15], $0x80  }
0x58: {  	[sflag:s15] =	ssyncset.done $0x0  }
0x59: {  	s31 =	sadd.s32 s21, s12;
	[sflag:s15] =	ssyncadd.s32 $0xFFFFFF80  }
0x5a: {  	[tilespmem:s16], [sflag:$0x2] =	stream.linear.gather [hbm4b:s31+s3], $0x80, $0x38;
	[tilespmem:$0x17D00] =	vst v63  }
0x5b: {  	_ =	swait.ge [sflag:s15], $0x80  }
0x5c: {  	[sflag:s15] =	ssyncset.done $0x0  }
0x5d: {  	[sflag:s15] =	ssyncadd.s32 $0xFFFFFF80  }
0x5e: {  	[tilespmem:s14], [sflag:$0x1] =	stream.indirect.gather [hbm4b:s4+s16], $0x80, s3, s16, $0xb8;
	[tilespmem:$0x17D00] =	vst v63  }
0x5f: {  	_ =	swait.ge [sflag:s17], $0x4000  }
0x60: {  	[sflag:s17] =	ssyncset.done $0x0  }
0x61: {  	[sflag:s17] =	ssyncadd.s32 $0xFFFFC000  }
0x62: {  	[spmem:s2] =	stream.indirect.scatter.add.f32 [tilespmem:s14], [sflag:$0x2], $0x80, s16, s16, $0xb8;
	[tilespmem:$0x17D00] =	vst v63  }
0x63: {  	_ =	swait.ge [sflag:s15], $0x4000  }
0x64: {  	s20 =	sadd.s32 $0x1, s20;
	[sflag:s15] =	ssyncset.done $0x0  }
0x65: {  	p0 =	sne.s32 s20, s11;
	[sflag:s15] =	ssyncadd.s32 $0xFFFFC000  }
.Ltmp2:
0x66: {  	[bflag:$0x0] =	sbarrier.arrive $0xFFFF;
	(pc) =	sbr.rel @p0 .LBB2_1-.Ltmp2, $4  }
0x67: {  	[hbm:s10], [sflag:s18] =	dma.local [spmem:s19], $0x2780  }
0x68: {  	_ =	swait.ge [sflag:s15], $0x2780  }
0x69: {  	[sflag:s15] =	ssyncset.done $0x0  }
0x6a: {  	[sflag:s15] =	ssyncadd.s32 $0xFFFFD880  }
0x6b: {  	_ =	sfence.sel $0x180000  }
0x6c: {  	[bflag:$0x0] =	sbarrier.arrive $0xFFFF  }
0x6d: {  	p0 =	sne.s32 s1, $0x0;
	_ =	strace $0x9000004D  }
0x6e: {  	s0 =	sadd.s32 @!p0 $0x100000, s0;
	[bflag:$0x2] =	sbarrier.arrive $0xFFFF  }
0x6f: {  	[sflag:s0] =	ssyncadd.tile.s32 @!p0 $0x1;
	_ =	shalt  }
.Lfunc_end2:
_tile_overlayer_lowered:
.L_overlay_start_2:
0x70: {  	(tag) =	ssettag $0x2  }
0x71: {  	s0 =	rddreg [dreg:$0x0];
	s2 =	stileid.u32  }
0x72: {  	s1 =	rddreg [dreg:$0x1];
	p0 =	sne.s32 s2, $0x0  }
0x73: {  	s3 =	rddreg [dreg:$0x2];
	[bflag:$0x3] =	sbarrier.arrive $0xFFFF;
	s2 =	simm.s32 @!p0 $0x1C02  }
0x74: {  	[timem:s3], [sflag:s2] =	dma.local @!p0 [hbm:s0], s1  }
0x75: {  	s0 =	simm.s32 @!p0 $0x2  }
0x76: {  	_ =	swait.ge @!p0 [sflag:s0], s1  }
0x77: {  	s1 =	ssub.s32 @!p0 $0x0, s1;
	[sflag:s0] =	ssyncset.done @!p0 $0x0  }
0x78: {  	[sflag:s0] =	ssyncadd.s32 @!p0 s1  }
0x79: {  	[bflag:$0x3] =	sbarrier.arrive $0xFFFF  }
0x7a: {  	_ =	shalt  }

// kernel: kernel.23.cloned.1.call-start
scs
__scs_entry_jumppad:
0x0: {  	(pc) =	sbr.rel $0x88, $3  }
0x1: {  	(tag) =	ssettag $0x0;
	lr =	simm.s32 $0x1  }
0x2: {  	[smem:$0x3F97] =	sst lr;
	_ =	strace $0xD0000000  }
0x3: {  	_ = 	snop  }
0x4: {  	_ = 	snop  }
0x5: {  	_ = 	snop  }
0x6: {  	_ = 	snop  }
0x7: {  	_ = 	snop  }
__scs_overlays_trampoline_lowered:
0x8: {  	[smem:$0x3FA6] =	sst s0  }
0x9: {  	[smem:$0x3FA7] =	sst s1  }
0xa: {  	[smem:$0x3FA8] =	sst s2  }
0xb: {  	[smem:$0x3FA9] =	sst s3  }
0xc: {  	[smem:$0x3FAA] =	sst s4  }
0xd: {  	[smem:$0x3FAB] =	sst s5  }
0xe: {  	[smem:$0x3FAC] =	sst s6  }
0xf: {  	[smem:$0x3FAD] =	sst s7  }
0x10: {  	[smem:$0x3FAE] =	sst s8  }
0x11: {  	[smem:$0x3FAF] =	sst s9;
	s0 =	simm.s32 @!p0 $0x0  }
0x12: {  	s1 =	sld [smem:$0x3F95];
	s0 =	simm.s32 @p0 $0x1  }
0x13: {  	[smem:$0x3FB0] =	sst s0;
	s0 =	simm.s32 @!p1 $0x0  }
0x14: {  	s2 =	sld [smem:$0x3F94];
	s0 =	simm.s32 @p1 $0x1  }
0x15: {  	[smem:$0x3FB1] =	sst s0;
	s0 =	simm.s32 @!p2 $0x0  }
0x16: {  	s3 =	sld [smem:$0x3FDB];
	s0 =	simm.s32 @p2 $0x1  }
0x17: {  	s4 =	simm.s32 $0x1BF5;
	[smem:$0x3FB3] =	sst s0  }
0x18: {  	s0 =	sld [smem:$0x3F96];
	_ =	swait.ge [sflag:s4], $0x0  }
0x19: {  	s7 =	sld [smem:$0x3F97]  }
0x1a: {  	s8 =	sadd.s32 $0xFFFFE003, lr  }
0x1b: {  	s9 =	sadd.s32 $0xFFFFFEF7, lr;
	s5 =	simm.s32 $0xFFFFFFFF;
	p2 =	slt.u32 s8, $0xFFFFF086  }
0x1c: {  	p1 =	slt.u32 s9, $0xF7A;
	s5 =	simm.s32 @!p2 $0x0  }
0x1d: {  	s5 =	simm.s32 @p1 $0x1;
	p0 =	seq.s32 s7, s2  }
0x1e: {  	s7 =	smul.u32 @!p0 $0xF7A, s2;
	p2 =	seq.s32 @!p0 s5, $0x0  }
0x1f: {  	s9 =	smul.u32 $0xF7A, s1;
	s8 =	simm.s32 @!p0 $0x1BF5;
	p2 =	por !p2, p0  }
0x20: {  	[sflag:s8] =	ssyncset.s32 @!p0 $0xFFFFF086;
	s6 =	sadd.s32 @!p0 s3, s7;
	s7 =	simm.s32 @!p0 $0x108  }
0x21: {  	s3 =	sadd.s32 s3, s9;
	s6 =	sadd.s32 @!p0 $0x88, s6;
	s7 =	simm.s32 @p2 $0x1082  }
0x22: {  	[simem:s7], [sflag:s8] =	dma.local @!p0 [hbm:s6], $0xF7A  }
0x23: {  	s9 =	sor.u32 $0xD0000000, s2;
	s6 =	simm.s32 $0x108;
	_ =	swait.ge @!p0 [sflag:s8], $0x0  }
0x24: {  	s3 =	sadd.s32 $0x88, s3;
	s6 =	simm.s32 @!p1 $0x1082;
	[sflag:s4] =	ssyncset.s32 $0xFFFFF086  }
0x25: {  	[simem:s6], [sflag:s4] =	dma.local [hbm:s3], $0xF7A  }
0x26: {  	[smem:$0x3F97] =	sst s1;
	(tag) =	ssettag s2;
	_ =	strace s9  }
0x27: {  	s1 =	sld [smem:$0x3FA7]  }
0x28: {  	s2 =	sld [smem:$0x3FA8]  }
0x29: {  	s4 =	sld [smem:$0x3FAA]  }
0x2a: {  	p0 =	seq.s32 s5, $0x0;
	s5 =	sld [smem:$0x3FAB]  }
0x2b: {  	s6 =	sld [smem:$0x3FAC]  }
0x2c: {  	s7 =	sld [smem:$0x3FAD]  }
0x2d: {  	s3 =	simm.s32 $0x108;
	s8 =	sld [smem:$0x3FAE]  }
0x2e: {  	s3 =	simm.s32 @!p0 $0x1082;
	s9 =	sld [smem:$0x3FAF]  }
0x2f: {  	lr =	sadd.s32 s0, s3;
	s0 =	sld [smem:$0x3FA6]  }
0x30: {  	s3 =	sld [smem:$0x3FA9]  }
0x31: {  	[smem:$0x3FB2] =	sst s10  }
0x32: {  	s10 =	sld [smem:$0x3FB0];
	_ =	sdelay $0x3  }
0x33: {  	p0 =	seq.s32 s10, $0x1;
	s10 =	sld [smem:$0x3FB2];
	_ =	sdelay $0x3  }
0x34: {  	[smem:$0x3FB2] =	sst s10  }
0x35: {  	s10 =	sld [smem:$0x3FB1];
	_ =	sdelay $0x3  }
0x36: {  	p1 =	seq.s32 s10, $0x1;
	s10 =	sld [smem:$0x3FB2];
	_ =	sdelay $0x3  }
0x37: {  	[smem:$0x3FB2] =	sst s10  }
0x38: {  	s10 =	sld [smem:$0x3FB3]  }
0x39: {  	_ = 	snop;
	(pc) =	sbr.ind lr, $3  }
0x3a: {  	_ = 	snop  }
0x3b: {  	_ = 	snop  }
0x3c: {  	p2 =	seq.s32 s10, $0x1;
	s10 =	sld [smem:$0x3FB2]  }
0x3d: {  	_ =	shalt  }
0x3e: {  	_ =	shalt  }
0x3f: {  	_ =	shalt  }
0x40: {  	_ =	shalt  }
0x41: {  	_ =	shalt  }
0x42: {  	_ =	shalt  }
0x43: {  	_ =	shalt  }
0x44: {  	_ =	shalt  }
0x45: {  	_ =	shalt  }
0x46: {  	_ =	shalt  }
0x47: {  	_ =	shalt  }
0x48: {  	_ =	shalt  }
0x49: {  	_ =	shalt  }
0x4a: {  	_ =	shalt  }
0x4b: {  	_ =	shalt  }
0x4c: {  	_ =	shalt  }
0x4d: {  	_ =	shalt  }
0x4e: {  	_ =	shalt  }
0x4f: {  	_ =	shalt  }
0x50: {  	_ =	shalt  }
0x51: {  	_ =	shalt  }
0x52: {  	_ =	shalt  }
0x53: {  	_ =	shalt  }
0x54: {  	_ =	shalt  }
0x55: {  	_ =	shalt  }
0x56: {  	_ =	shalt  }
0x57: {  	_ =	shalt  }
0x58: {  	_ =	shalt  }
0x59: {  	_ =	shalt  }
0x5a: {  	_ =	shalt  }
0x5b: {  	_ =	shalt  }
0x5c: {  	_ =	shalt  }
0x5d: {  	_ =	shalt  }
0x5e: {  	_ =	shalt  }
0x5f: {  	_ =	shalt  }
0x60: {  	_ =	shalt  }
0x61: {  	_ =	shalt  }
0x62: {  	_ =	shalt  }
0x63: {  	_ =	shalt  }
0x64: {  	_ =	shalt  }
0x65: {  	_ =	shalt  }
0x66: {  	_ =	shalt  }
0x67: {  	_ =	shalt  }
0x68: {  	_ =	shalt  }
0x69: {  	_ =	shalt  }
0x6a: {  	_ =	shalt  }
0x6b: {  	_ =	shalt  }
0x6c: {  	_ =	shalt  }
0x6d: {  	_ =	shalt  }
0x6e: {  	_ =	shalt  }
0x6f: {  	_ =	shalt  }
0x70: {  	_ =	shalt  }
0x71: {  	_ =	shalt  }
0x72: {  	_ =	shalt  }
0x73: {  	_ =	shalt  }
0x74: {  	_ =	shalt  }
0x75: {  	_ =	shalt  }
0x76: {  	_ =	shalt  }
0x77: {  	_ =	shalt  }
0x78: {  	_ =	shalt  }
0x79: {  	_ =	shalt  }
0x7a: {  	_ =	shalt  }
0x7b: {  	_ =	shalt  }
0x7c: {  	_ =	shalt  }
0x7d: {  	_ =	shalt  }
0x7e: {  	_ =	shalt  }
0x7f: {  	_ =	shalt  }
0x80: {  	_ =	shalt  }
0x81: {  	_ =	shalt  }
0x82: {  	_ =	shalt  }
0x83: {  	_ =	shalt  }
0x84: {  	_ =	shalt  }
0x85: {  	_ =	shalt  }
0x86: {  	_ =	shalt  }
0x87: {  	_ =	shalt  }
.Lfunc_end0:
.L_simem_size_0:
called_computation.3_lowered:
.L_overlay_start_0:
0x88: {  	s2 =	sld [smem:$0x3FD9]  }
0x89: {  	s3 =	sld [smem:$0x3FFE];
	_ =	sdelay $0x1  }
0x8a: {  	s1 =	srdreg.scid  }
0x8b: {  	s0 =	sand.u32 $0x1, s1  }
0x8c: {  	s16 =	sshll.u32 s0, $0xA;
	s2 =	sadd.s32 s3, s2  }
0x8d: {  	s2 =	sadd.s32 s2, s16  }
0x8e: {  	[smem:$0x3FBE] =	sst s2  }
0x8f: {  	_ = 	snop  }
0x90: {  	(tm) =	ssettm $0x1  }
0x91: {  	s17 =	sld [smem:$0x3FFB];
	_ =	sdelay $0x3  }
0x92: {  	_ =	strace s17  }
0x93: {  	s2 =	sld [smem:$0x3FFC];
	_ =	sdelay $0x3  }
0x94: {  	_ =	strace s2  }
0x95: {  	s2 =	sld [smem:$0x3FFD];
	_ =	sdelay $0x3  }
0x96: {  	_ =	strace s2  }
0x97: {  	_ =	strace $0x8FFFFFFF  }
0x98: {  	s18 =	sld [smem:$0x3FDB];
	_ =	sdelay $0x1  }
0x99: {  	s19 =	simm.s32 $_scs_section_size  }
0x9a: {  	s4 =	simm.s32 $_size__tile_overlayer_lowered;
	s5 =	simm.s32 $_tile_overlayer_lowered  }
0x9b: {  	s22 =	simm.s32 $0x1BFF;
	s21 =	sshll.u32 s5, $0x1;
	s2 =	sadd.s32 s19, s18  }
0x9c: {  	s6 =	simm.s32 $0x0;
	s20 =	sshll.u32 s4, $0x1;
	s4 =	sadd.s32 s21, s2  }
0x9d: {  	[timem:s6], [sflag:s22] =	dma.local [hbm:s4], s20  }
0x9e: {  	_ =	swait.ge [sflag:s22], s20  }
0x9f: {  	s3 =	ssub.s32 $0x0, s20;
	[sflag:s22] =	ssyncset.done $0x0  }
0xa0: {  	[sflag:s22] =	ssyncadd.s32 s3;
	_ =	sdelay $0x1  }
0xa1: {  	s23 =	simm.s32 $0x1B8B  }
0xa2: {  	_ =	swait.ge [sflag:s23], $0x1  }
0xa3: {  	[sflag:s23] =	ssyncset.done $0x0  }
0xa4: {  	s25 =	simm.s32 $0x1B8E;
	s24 =	sld [smem:$0x3FFE];
	[sflag:s23] =	ssyncadd.s32 $0xFFFFFFFF  }
0xa5: {  	s26 =	simm.s32 $execute0_lowered;
	[smem:$0x3FD2] =	sst s25  }
0xa6: {  	s4 =	sshll.u32 s26, $0x1;
	_ =	strace $0x8000004F;
	[dreg:$0x1] =	wrdreg $0xFFFFFFFF  }
0xa7: {  	s28 =	simm.s32 $_size_execute0_lowered;
	s2 =	sadd.s32 s2, s4;
	[dreg:$0x0] =	wrdreg $0x0  }
0xa8: {  	s4 =	sshll.u32 s28, $0x1;
	[dreg:$0x2] =	wrdreg s2  }
0xa9: {  	[dreg:$0x3] =	wrdreg s4  }
0xaa: {  	[dreg:$0x4] =	wrdreg $0xC0  }
0xab: {  	_ =	task [dreg:s6], $0x5FFFF  }
0xac: {  	[dreg:$0x1] =	wrdreg $0xFFFFFFFF  }
0xad: {  	[dreg:$0x0] =	wrdreg $0x60  }
0xae: {  	[dreg:$0x2] =	wrdreg s24  }
0xaf: {  	[dreg:$0x3] =	wrdreg $0x41000  }
0xb0: {  	[dreg:$0x4] =	wrdreg $0x9  }
0xb1: {  	_ =	task.clear_ibuf [dreg:s6], $0x5FFFF;
	_ =	strace $0x9000004F  }
0xb2: {  	s29 =	simm.s32 $0x9;
	_ =	strace $0x80000051  }
0xb3: {  	_ =	swait.ge [sflag:s29], $0x1  }
0xb4: {  	[sflag:s29] =	ssyncadd.s32 $0xFFFFFFFF  }
0xb5: {  	_ =	strace $0x90000051  }
0xb6: {  	_ =	sfence  }
0xb7: {  	s30 =	sld [smem:$0x0];
	_ =	sdelay $0x2  }
0xb8: {  	s31 =	sshll.u32 s1, $0xD;
	s1 =	sshrl.u32 s1, $0x2  }
0xb9: {  	s3 =	sand.u32 $0x4000, s31;
	s1 =	sadd.s32 s1, s30  }
0xba: {  	s0 =	sor.u32 s3, s0;
	s1 =	sshll.u32 s1, $0x11  }
0xbb: {  	s0 =	sor.u32 s1, s0  }
0xbc: {  	s0 =	sadd.s32 $0x8F2B, s0  }
0xbd: {  	[sflag:s0] =	ssyncadd.remote.s32 $0x1  }
0xbe: {  	_ =	sfence.sel $0xFFFF  }
0xbf: {  	[dreg:$0x0] =	wrdreg $0xFFFFFFFF;
	(pc) =	sbr.abs _section_cstart, $3  }
0xc0: {  	[dreg:$0x1] =	wrdreg $0xFFFFFFFF  }
0xc1: {  	_ =	task.clear_ibuf [dreg:s6], $0x2FFFF;
	_ =	strace $0x9FFFFFFF  }
0xc2: {  	(tm) =	ssettm $0x7FFFFFFF  }
0xc3: {  	_ =	shalt  }
tec
execute0_lowered:
.L_overlay_start_1:
0x0: {  	(tag) =	ssettag $0x1  }
0x1: {  	s5 =	rddreg [dreg:$0x0];
	s0 =	srdreg.scid  }
0x2: {  	s2 =	rddreg [dreg:$0x1];
	s1 =	stileid.u32;
	s3 =	simm.s32 $0x0  }
0x3: {  	s15 =	simm.s32 $0x2;
	s16 =	simm.s32 $0x80;
	s7 =	smul.u32 $0x13C00, s1  }
0x4: {  	s17 =	simm.s32 $0x1;
	s20 =	simm.s32 $0x0;
	s9 =	smul.u32 $0x4F000, s1  }
0x5: {  	s6 =	sand.u32 $0x1, s0;
	s0 =	rddreg [dreg:$0x2];
	s12 =	smul.u32 $0x4F0, s1  }
0x6: {  	[smem:$0x7FF] =	sst s3;
	s18 =	sshll.u32 s1, $0x6;
	s4 =	smul.u32 $0x13C000, s6  }
0x7: {  	s8 =	smul.u32 $0x4F00, s6;
	_ =	strace $0x80000050;
	s6 =	ssub.s32 $0x2, s6  }
0x8: {  	s18 =	sor.u32 $0x1C02, s18;
	s30 =	sshrl.u32 s9, $0x2;
	s31 =	sshrl.u32 s6, $0x1  }
0x9: {  	s7 =	sadd.s32 s7, s4;
	s10 =	sadd.s32 s8, s5;
	s4 =	sadd.s32 $0x19C00, s5  }
0xa: {  	s13 =	ssub.s32 s6, s31;
	s7 =	sshrl.u32 s7, $0x3;
	s14 =	sadd.s32 s12, s10  }
0xb: {  	s11 =	sadd.s32 s7, s5;
	s5 =	sadd.s32 s30, s2;
	s12 =	sadd.s32 $0xFE00, s14  }
0xc: {  	s6 =	sadd.s32 $0x4000, s5;
	s7 =	sadd.s32 $0x8000, s5;
	s8 =	sadd.s32 $0xC000, s5  }
0xd: {  	s9 =	sadd.s32 $0x10000, s5;
	s10 =	sadd.s32 $0x69400, s11;
	s11 =	smax.u32 s13, $0x1  }
0xe: {  	v0 =	vimm.f32 $0.0e+00;
	s13 =	sadd.s32 $0x6000, s14;
	s14 =	simm.s32 $0x100;
	s19 =	sshrl.u32 s5, $0x3  }
.LBB2_1:
0xf: {  	s21 =	simm.s32 $0x0;
	s22 =	simm.s32 $0x200  }
.LBB2_2:
0x10: {  	p0 =	sne.s32 s22, $0xFE00;
	[tilespmem:s21+$0x170] =	vst v0  }
0x11: {  	[tilespmem:s21+$0x100] =	vst v0  }
0x12: {  	[tilespmem:s21+$0x110] =	vst v0  }
.Ltmp0:
0x13: {  	[tilespmem:s21+$0x120] =	vst v0;
	(pc) =	sbr.rel @p0 .LBB2_2-.Ltmp0, $4  }
0x14: {  	[tilespmem:s21+$0x130] =	vst v0  }
0x15: {  	[tilespmem:s21+$0x140] =	vst v0  }
0x16: {  	[tilespmem:s21+$0x150] =	vst v0  }
0x17: {  	[tilespmem:s21+$0x160] =	vst v0;
	s21 =	sshra.s32 s22, $0x2;
	s22 =	sadd.s32 $0x200, s22  }
0x18: {  	[tilespmem:s21+$0x170] =	vst v0  }
0x19: {  	[tilespmem:s21+$0x100] =	vst v0  }
0x1a: {  	[tilespmem:s21+$0x110] =	vst v0  }
0x1b: {  	[tilespmem:s21+$0x120] =	vst v0  }
0x1c: {  	[tilespmem:s21+$0x130] =	vst v0  }
0x1d: {  	[tilespmem:s21+$0x140] =	vst v0  }
0x1e: {  	[tilespmem:s21+$0x150] =	vst v0  }
0x1f: {  	[tilespmem:s21+$0x160] =	vst v0  }
0x20: {  	[spmem:s5] =	stream.linear.scatter [tilespmem:s14], [sflag:$0x2], $0x4000, $0x38;
	[tilespmem:$0x17D00] =	vst v63  }
0x21: {  	_ =	swait.ge [sflag:s15], $0x4000  }
0x22: {  	[sflag:s15] =	ssyncset.done $0x0  }
0x23: {  	[sflag:s15] =	ssyncadd.s32 $0xFFFFC000  }
0x24: {  	[spmem:s6] =	stream.linear.scatter [tilespmem:s14], [sflag:$0x2], $0x4000, $0x38;
	[tilespmem:$0x17D00] =	vst v63  }
0x25: {  	_ =	swait.ge [sflag:s15], $0x4000  }
0x26: {  	[sflag:s15] =	ssyncset.done $0x0  }
0x27: {  	[sflag:s15] =	ssyncadd.s32 $0xFFFFC000  }
0x28: {  	[spmem:s7] =	stream.linear.scatter [tilespmem:s14], [sflag:$0x2], $0x4000, $0x38;
	[tilespmem:$0x17D00] =	vst v63  }
0x29: {  	_ =	swait.ge [sflag:s15], $0x4000  }
0x2a: {  	[sflag:s15] =	ssyncset.done $0x0  }
0x2b: {  	[sflag:s15] =	ssyncadd.s32 $0xFFFFC000  }
0x2c: {  	[spmem:s8] =	stream.linear.scatter [tilespmem:s14], [sflag:$0x2], $0x4000, $0x38;
	[tilespmem:$0x17D00] =	vst v63  }
0x2d: {  	_ =	swait.ge [sflag:s15], $0x4000  }
0x2e: {  	[sflag:s15] =	ssyncset.done $0x0  }
0x2f: {  	[sflag:s15] =	ssyncadd.s32 $0xFFFFC000  }
0x30: {  	[spmem:s9] =	stream.linear.scatter [tilespmem:s14], [sflag:$0x2], $0x3C00, $0x38;
	[tilespmem:$0x17D00] =	vst v63  }
0x31: {  	_ =	swait.ge [sflag:s15], $0x3C00  }
0x32: {  	[sflag:s15] =	ssyncset.done $0x0  }
0x33: {  	[sflag:s15] =	ssyncadd.s32 $0xFFFFC400  }
0x34: {  	s30 =	sadd.s32 $0x0, s13;
	[bflag:$0x0] =	sbarrier.arrive $0xFFFF  }
0x35: {  	[tilespmem:s3], [sflag:$0x2] =	stream.linear.gather [hbm4b:s30+s3], $0x80, $0x38;
	[tilespmem:$0x17D00] =	vst v63  }
0x36: {  	_ =	swait.ge [sflag:s15], $0x80  }
0x37: {  	[sflag:s15] =	ssyncset.done $0x0  }
0x38: {  	s31 =	sadd.s32 $0x0, s12;
	[sflag:s15] =	ssyncadd.s32 $0xFFFFFF80  }
0x39: {  	[tilespmem:s16], [sflag:$0x2] =	stream.linear.gather [hbm4b:s31+s3], $0x80, $0x38;
	[tilespmem:$0x17D00] =	vst v63  }
0x3a: {  	_ =	swait.ge [sflag:s15], $0x80  }
0x3b: {  	[sflag:s15] =	ssyncset.done $0x0  }
0x3c: {  	[sflag:s15] =	ssyncadd.s32 $0xFFFFFF80  }
0x3d: {  	[tilespmem:s14], [sflag:$0x1] =	stream.indirect.gather [hbm4b:s4+s16], $0x80, s3, s16, $0xb8;
	[tilespmem:$0x17D00] =	vst v63  }
0x3e: {  	_ =	swait.ge [sflag:s17], $0x4000  }
0x3f: {  	[sflag:s17] =	ssyncset.done $0x0  }
0x40: {  	[sflag:s17] =	ssyncadd.s32 $0xFFFFC000  }
0x41: {  	[spmem:s2] =	stream.indirect.scatter.add.f32 [tilespmem:s14], [sflag:$0x2], $0x80, s16, s16, $0xb8;
	[tilespmem:$0x17D00] =	vst v63  }
0x42: {  	_ =	swait.ge [sflag:s15], $0x4000  }
0x43: {  	s21 =	simm.s32 $0x10;
	s22 =	simm.s32 $0x20;
	[sflag:s15] =	ssyncset.done $0x0  }
.LBB2_4:
0x44: {  	s23 =	sadd.s32 s21, s13  }
0x45: {  	[sflag:s15] =	ssyncadd.s32 $0xFFFFC000;
	s24 =	smov.u32 s22;
	s25 =	sadd.s32 $0x10, s22  }
0x46: {  	[tilespmem:s3], [sflag:$0x2] =	stream.linear.gather [hbm4b:s23+s3], $0x80, $0x38;
	[tilespmem:$0x17D00] =	vst v63  }
0x47: {  	p0 =	sne.s32 s22, $0x4E0;
	_ =	swait.ge [sflag:s15], $0x80  }
0x48: {  	[sflag:s15] =	ssyncset.done $0x0  }
0x49: {  	s22 =	sadd.s32 s21, s12;
	s21 =	smov.u32 s24;
	[sflag:s15] =	ssyncadd.s32 $0xFFFFFF80  }
0x4a: {  	[tilespmem:s16], [sflag:$0x2] =	stream.linear.gather [hbm4b:s22+s3], $0x80, $0x38;
	[tilespmem:$0x17D00] =	vst v63  }
0x4b: {  	_ =	swait.ge [sflag:s15], $0x80  }
0x4c: {  	[sflag:s15] =	ssyncset.done $0x0  }
0x4d: {  	[sflag:s15] =	ssyncadd.s32 $0xFFFFFF80  }
0x4e: {  	[tilespmem:s14], [sflag:$0x1] =	stream.indirect.gather [hbm4b:s4+s16], $0x80, s3, s16, $0xb8;
	[tilespmem:$0x17D00] =	vst v63  }
0x4f: {  	_ =	swait.ge [sflag:s17], $0x4000  }
.Ltmp1:
0x50: {  	[sflag:s17] =	ssyncset.done $0x0;
	(pc) =	sbr.rel @p0 .LBB2_4-.Ltmp1, $4  }
0x51: {  	[sflag:s17] =	ssyncadd.s32 $0xFFFFC000  }
0x52: {  	[spmem:s2] =	stream.indirect.scatter.add.f32 [tilespmem:s14], [sflag:$0x2], $0x80, s16, s16, $0xb8;
	[tilespmem:$0x17D00] =	vst v63  }
0x53: {  	_ =	swait.ge [sflag:s15], $0x4000  }
0x54: {  	s22 =	smov.u32 s25;
	[sflag:s15] =	ssyncset.done $0x0  }
0x55: {  	s22 =	sadd.s32 s21, s13;
	[sflag:s15] =	ssyncadd.s32 $0xFFFFC000  }
0x56: {  	[tilespmem:s3], [sflag:$0x2] =	stream.linear.gather [hbm4b:s22+s3], $0x80, $0x38;
	[tilespmem:$0x17D00] =	vst v63  }
0x57: {  	_ =	swait.ge [sflag:s15], $0x80  }
0x58: {  	[sflag:s15] =	ssyncset.done $0x0  }
0x59: {  	s31 =	sadd.s32 s21, s12;
	[sflag:s15] =	ssyncadd.s32 $0xFFFFFF80  }
0x5a: {  	[tilespmem:s16], [sflag:$0x2] =	stream.linear.gather [hbm4b:s31+s3], $0x80, $0x38;
	[tilespmem:$0x17D00] =	vst v63  }
0x5b: {  	_ =	swait.ge [sflag:s15], $0x80  }
0x5c: {  	[sflag:s15] =	ssyncset.done $0x0  }
0x5d: {  	[sflag:s15] =	ssyncadd.s32 $0xFFFFFF80  }
0x5e: {  	[tilespmem:s14], [sflag:$0x1] =	stream.indirect.gather [hbm4b:s4+s16], $0x80, s3, s16, $0xb8;
	[tilespmem:$0x17D00] =	vst v63  }
0x5f: {  	_ =	swait.ge [sflag:s17], $0x4000  }
0x60: {  	[sflag:s17] =	ssyncset.done $0x0  }
0x61: {  	[sflag:s17] =	ssyncadd.s32 $0xFFFFC000  }
0x62: {  	[spmem:s2] =	stream.indirect.scatter.add.f32 [tilespmem:s14], [sflag:$0x2], $0x80, s16, s16, $0xb8;
	[tilespmem:$0x17D00] =	vst v63  }
0x63: {  	_ =	swait.ge [sflag:s15], $0x4000  }
0x64: {  	s20 =	sadd.s32 $0x1, s20;
	[sflag:s15] =	ssyncset.done $0x0  }
0x65: {  	p0 =	sne.s32 s20, s11;
	[sflag:s15] =	ssyncadd.s32 $0xFFFFC000  }
.Ltmp2:
0x66: {  	[bflag:$0x0] =	sbarrier.arrive $0xFFFF;
	(pc) =	sbr.rel @p0 .LBB2_1-.Ltmp2, $4  }
0x67: {  	[hbm:s10], [sflag:s18] =	dma.local [spmem:s19], $0x2780  }
0x68: {  	_ =	swait.ge [sflag:s15], $0x2780  }
0x69: {  	[sflag:s15] =	ssyncset.done $0x0  }
0x6a: {  	[sflag:s15] =	ssyncadd.s32 $0xFFFFD880  }
0x6b: {  	_ =	sfence.sel $0x180000  }
0x6c: {  	[bflag:$0x0] =	sbarrier.arrive $0xFFFF  }
0x6d: {  	p0 =	sne.s32 s1, $0x0;
	_ =	strace $0x90000050  }
0x6e: {  	s0 =	sadd.s32 @!p0 $0x100000, s0;
	[bflag:$0x2] =	sbarrier.arrive $0xFFFF  }
0x6f: {  	[sflag:s0] =	ssyncadd.tile.s32 @!p0 $0x1;
	_ =	shalt  }
.Lfunc_end2:
_tile_overlayer_lowered:
.L_overlay_start_2:
0x70: {  	(tag) =	ssettag $0x2  }
0x71: {  	s0 =	rddreg [dreg:$0x0];
	s2 =	stileid.u32  }
0x72: {  	s1 =	rddreg [dreg:$0x1];
	p0 =	sne.s32 s2, $0x0  }
0x73: {  	s3 =	rddreg [dreg:$0x2];
	[bflag:$0x3] =	sbarrier.arrive $0xFFFF;
	s2 =	simm.s32 @!p0 $0x1C02  }
0x74: {  	[timem:s3], [sflag:s2] =	dma.local @!p0 [hbm:s0], s1  }
0x75: {  	s0 =	simm.s32 @!p0 $0x2  }
0x76: {  	_ =	swait.ge @!p0 [sflag:s0], s1  }
0x77: {  	s1 =	ssub.s32 @!p0 $0x0, s1;
	[sflag:s0] =	ssyncset.done @!p0 $0x0  }
0x78: {  	[sflag:s0] =	ssyncadd.s32 @!p0 s1  }
0x79: {  	[bflag:$0x3] =	sbarrier.arrive $0xFFFF  }
0x7a: {  	_ =	shalt  }

// kernel: kernel.26.cloned.1.call-start
scs
__scs_entry_jumppad:
0x0: {  	(pc) =	sbr.rel $0x88, $3  }
0x1: {  	(tag) =	ssettag $0x0;
	lr =	simm.s32 $0x1  }
0x2: {  	[smem:$0x3F97] =	sst lr;
	_ =	strace $0xD0000000  }
0x3: {  	_ = 	snop  }
0x4: {  	_ = 	snop  }
0x5: {  	_ = 	snop  }
0x6: {  	_ = 	snop  }
0x7: {  	_ = 	snop  }
__scs_overlays_trampoline_lowered:
0x8: {  	[smem:$0x3FA6] =	sst s0  }
0x9: {  	[smem:$0x3FA7] =	sst s1  }
0xa: {  	[smem:$0x3FA8] =	sst s2  }
0xb: {  	[smem:$0x3FA9] =	sst s3  }
0xc: {  	[smem:$0x3FAA] =	sst s4  }
0xd: {  	[smem:$0x3FAB] =	sst s5  }
0xe: {  	[smem:$0x3FAC] =	sst s6  }
0xf: {  	[smem:$0x3FAD] =	sst s7  }
0x10: {  	[smem:$0x3FAE] =	sst s8  }
0x11: {  	[smem:$0x3FAF] =	sst s9;
	s0 =	simm.s32 @!p0 $0x0  }
0x12: {  	s1 =	sld [smem:$0x3F95];
	s0 =	simm.s32 @p0 $0x1  }
0x13: {  	[smem:$0x3FB0] =	sst s0;
	s0 =	simm.s32 @!p1 $0x0  }
0x14: {  	s2 =	sld [smem:$0x3F94];
	s0 =	simm.s32 @p1 $0x1  }
0x15: {  	[smem:$0x3FB1] =	sst s0;
	s0 =	simm.s32 @!p2 $0x0  }
0x16: {  	s3 =	sld [smem:$0x3FDB];
	s0 =	simm.s32 @p2 $0x1  }
0x17: {  	s4 =	simm.s32 $0x1BF5;
	[smem:$0x3FB3] =	sst s0  }
0x18: {  	s0 =	sld [smem:$0x3F96];
	_ =	swait.ge [sflag:s4], $0x0  }
0x19: {  	s7 =	sld [smem:$0x3F97]  }
0x1a: {  	s8 =	sadd.s32 $0xFFFFE003, lr  }
0x1b: {  	s9 =	sadd.s32 $0xFFFFFEF7, lr;
	s5 =	simm.s32 $0xFFFFFFFF;
	p2 =	slt.u32 s8, $0xFFFFF086  }
0x1c: {  	p1 =	slt.u32 s9, $0xF7A;
	s5 =	simm.s32 @!p2 $0x0  }
0x1d: {  	s5 =	simm.s32 @p1 $0x1;
	p0 =	seq.s32 s7, s2  }
0x1e: {  	s7 =	smul.u32 @!p0 $0xF7A, s2;
	p2 =	seq.s32 @!p0 s5, $0x0  }
0x1f: {  	s9 =	smul.u32 $0xF7A, s1;
	s8 =	simm.s32 @!p0 $0x1BF5;
	p2 =	por !p2, p0  }
0x20: {  	[sflag:s8] =	ssyncset.s32 @!p0 $0xFFFFF086;
	s6 =	sadd.s32 @!p0 s3, s7;
	s7 =	simm.s32 @!p0 $0x108  }
0x21: {  	s3 =	sadd.s32 s3, s9;
	s6 =	sadd.s32 @!p0 $0x88, s6;
	s7 =	simm.s32 @p2 $0x1082  }
0x22: {  	[simem:s7], [sflag:s8] =	dma.local @!p0 [hbm:s6], $0xF7A  }
0x23: {  	s9 =	sor.u32 $0xD0000000, s2;
	s6 =	simm.s32 $0x108;
	_ =	swait.ge @!p0 [sflag:s8], $0x0  }
0x24: {  	s3 =	sadd.s32 $0x88, s3;
	s6 =	simm.s32 @!p1 $0x1082;
	[sflag:s4] =	ssyncset.s32 $0xFFFFF086  }
0x25: {  	[simem:s6], [sflag:s4] =	dma.local [hbm:s3], $0xF7A  }
0x26: {  	[smem:$0x3F97] =	sst s1;
	(tag) =	ssettag s2;
	_ =	strace s9  }
0x27: {  	s1 =	sld [smem:$0x3FA7]  }
0x28: {  	s2 =	sld [smem:$0x3FA8]  }
0x29: {  	s4 =	sld [smem:$0x3FAA]  }
0x2a: {  	p0 =	seq.s32 s5, $0x0;
	s5 =	sld [smem:$0x3FAB]  }
0x2b: {  	s6 =	sld [smem:$0x3FAC]  }
0x2c: {  	s7 =	sld [smem:$0x3FAD]  }
0x2d: {  	s3 =	simm.s32 $0x108;
	s8 =	sld [smem:$0x3FAE]  }
0x2e: {  	s3 =	simm.s32 @!p0 $0x1082;
	s9 =	sld [smem:$0x3FAF]  }
0x2f: {  	lr =	sadd.s32 s0, s3;
	s0 =	sld [smem:$0x3FA6]  }
0x30: {  	s3 =	sld [smem:$0x3FA9]  }
0x31: {  	[smem:$0x3FB2] =	sst s10  }
0x32: {  	s10 =	sld [smem:$0x3FB0];
	_ =	sdelay $0x3  }
0x33: {  	p0 =	seq.s32 s10, $0x1;
	s10 =	sld [smem:$0x3FB2];
	_ =	sdelay $0x3  }
0x34: {  	[smem:$0x3FB2] =	sst s10  }
0x35: {  	s10 =	sld [smem:$0x3FB1];
	_ =	sdelay $0x3  }
0x36: {  	p1 =	seq.s32 s10, $0x1;
	s10 =	sld [smem:$0x3FB2];
	_ =	sdelay $0x3  }
0x37: {  	[smem:$0x3FB2] =	sst s10  }
0x38: {  	s10 =	sld [smem:$0x3FB3]  }
0x39: {  	_ = 	snop;
	(pc) =	sbr.ind lr, $3  }
0x3a: {  	_ = 	snop  }
0x3b: {  	_ = 	snop  }
0x3c: {  	p2 =	seq.s32 s10, $0x1;
	s10 =	sld [smem:$0x3FB2]  }
0x3d: {  	_ =	shalt  }
0x3e: {  	_ =	shalt  }
0x3f: {  	_ =	shalt  }
0x40: {  	_ =	shalt  }
0x41: {  	_ =	shalt  }
0x42: {  	_ =	shalt  }
0x43: {  	_ =	shalt  }
0x44: {  	_ =	shalt  }
0x45: {  	_ =	shalt  }
0x46: {  	_ =	shalt  }
0x47: {  	_ =	shalt  }
0x48: {  	_ =	shalt  }
0x49: {  	_ =	shalt  }
0x4a: {  	_ =	shalt  }
0x4b: {  	_ =	shalt  }
0x4c: {  	_ =	shalt  }
0x4d: {  	_ =	shalt  }
0x4e: {  	_ =	shalt  }
0x4f: {  	_ =	shalt  }
0x50: {  	_ =	shalt  }
0x51: {  	_ =	shalt  }
0x52: {  	_ =	shalt  }
0x53: {  	_ =	shalt  }
0x54: {  	_ =	shalt  }
0x55: {  	_ =	shalt  }
0x56: {  	_ =	shalt  }
0x57: {  	_ =	shalt  }
0x58: {  	_ =	shalt  }
0x59: {  	_ =	shalt  }
0x5a: {  	_ =	shalt  }
0x5b: {  	_ =	shalt  }
0x5c: {  	_ =	shalt  }
0x5d: {  	_ =	shalt  }
0x5e: {  	_ =	shalt  }
0x5f: {  	_ =	shalt  }
0x60: {  	_ =	shalt  }
0x61: {  	_ =	shalt  }
0x62: {  	_ =	shalt  }
0x63: {  	_ =	shalt  }
0x64: {  	_ =	shalt  }
0x65: {  	_ =	shalt  }
0x66: {  	_ =	shalt  }
0x67: {  	_ =	shalt  }
0x68: {  	_ =	shalt  }
0x69: {  	_ =	shalt  }
0x6a: {  	_ =	shalt  }
0x6b: {  	_ =	shalt  }
0x6c: {  	_ =	shalt  }
0x6d: {  	_ =	shalt  }
0x6e: {  	_ =	shalt  }
0x6f: {  	_ =	shalt  }
0x70: {  	_ =	shalt  }
0x71: {  	_ =	shalt  }
0x72: {  	_ =	shalt  }
0x73: {  	_ =	shalt  }
0x74: {  	_ =	shalt  }
0x75: {  	_ =	shalt  }
0x76: {  	_ =	shalt  }
0x77: {  	_ =	shalt  }
0x78: {  	_ =	shalt  }
0x79: {  	_ =	shalt  }
0x7a: {  	_ =	shalt  }
0x7b: {  	_ =	shalt  }
0x7c: {  	_ =	shalt  }
0x7d: {  	_ =	shalt  }
0x7e: {  	_ =	shalt  }
0x7f: {  	_ =	shalt  }
0x80: {  	_ =	shalt  }
0x81: {  	_ =	shalt  }
0x82: {  	_ =	shalt  }
0x83: {  	_ =	shalt  }
0x84: {  	_ =	shalt  }
0x85: {  	_ =	shalt  }
0x86: {  	_ =	shalt  }
0x87: {  	_ =	shalt  }
.Lfunc_end0:
.L_simem_size_0:
called_computation.4_lowered:
.L_overlay_start_0:
0x88: {  	s2 =	sld [smem:$0x3FD9]  }
0x89: {  	s3 =	sld [smem:$0x3FFE];
	_ =	sdelay $0x1  }
0x8a: {  	s1 =	srdreg.scid  }
0x8b: {  	s0 =	sand.u32 $0x1, s1  }
0x8c: {  	s16 =	sshll.u32 s0, $0xA;
	s2 =	sadd.s32 s3, s2  }
0x8d: {  	s2 =	sadd.s32 s2, s16  }
0x8e: {  	[smem:$0x3FBE] =	sst s2  }
0x8f: {  	_ = 	snop  }
0x90: {  	(tm) =	ssettm $0x1  }
0x91: {  	s17 =	sld [smem:$0x3FFB];
	_ =	sdelay $0x3  }
0x92: {  	_ =	strace s17  }
0x93: {  	s2 =	sld [smem:$0x3FFC];
	_ =	sdelay $0x3  }
0x94: {  	_ =	strace s2  }
0x95: {  	s2 =	sld [smem:$0x3FFD];
	_ =	sdelay $0x3  }
0x96: {  	_ =	strace s2  }
0x97: {  	_ =	strace $0x8FFFFFFF  }
0x98: {  	s18 =	sld [smem:$0x3FDB];
	_ =	sdelay $0x1  }
0x99: {  	s19 =	simm.s32 $_scs_section_size  }
0x9a: {  	s4 =	simm.s32 $_size__tile_overlayer_lowered;
	s5 =	simm.s32 $_tile_overlayer_lowered  }
0x9b: {  	s22 =	simm.s32 $0x1BFF;
	s21 =	sshll.u32 s5, $0x1;
	s2 =	sadd.s32 s19, s18  }
0x9c: {  	s6 =	simm.s32 $0x0;
	s20 =	sshll.u32 s4, $0x1;
	s4 =	sadd.s32 s21, s2  }
0x9d: {  	[timem:s6], [sflag:s22] =	dma.local [hbm:s4], s20  }
0x9e: {  	_ =	swait.ge [sflag:s22], s20  }
0x9f: {  	s3 =	ssub.s32 $0x0, s20;
	[sflag:s22] =	ssyncset.done $0x0  }
0xa0: {  	[sflag:s22] =	ssyncadd.s32 s3;
	_ =	sdelay $0x1  }
0xa1: {  	s23 =	simm.s32 $0x1B8B  }
0xa2: {  	_ =	swait.ge [sflag:s23], $0x1  }
0xa3: {  	[sflag:s23] =	ssyncset.done $0x0  }
0xa4: {  	s25 =	simm.s32 $0x1B8E;
	s24 =	sld [smem:$0x3FFE];
	[sflag:s23] =	ssyncadd.s32 $0xFFFFFFFF  }
0xa5: {  	s26 =	simm.s32 $execute0_lowered;
	[smem:$0x3FD2] =	sst s25  }
0xa6: {  	s4 =	sshll.u32 s26, $0x1;
	_ =	strace $0x80000052;
	[dreg:$0x1] =	wrdreg $0xFFFFFFFF  }
0xa7: {  	s28 =	simm.s32 $_size_execute0_lowered;
	s2 =	sadd.s32 s2, s4;
	[dreg:$0x0] =	wrdreg $0x0  }
0xa8: {  	s4 =	sshll.u32 s28, $0x1;
	[dreg:$0x2] =	wrdreg s2  }
0xa9: {  	[dreg:$0x3] =	wrdreg s4  }
0xaa: {  	[dreg:$0x4] =	wrdreg $0xC0  }
0xab: {  	_ =	task [dreg:s6], $0x5FFFF  }
0xac: {  	[dreg:$0x1] =	wrdreg $0xFFFFFFFF  }
0xad: {  	[dreg:$0x0] =	wrdreg $0x60  }
0xae: {  	[dreg:$0x2] =	wrdreg s24  }
0xaf: {  	[dreg:$0x3] =	wrdreg $0x41000  }
0xb0: {  	[dreg:$0x4] =	wrdreg $0x9  }
0xb1: {  	_ =	task.clear_ibuf [dreg:s6], $0x5FFFF;
	_ =	strace $0x90000052  }
0xb2: {  	s29 =	simm.s32 $0x9;
	_ =	strace $0x80000054  }
0xb3: {  	_ =	swait.ge [sflag:s29], $0x1  }
0xb4: {  	[sflag:s29] =	ssyncadd.s32 $0xFFFFFFFF  }
0xb5: {  	_ =	strace $0x90000054  }
0xb6: {  	_ =	sfence  }
0xb7: {  	s30 =	sld [smem:$0x0];
	_ =	sdelay $0x2  }
0xb8: {  	s31 =	sshll.u32 s1, $0xD;
	s1 =	sshrl.u32 s1, $0x2  }
0xb9: {  	s3 =	sand.u32 $0x4000, s31;
	s1 =	sadd.s32 s1, s30  }
0xba: {  	s0 =	sor.u32 s3, s0;
	s1 =	sshll.u32 s1, $0x11  }
0xbb: {  	s0 =	sor.u32 s1, s0  }
0xbc: {  	s0 =	sadd.s32 $0x8F2B, s0  }
0xbd: {  	[sflag:s0] =	ssyncadd.remote.s32 $0x1  }
0xbe: {  	_ =	sfence.sel $0xFFFF  }
0xbf: {  	[dreg:$0x0] =	wrdreg $0xFFFFFFFF;
	(pc) =	sbr.abs _section_cstart, $3  }
0xc0: {  	[dreg:$0x1] =	wrdreg $0xFFFFFFFF  }
0xc1: {  	_ =	task.clear_ibuf [dreg:s6], $0x2FFFF;
	_ =	strace $0x9FFFFFFF  }
0xc2: {  	(tm) =	ssettm $0x7FFFFFFF  }
0xc3: {  	_ =	shalt  }
tec
execute0_lowered:
.L_overlay_start_1:
0x0: {  	(tag) =	ssettag $0x1  }
0x1: {  	s5 =	rddreg [dreg:$0x0];
	s0 =	srdreg.scid  }
0x2: {  	s2 =	rddreg [dreg:$0x1];
	s1 =	stileid.u32;
	s3 =	simm.s32 $0x0  }
0x3: {  	s15 =	simm.s32 $0x2;
	s16 =	simm.s32 $0x80;
	s7 =	smul.u32 $0x13C00, s1  }
0x4: {  	s17 =	simm.s32 $0x1;
	s20 =	simm.s32 $0x0;
	s9 =	smul.u32 $0x4F000, s1  }
0x5: {  	s6 =	sand.u32 $0x1, s0;
	s0 =	rddreg [dreg:$0x2];
	s12 =	smul.u32 $0x4F0, s1  }
0x6: {  	[smem:$0x7FF] =	sst s3;
	s18 =	sshll.u32 s1, $0x6;
	s4 =	smul.u32 $0x13C000, s6  }
0x7: {  	s8 =	smul.u32 $0x4F00, s6;
	_ =	strace $0x80000053;
	s6 =	ssub.s32 $0x2, s6  }
0x8: {  	s18 =	sor.u32 $0x1C02, s18;
	s30 =	sshrl.u32 s9, $0x2;
	s31 =	sshrl.u32 s6, $0x1  }
0x9: {  	s7 =	sadd.s32 s7, s4;
	s10 =	sadd.s32 s8, s5;
	s4 =	sadd.s32 $0x19C00, s5  }
0xa: {  	s13 =	ssub.s32 s6, s31;
	s7 =	sshrl.u32 s7, $0x3;
	s14 =	sadd.s32 s12, s10  }
0xb: {  	s11 =	sadd.s32 s7, s5;
	s5 =	sadd.s32 s30, s2;
	s12 =	sadd.s32 $0xFE00, s14  }
0xc: {  	s6 =	sadd.s32 $0x4000, s5;
	s7 =	sadd.s32 $0x8000, s5;
	s8 =	sadd.s32 $0xC000, s5  }
0xd: {  	s9 =	sadd.s32 $0x10000, s5;
	s10 =	sadd.s32 $0x69400, s11;
	s11 =	smax.u32 s13, $0x1  }
0xe: {  	v0 =	vimm.f32 $0.0e+00;
	s13 =	sadd.s32 $0x6000, s14;
	s14 =	simm.s32 $0x100;
	s19 =	sshrl.u32 s5, $0x3  }
.LBB2_1:
0xf: {  	s21 =	simm.s32 $0x0;
	s22 =	simm.s32 $0x200  }
.LBB2_2:
0x10: {  	p0 =	sne.s32 s22, $0xFE00;
	[tilespmem:s21+$0x170] =	vst v0  }
0x11: {  	[tilespmem:s21+$0x100] =	vst v0  }
0x12: {  	[tilespmem:s21+$0x110] =	vst v0  }
.Ltmp0:
0x13: {  	[tilespmem:s21+$0x120] =	vst v0;
	(pc) =	sbr.rel @p0 .LBB2_2-.Ltmp0, $4  }
0x14: {  	[tilespmem:s21+$0x130] =	vst v0  }
0x15: {  	[tilespmem:s21+$0x140] =	vst v0  }
0x16: {  	[tilespmem:s21+$0x150] =	vst v0  }
0x17: {  	[tilespmem:s21+$0x160] =	vst v0;
	s21 =	sshra.s32 s22, $0x2;
	s22 =	sadd.s32 $0x200, s22  }
0x18: {  	[tilespmem:s21+$0x170] =	vst v0  }
0x19: {  	[tilespmem:s21+$0x100] =	vst v0  }
0x1a: {  	[tilespmem:s21+$0x110] =	vst v0  }
0x1b: {  	[tilespmem:s21+$0x120] =	vst v0  }
0x1c: {  	[tilespmem:s21+$0x130] =	vst v0  }
0x1d: {  	[tilespmem:s21+$0x140] =	vst v0  }
0x1e: {  	[tilespmem:s21+$0x150] =	vst v0  }
0x1f: {  	[tilespmem:s21+$0x160] =	vst v0  }
0x20: {  	[spmem:s5] =	stream.linear.scatter [tilespmem:s14], [sflag:$0x2], $0x4000, $0x38;
	[tilespmem:$0x17D00] =	vst v63  }
0x21: {  	_ =	swait.ge [sflag:s15], $0x4000  }
0x22: {  	[sflag:s15] =	ssyncset.done $0x0  }
0x23: {  	[sflag:s15] =	ssyncadd.s32 $0xFFFFC000  }
0x24: {  	[spmem:s6] =	stream.linear.scatter [tilespmem:s14], [sflag:$0x2], $0x4000, $0x38;
	[tilespmem:$0x17D00] =	vst v63  }
0x25: {  	_ =	swait.ge [sflag:s15], $0x4000  }
0x26: {  	[sflag:s15] =	ssyncset.done $0x0  }
0x27: {  	[sflag:s15] =	ssyncadd.s32 $0xFFFFC000  }
0x28: {  	[spmem:s7] =	stream.linear.scatter [tilespmem:s14], [sflag:$0x2], $0x4000, $0x38;
	[tilespmem:$0x17D00] =	vst v63  }
0x29: {  	_ =	swait.ge [sflag:s15], $0x4000  }
0x2a: {  	[sflag:s15] =	ssyncset.done $0x0  }
0x2b: {  	[sflag:s15] =	ssyncadd.s32 $0xFFFFC000  }
0x2c: {  	[spmem:s8] =	stream.linear.scatter [tilespmem:s14], [sflag:$0x2], $0x4000, $0x38;
	[tilespmem:$0x17D00] =	vst v63  }
0x2d: {  	_ =	swait.ge [sflag:s15], $0x4000  }
0x2e: {  	[sflag:s15] =	ssyncset.done $0x0  }
0x2f: {  	[sflag:s15] =	ssyncadd.s32 $0xFFFFC000  }
0x30: {  	[spmem:s9] =	stream.linear.scatter [tilespmem:s14], [sflag:$0x2], $0x3C00, $0x38;
	[tilespmem:$0x17D00] =	vst v63  }
0x31: {  	_ =	swait.ge [sflag:s15], $0x3C00  }
0x32: {  	[sflag:s15] =	ssyncset.done $0x0  }
0x33: {  	[sflag:s15] =	ssyncadd.s32 $0xFFFFC400  }
0x34: {  	s30 =	sadd.s32 $0x0, s13;
	[bflag:$0x0] =	sbarrier.arrive $0xFFFF  }
0x35: {  	[tilespmem:s3], [sflag:$0x2] =	stream.linear.gather [hbm4b:s30+s3], $0x80, $0x38;
	[tilespmem:$0x17D00] =	vst v63  }
0x36: {  	_ =	swait.ge [sflag:s15], $0x80  }
0x37: {  	[sflag:s15] =	ssyncset.done $0x0  }
0x38: {  	s31 =	sadd.s32 $0x0, s12;
	[sflag:s15] =	ssyncadd.s32 $0xFFFFFF80  }
0x39: {  	[tilespmem:s16], [sflag:$0x2] =	stream.linear.gather [hbm4b:s31+s3], $0x80, $0x38;
	[tilespmem:$0x17D00] =	vst v63  }
0x3a: {  	_ =	swait.ge [sflag:s15], $0x80  }
0x3b: {  	[sflag:s15] =	ssyncset.done $0x0  }
0x3c: {  	[sflag:s15] =	ssyncadd.s32 $0xFFFFFF80  }
0x3d: {  	[tilespmem:s14], [sflag:$0x1] =	stream.indirect.gather [hbm4b:s4+s16], $0x80, s3, s16, $0xb8;
	[tilespmem:$0x17D00] =	vst v63  }
0x3e: {  	_ =	swait.ge [sflag:s17], $0x4000  }
0x3f: {  	[sflag:s17] =	ssyncset.done $0x0  }
0x40: {  	[sflag:s17] =	ssyncadd.s32 $0xFFFFC000  }
0x41: {  	[spmem:s2] =	stream.indirect.scatter.add.f32 [tilespmem:s14], [sflag:$0x2], $0x80, s16, s16, $0xb8;
	[tilespmem:$0x17D00] =	vst v63  }
0x42: {  	_ =	swait.ge [sflag:s15], $0x4000  }
0x43: {  	s21 =	simm.s32 $0x10;
	s22 =	simm.s32 $0x20;
	[sflag:s15] =	ssyncset.done $0x0  }
.LBB2_4:
0x44: {  	s23 =	sadd.s32 s21, s13  }
0x45: {  	[sflag:s15] =	ssyncadd.s32 $0xFFFFC000;
	s24 =	smov.u32 s22;
	s25 =	sadd.s32 $0x10, s22  }
0x46: {  	[tilespmem:s3], [sflag:$0x2] =	stream.linear.gather [hbm4b:s23+s3], $0x80, $0x38;
	[tilespmem:$0x17D00] =	vst v63  }
0x47: {  	p0 =	sne.s32 s22, $0x4E0;
	_ =	swait.ge [sflag:s15], $0x80  }
0x48: {  	[sflag:s15] =	ssyncset.done $0x0  }
0x49: {  	s22 =	sadd.s32 s21, s12;
	s21 =	smov.u32 s24;
	[sflag:s15] =	ssyncadd.s32 $0xFFFFFF80  }
0x4a: {  	[tilespmem:s16], [sflag:$0x2] =	stream.linear.gather [hbm4b:s22+s3], $0x80, $0x38;
	[tilespmem:$0x17D00] =	vst v63  }
0x4b: {  	_ =	swait.ge [sflag:s15], $0x80  }
0x4c: {  	[sflag:s15] =	ssyncset.done $0x0  }
0x4d: {  	[sflag:s15] =	ssyncadd.s32 $0xFFFFFF80  }
0x4e: {  	[tilespmem:s14], [sflag:$0x1] =	stream.indirect.gather [hbm4b:s4+s16], $0x80, s3, s16, $0xb8;
	[tilespmem:$0x17D00] =	vst v63  }
0x4f: {  	_ =	swait.ge [sflag:s17], $0x4000  }
.Ltmp1:
0x50: {  	[sflag:s17] =	ssyncset.done $0x0;
	(pc) =	sbr.rel @p0 .LBB2_4-.Ltmp1, $4  }
0x51: {  	[sflag:s17] =	ssyncadd.s32 $0xFFFFC000  }
0x52: {  	[spmem:s2] =	stream.indirect.scatter.add.f32 [tilespmem:s14], [sflag:$0x2], $0x80, s16, s16, $0xb8;
	[tilespmem:$0x17D00] =	vst v63  }
0x53: {  	_ =	swait.ge [sflag:s15], $0x4000  }
0x54: {  	s22 =	smov.u32 s25;
	[sflag:s15] =	ssyncset.done $0x0  }
0x55: {  	s22 =	sadd.s32 s21, s13;
	[sflag:s15] =	ssyncadd.s32 $0xFFFFC000  }
0x56: {  	[tilespmem:s3], [sflag:$0x2] =	stream.linear.gather [hbm4b:s22+s3], $0x80, $0x38;
	[tilespmem:$0x17D00] =	vst v63  }
0x57: {  	_ =	swait.ge [sflag:s15], $0x80  }
0x58: {  	[sflag:s15] =	ssyncset.done $0x0  }
0x59: {  	s31 =	sadd.s32 s21, s12;
	[sflag:s15] =	ssyncadd.s32 $0xFFFFFF80  }
0x5a: {  	[tilespmem:s16], [sflag:$0x2] =	stream.linear.gather [hbm4b:s31+s3], $0x80, $0x38;
	[tilespmem:$0x17D00] =	vst v63  }
0x5b: {  	_ =	swait.ge [sflag:s15], $0x80  }
0x5c: {  	[sflag:s15] =	ssyncset.done $0x0  }
0x5d: {  	[sflag:s15] =	ssyncadd.s32 $0xFFFFFF80  }
0x5e: {  	[tilespmem:s14], [sflag:$0x1] =	stream.indirect.gather [hbm4b:s4+s16], $0x80, s3, s16, $0xb8;
	[tilespmem:$0x17D00] =	vst v63  }
0x5f: {  	_ =	swait.ge [sflag:s17], $0x4000  }
0x60: {  	[sflag:s17] =	ssyncset.done $0x0  }
0x61: {  	[sflag:s17] =	ssyncadd.s32 $0xFFFFC000  }
0x62: {  	[spmem:s2] =	stream.indirect.scatter.add.f32 [tilespmem:s14], [sflag:$0x2], $0x80, s16, s16, $0xb8;
	[tilespmem:$0x17D00] =	vst v63  }
0x63: {  	_ =	swait.ge [sflag:s15], $0x4000  }
0x64: {  	s20 =	sadd.s32 $0x1, s20;
	[sflag:s15] =	ssyncset.done $0x0  }
0x65: {  	p0 =	sne.s32 s20, s11;
	[sflag:s15] =	ssyncadd.s32 $0xFFFFC000  }
.Ltmp2:
0x66: {  	[bflag:$0x0] =	sbarrier.arrive $0xFFFF;
	(pc) =	sbr.rel @p0 .LBB2_1-.Ltmp2, $4  }
0x67: {  	[hbm:s10], [sflag:s18] =	dma.local [spmem:s19], $0x2780  }
0x68: {  	_ =	swait.ge [sflag:s15], $0x2780  }
0x69: {  	[sflag:s15] =	ssyncset.done $0x0  }
0x6a: {  	[sflag:s15] =	ssyncadd.s32 $0xFFFFD880  }
0x6b: {  	_ =	sfence.sel $0x180000  }
0x6c: {  	[bflag:$0x0] =	sbarrier.arrive $0xFFFF  }
0x6d: {  	p0 =	sne.s32 s1, $0x0;
	_ =	strace $0x90000053  }
0x6e: {  	s0 =	sadd.s32 @!p0 $0x100000, s0;
	[bflag:$0x2] =	sbarrier.arrive $0xFFFF  }
0x6f: {  	[sflag:s0] =	ssyncadd.tile.s32 @!p0 $0x1;
	_ =	shalt  }
.Lfunc_end2:
_tile_overlayer_lowered:
.L_overlay_start_2:
0x70: {  	(tag) =	ssettag $0x2  }
0x71: {  	s0 =	rddreg [dreg:$0x0];
	s2 =	stileid.u32  }
0x72: {  	s1 =	rddreg [dreg:$0x1];
	p0 =	sne.s32 s2, $0x0  }
0x73: {  	s3 =	rddreg [dreg:$0x2];
	[bflag:$0x3] =	sbarrier.arrive $0xFFFF;
	s2 =	simm.s32 @!p0 $0x1C02  }
0x74: {  	[timem:s3], [sflag:s2] =	dma.local @!p0 [hbm:s0], s1  }
0x75: {  	s0 =	simm.s32 @!p0 $0x2  }
0x76: {  	_ =	swait.ge @!p0 [sflag:s0], s1  }
0x77: {  	s1 =	ssub.s32 @!p0 $0x0, s1;
	[sflag:s0] =	ssyncset.done @!p0 $0x0  }
0x78: {  	[sflag:s0] =	ssyncadd.s32 @!p0 s1  }
0x79: {  	[bflag:$0x3] =	sbarrier.arrive $0xFFFF  }
0x7a: {  	_ =	shalt  }

// kernel: kernel.29.cloned.1.call-start
scs
__scs_entry_jumppad:
0x0: {  	(pc) =	sbr.rel $0x88, $3  }
0x1: {  	(tag) =	ssettag $0x0;
	lr =	simm.s32 $0x1  }
0x2: {  	[smem:$0x3F97] =	sst lr;
	_ =	strace $0xD0000000  }
0x3: {  	_ = 	snop  }
0x4: {  	_ = 	snop  }
0x5: {  	_ = 	snop  }
0x6: {  	_ = 	snop  }
0x7: {  	_ = 	snop  }
__scs_overlays_trampoline_lowered:
0x8: {  	[smem:$0x3FA6] =	sst s0  }
0x9: {  	[smem:$0x3FA7] =	sst s1  }
0xa: {  	[smem:$0x3FA8] =	sst s2  }
0xb: {  	[smem:$0x3FA9] =	sst s3  }
0xc: {  	[smem:$0x3FAA] =	sst s4  }
0xd: {  	[smem:$0x3FAB] =	sst s5  }
0xe: {  	[smem:$0x3FAC] =	sst s6  }
0xf: {  	[smem:$0x3FAD] =	sst s7  }
0x10: {  	[smem:$0x3FAE] =	sst s8  }
0x11: {  	[smem:$0x3FAF] =	sst s9;
	s0 =	simm.s32 @!p0 $0x0  }
0x12: {  	s1 =	sld [smem:$0x3F95];
	s0 =	simm.s32 @p0 $0x1  }
0x13: {  	[smem:$0x3FB0] =	sst s0;
	s0 =	simm.s32 @!p1 $0x0  }
0x14: {  	s2 =	sld [smem:$0x3F94];
	s0 =	simm.s32 @p1 $0x1  }
0x15: {  	[smem:$0x3FB1] =	sst s0;
	s0 =	simm.s32 @!p2 $0x0  }
0x16: {  	s3 =	sld [smem:$0x3FDB];
	s0 =	simm.s32 @p2 $0x1  }
0x17: {  	s4 =	simm.s32 $0x1BF5;
	[smem:$0x3FB3] =	sst s0  }
0x18: {  	s0 =	sld [smem:$0x3F96];
	_ =	swait.ge [sflag:s4], $0x0  }
0x19: {  	s7 =	sld [smem:$0x3F97]  }
0x1a: {  	s8 =	sadd.s32 $0xFFFFE003, lr  }
0x1b: {  	s9 =	sadd.s32 $0xFFFFFEF7, lr;
	s5 =	simm.s32 $0xFFFFFFFF;
	p2 =	slt.u32 s8, $0xFFFFF086  }
0x1c: {  	p1 =	slt.u32 s9, $0xF7A;
	s5 =	simm.s32 @!p2 $0x0  }
0x1d: {  	s5 =	simm.s32 @p1 $0x1;
	p0 =	seq.s32 s7, s2  }
0x1e: {  	s7 =	smul.u32 @!p0 $0xF7A, s2;
	p2 =	seq.s32 @!p0 s5, $0x0  }
0x1f: {  	s9 =	smul.u32 $0xF7A, s1;
	s8 =	simm.s32 @!p0 $0x1BF5;
	p2 =	por !p2, p0  }
0x20: {  	[sflag:s8] =	ssyncset.s32 @!p0 $0xFFFFF086;
	s6 =	sadd.s32 @!p0 s3, s7;
	s7 =	simm.s32 @!p0 $0x108  }
0x21: {  	s3 =	sadd.s32 s3, s9;
	s6 =	sadd.s32 @!p0 $0x88, s6;
	s7 =	simm.s32 @p2 $0x1082  }
0x22: {  	[simem:s7], [sflag:s8] =	dma.local @!p0 [hbm:s6], $0xF7A  }
0x23: {  	s9 =	sor.u32 $0xD0000000, s2;
	s6 =	simm.s32 $0x108;
	_ =	swait.ge @!p0 [sflag:s8], $0x0  }
0x24: {  	s3 =	sadd.s32 $0x88, s3;
	s6 =	simm.s32 @!p1 $0x1082;
	[sflag:s4] =	ssyncset.s32 $0xFFFFF086  }
0x25: {  	[simem:s6], [sflag:s4] =	dma.local [hbm:s3], $0xF7A  }
0x26: {  	[smem:$0x3F97] =	sst s1;
	(tag) =	ssettag s2;
	_ =	strace s9  }
0x27: {  	s1 =	sld [smem:$0x3FA7]  }
0x28: {  	s2 =	sld [smem:$0x3FA8]  }
0x29: {  	s4 =	sld [smem:$0x3FAA]  }
0x2a: {  	p0 =	seq.s32 s5, $0x0;
	s5 =	sld [smem:$0x3FAB]  }
0x2b: {  	s6 =	sld [smem:$0x3FAC]  }
0x2c: {  	s7 =	sld [smem:$0x3FAD]  }
0x2d: {  	s3 =	simm.s32 $0x108;
	s8 =	sld [smem:$0x3FAE]  }
0x2e: {  	s3 =	simm.s32 @!p0 $0x1082;
	s9 =	sld [smem:$0x3FAF]  }
0x2f: {  	lr =	sadd.s32 s0, s3;
	s0 =	sld [smem:$0x3FA6]  }
0x30: {  	s3 =	sld [smem:$0x3FA9]  }
0x31: {  	[smem:$0x3FB2] =	sst s10  }
0x32: {  	s10 =	sld [smem:$0x3FB0];
	_ =	sdelay $0x3  }
0x33: {  	p0 =	seq.s32 s10, $0x1;
	s10 =	sld [smem:$0x3FB2];
	_ =	sdelay $0x3  }
0x34: {  	[smem:$0x3FB2] =	sst s10  }
0x35: {  	s10 =	sld [smem:$0x3FB1];
	_ =	sdelay $0x3  }
0x36: {  	p1 =	seq.s32 s10, $0x1;
	s10 =	sld [smem:$0x3FB2];
	_ =	sdelay $0x3  }
0x37: {  	[smem:$0x3FB2] =	sst s10  }
0x38: {  	s10 =	sld [smem:$0x3FB3]  }
0x39: {  	_ = 	snop;
	(pc) =	sbr.ind lr, $3  }
0x3a: {  	_ = 	snop  }
0x3b: {  	_ = 	snop  }
0x3c: {  	p2 =	seq.s32 s10, $0x1;
	s10 =	sld [smem:$0x3FB2]  }
0x3d: {  	_ =	shalt  }
0x3e: {  	_ =	shalt  }
0x3f: {  	_ =	shalt  }
0x40: {  	_ =	shalt  }
0x41: {  	_ =	shalt  }
0x42: {  	_ =	shalt  }
0x43: {  	_ =	shalt  }
0x44: {  	_ =	shalt  }
0x45: {  	_ =	shalt  }
0x46: {  	_ =	shalt  }
0x47: {  	_ =	shalt  }
0x48: {  	_ =	shalt  }
0x49: {  	_ =	shalt  }
0x4a: {  	_ =	shalt  }
0x4b: {  	_ =	shalt  }
0x4c: {  	_ =	shalt  }
0x4d: {  	_ =	shalt  }
0x4e: {  	_ =	shalt  }
0x4f: {  	_ =	shalt  }
0x50: {  	_ =	shalt  }
0x51: {  	_ =	shalt  }
0x52: {  	_ =	shalt  }
0x53: {  	_ =	shalt  }
0x54: {  	_ =	shalt  }
0x55: {  	_ =	shalt  }
0x56: {  	_ =	shalt  }
0x57: {  	_ =	shalt  }
0x58: {  	_ =	shalt  }
0x59: {  	_ =	shalt  }
0x5a: {  	_ =	shalt  }
0x5b: {  	_ =	shalt  }
0x5c: {  	_ =	shalt  }
0x5d: {  	_ =	shalt  }
0x5e: {  	_ =	shalt  }
0x5f: {  	_ =	shalt  }
0x60: {  	_ =	shalt  }
0x61: {  	_ =	shalt  }
0x62: {  	_ =	shalt  }
0x63: {  	_ =	shalt  }
0x64: {  	_ =	shalt  }
0x65: {  	_ =	shalt  }
0x66: {  	_ =	shalt  }
0x67: {  	_ =	shalt  }
0x68: {  	_ =	shalt  }
0x69: {  	_ =	shalt  }
0x6a: {  	_ =	shalt  }
0x6b: {  	_ =	shalt  }
0x6c: {  	_ =	shalt  }
0x6d: {  	_ =	shalt  }
0x6e: {  	_ =	shalt  }
0x6f: {  	_ =	shalt  }
0x70: {  	_ =	shalt  }
0x71: {  	_ =	shalt  }
0x72: {  	_ =	shalt  }
0x73: {  	_ =	shalt  }
0x74: {  	_ =	shalt  }
0x75: {  	_ =	shalt  }
0x76: {  	_ =	shalt  }
0x77: {  	_ =	shalt  }
0x78: {  	_ =	shalt  }
0x79: {  	_ =	shalt  }
0x7a: {  	_ =	shalt  }
0x7b: {  	_ =	shalt  }
0x7c: {  	_ =	shalt  }
0x7d: {  	_ =	shalt  }
0x7e: {  	_ =	shalt  }
0x7f: {  	_ =	shalt  }
0x80: {  	_ =	shalt  }
0x81: {  	_ =	shalt  }
0x82: {  	_ =	shalt  }
0x83: {  	_ =	shalt  }
0x84: {  	_ =	shalt  }
0x85: {  	_ =	shalt  }
0x86: {  	_ =	shalt  }
0x87: {  	_ =	shalt  }
.Lfunc_end0:
.L_simem_size_0:
called_computation.5_lowered:
.L_overlay_start_0:
0x88: {  	s2 =	sld [smem:$0x3FD9]  }
0x89: {  	s3 =	sld [smem:$0x3FFE];
	_ =	sdelay $0x1  }
0x8a: {  	s1 =	srdreg.scid  }
0x8b: {  	s0 =	sand.u32 $0x1, s1  }
0x8c: {  	s17 =	sshll.u32 s0, $0xA;
	s2 =	sadd.s32 s3, s2  }
0x8d: {  	s2 =	sadd.s32 s2, s17  }
0x8e: {  	[smem:$0x3FBE] =	sst s2  }
0x8f: {  	_ = 	snop  }
0x90: {  	s2 =	sld [smem:$0x3FD0];
	(tm) =	ssettm $0x1  }
0x91: {  	s18 =	sld [smem:$0x3FFB];
	_ =	sdelay $0x3  }
0x92: {  	_ =	strace s18  }
0x93: {  	s3 =	sld [smem:$0x3FFC];
	_ =	sdelay $0x3  }
0x94: {  	_ =	strace s3  }
0x95: {  	s3 =	sld [smem:$0x3FFD];
	_ =	sdelay $0x3  }
0x96: {  	_ =	strace s3  }
0x97: {  	_ =	strace $0x8FFFFFFF  }
0x98: {  	s19 =	sld [smem:$0x3FDB];
	_ =	sdelay $0x1  }
0x99: {  	s4 =	simm.s32 $_scs_section_size  }
0x9a: {  	s5 =	simm.s32 $_size__tile_overlayer_lowered;
	s6 =	simm.s32 $_tile_overlayer_lowered  }
0x9b: {  	s22 =	simm.s32 $0x1BFF;
	s21 =	sshll.u32 s6, $0x1;
	s3 =	sadd.s32 s4, s19  }
0x9c: {  	s7 =	simm.s32 $0x0;
	s20 =	sshll.u32 s5, $0x1;
	s5 =	sadd.s32 s21, s3  }
0x9d: {  	[timem:s7], [sflag:s22] =	dma.local [hbm:s5], s20  }
0x9e: {  	_ =	swait.ge [sflag:s22], s20  }
0x9f: {  	s4 =	ssub.s32 $0x0, s20;
	[sflag:s22] =	ssyncset.done $0x0  }
0xa0: {  	[sflag:s22] =	ssyncadd.s32 s4;
	_ =	sdelay $0x1  }
0xa1: {  	s23 =	simm.s32 $0x1B8B  }
0xa2: {  	_ =	swait.ge [sflag:s23], $0x1  }
0xa3: {  	[sflag:s23] =	ssyncset.done $0x0  }
0xa4: {  	s25 =	simm.s32 $0x1B8E;
	s24 =	sld [smem:$0x3FFE];
	[sflag:s23] =	ssyncadd.s32 $0xFFFFFFFF  }
0xa5: {  	s26 =	simm.s32 $execute0_lowered;
	[smem:$0x3FD2] =	sst s25  }
0xa6: {  	s5 =	sshll.u32 s26, $0x1;
	_ =	strace $0x80000055;
	[dreg:$0x1] =	wrdreg $0xFFFFFFFF  }
0xa7: {  	s28 =	simm.s32 $_size_execute0_lowered;
	s3 =	sadd.s32 s3, s5;
	[dreg:$0x0] =	wrdreg $0x0  }
0xa8: {  	s5 =	sshll.u32 s28, $0x1;
	[dreg:$0x2] =	wrdreg s3  }
0xa9: {  	[dreg:$0x3] =	wrdreg s5  }
0xaa: {  	[dreg:$0x4] =	wrdreg $0xC0  }
0xab: {  	_ =	task [dreg:s7], $0x5FFFF  }
0xac: {  	[dreg:$0x1] =	wrdreg $0xFFFFFFFF  }
0xad: {  	[dreg:$0x0] =	wrdreg $0x60  }
0xae: {  	[dreg:$0x2] =	wrdreg s2  }
0xaf: {  	[dreg:$0x3] =	wrdreg s24  }
0xb0: {  	[dreg:$0x4] =	wrdreg $0x41000  }
0xb1: {  	[dreg:$0x5] =	wrdreg $0x9  }
0xb2: {  	_ =	task.clear_ibuf [dreg:s7], $0x6FFFF;
	_ =	strace $0x90000055  }
0xb3: {  	s29 =	simm.s32 $0x9;
	_ =	strace $0x80000057  }
0xb4: {  	_ =	swait.ge [sflag:s29], $0x1  }
0xb5: {  	[sflag:s29] =	ssyncadd.s32 $0xFFFFFFFF  }
0xb6: {  	_ =	strace $0x90000057  }
0xb7: {  	_ =	sfence  }
0xb8: {  	s30 =	sld [smem:$0x0];
	_ =	sdelay $0x2  }
0xb9: {  	s31 =	sshll.u32 s1, $0xD;
	s1 =	sshrl.u32 s1, $0x2  }
0xba: {  	s3 =	sand.u32 $0x4000, s31;
	s1 =	sadd.s32 s1, s30  }
0xbb: {  	s0 =	sor.u32 s3, s0;
	s1 =	sshll.u32 s1, $0x11  }
0xbc: {  	s0 =	sor.u32 s1, s0  }
0xbd: {  	s0 =	sadd.s32 $0x8F2B, s0  }
0xbe: {  	[sflag:s0] =	ssyncadd.remote.s32 $0x1  }
0xbf: {  	_ =	sfence.sel $0xFFFF  }
0xc0: {  	[dreg:$0x0] =	wrdreg $0xFFFFFFFF;
	(pc) =	sbr.abs _section_cstart, $3  }
0xc1: {  	[dreg:$0x1] =	wrdreg $0xFFFFFFFF  }
0xc2: {  	_ =	task.clear_ibuf [dreg:s7], $0x2FFFF;
	_ =	strace $0x9FFFFFFF  }
0xc3: {  	(tm) =	ssettm $0x7FFFFFFF  }
tec
execute0_lowered:
.L_overlay_start_1:
0x0: {  	(tag) =	ssettag $0x1  }
0x1: {  	s18 =	rddreg [dreg:$0x0]  }
0x2: {  	s5 =	rddreg [dreg:$0x1]  }
0x3: {  	s0 =	srdreg.scid;
	s2 =	rddreg [dreg:$0x2]  }
0x4: {  	s1 =	stileid.u32;
	s3 =	simm.s32 $0x0;
	s21 =	simm.s32 $0x2  }
0x5: {  	s22 =	simm.s32 $0x80;
	s23 =	simm.s32 $0x1;
	s24 =	simm.s32 $0x0  }
0x6: {  	s6 =	sand.u32 $0x1, s0;
	s0 =	rddreg [dreg:$0x3];
	s7 =	smul.u32 $0x8400, s1  }
0x7: {  	[smem:$0x7FF] =	sst s3;
	s19 =	sadd.s32 $0x40E00, s5;
	s8 =	smul.u32 $0x21000, s1  }
0x8: {  	s4 =	smul.u32 $0x84000, s6;
	_ =	strace $0x80000056;
	s28 =	sshll.u32 s6, $0x4  }
0x9: {  	s6 =	ssub.s32 $0x2, s6;
	s29 =	sor.u32 s1, s28;
	s30 =	sshrl.u32 s8, $0x2  }
0xa: {  	s31 =	sshrl.u32 s6, $0x1;
	s4 =	sadd.s32 s7, s4;
	s16 =	smul.u32 $0x50, s29  }
0xb: {  	s10 =	ssub.s32 s6, s31;
	s7 =	sshrl.u32 s4, $0x3;
	s4 =	sadd.s32 $0x6000, s5  }
0xc: {  	s10 =	smax.u32 s10, $0x1;
	s9 =	sadd.s32 s7, s5;
	s5 =	sadd.s32 s30, s2  }
0xd: {  	s11 =	sadd.s32 s19, s16;
	s13 =	sadd.s32 $0x10, s16;
	s15 =	sadd.s32 $0x20, s16  }
0xe: {  	s17 =	sadd.s32 $0x30, s16;
	s20 =	sadd.s32 $0x40, s16;
	s6 =	sadd.s32 $0x4000, s5  }
0xf: {  	s7 =	sadd.s32 $0x8000, s5;
	s8 =	sadd.s32 $0x41800, s9;
	s9 =	sadd.s32 s18, s16  }
0x10: {  	s12 =	sadd.s32 s18, s13;
	s13 =	sadd.s32 s19, s13;
	s14 =	sadd.s32 s18, s15  }
0x11: {  	s15 =	sadd.s32 s19, s15;
	s16 =	sadd.s32 s18, s17;
	s17 =	sadd.s32 s19, s17  }
0x12: {  	v0 =	vimm.f32 $0.0e+00;
	s18 =	sadd.s32 s18, s20;
	s19 =	sadd.s32 s19, s20;
	s20 =	simm.s32 $0x100  }
.LBB2_1:
0x13: {  	s25 =	simm.s32 $0x0;
	s26 =	simm.s32 $0x200  }
.LBB2_2:
0x14: {  	p0 =	sne.s32 s26, $0xFE00;
	[tilespmem:s25+$0x170] =	vst v0  }
0x15: {  	[tilespmem:s25+$0x100] =	vst v0  }
0x16: {  	[tilespmem:s25+$0x110] =	vst v0  }
.Ltmp0:
0x17: {  	[tilespmem:s25+$0x120] =	vst v0;
	(pc) =	sbr.rel @p0 .LBB2_2-.Ltmp0, $4  }
0x18: {  	[tilespmem:s25+$0x130] =	vst v0  }
0x19: {  	[tilespmem:s25+$0x140] =	vst v0  }
0x1a: {  	[tilespmem:s25+$0x150] =	vst v0  }
0x1b: {  	[tilespmem:s25+$0x160] =	vst v0;
	s25 =	sshra.s32 s26, $0x2;
	s26 =	sadd.s32 $0x200, s26  }
0x1c: {  	[tilespmem:s25+$0x170] =	vst v0  }
0x1d: {  	[tilespmem:s25+$0x100] =	vst v0  }
0x1e: {  	[tilespmem:s25+$0x110] =	vst v0  }
0x1f: {  	[tilespmem:s25+$0x120] =	vst v0  }
0x20: {  	[tilespmem:s25+$0x130] =	vst v0  }
0x21: {  	[tilespmem:s25+$0x140] =	vst v0  }
0x22: {  	[tilespmem:s25+$0x150] =	vst v0  }
0x23: {  	[tilespmem:s25+$0x160] =	vst v0  }
0x24: {  	[spmem:s5] =	stream.linear.scatter [tilespmem:s20], [sflag:$0x2], $0x4000, $0x38;
	[tilespmem:$0xC500] =	vst v63  }
0x25: {  	_ =	swait.ge [sflag:s21], $0x4000  }
0x26: {  	[sflag:s21] =	ssyncset.done $0x0  }
0x27: {  	[sflag:s21] =	ssyncadd.s32 $0xFFFFC000  }
0x28: {  	[spmem:s6] =	stream.linear.scatter [tilespmem:s20], [sflag:$0x2], $0x4000, $0x38;
	[tilespmem:$0xC500] =	vst v63  }
0x29: {  	_ =	swait.ge [sflag:s21], $0x4000  }
0x2a: {  	[sflag:s21] =	ssyncset.done $0x0  }
0x2b: {  	[sflag:s21] =	ssyncadd.s32 $0xFFFFC000  }
0x2c: {  	[spmem:s7] =	stream.linear.scatter [tilespmem:s20], [sflag:$0x2], $0x400, $0x38;
	[tilespmem:$0xC500] =	vst v63  }
0x2d: {  	_ =	swait.ge [sflag:s21], $0x400  }
0x2e: {  	[sflag:s21] =	ssyncset.done $0x0  }
0x2f: {  	[sflag:s21] =	ssyncadd.s32 $0xFFFFFC00  }
0x30: {  	[bflag:$0x0] =	sbarrier.arrive $0xFFFF  }
0x31: {  	[tilespmem:s3], [sflag:$0x2] =	stream.linear.gather [hbm4b:s9+s3], $0x80, $0x38;
	[tilespmem:$0xC500] =	vst v63  }
0x32: {  	_ =	swait.ge [sflag:s21], $0x80  }
0x33: {  	[sflag:s21] =	ssyncset.done $0x0  }
0x34: {  	[sflag:s21] =	ssyncadd.s32 $0xFFFFFF80  }
0x35: {  	[tilespmem:s22], [sflag:$0x2] =	stream.linear.gather [hbm4b:s11+s3], $0x80, $0x38;
	[tilespmem:$0xC500] =	vst v63  }
0x36: {  	_ =	swait.ge [sflag:s21], $0x80  }
0x37: {  	[sflag:s21] =	ssyncset.done $0x0  }
0x38: {  	[sflag:s21] =	ssyncadd.s32 $0xFFFFFF80  }
0x39: {  	[tilespmem:s20], [sflag:$0x1] =	stream.indirect.gather [hbm4b:s4+s22], $0x80, s3, s22, $0xb8;
	[tilespmem:$0xC500] =	vst v63  }
0x3a: {  	_ =	swait.ge [sflag:s23], $0x4000  }
0x3b: {  	[sflag:s23] =	ssyncset.done $0x0  }
0x3c: {  	[sflag:s23] =	ssyncadd.s32 $0xFFFFC000  }
0x3d: {  	[spmem:s2] =	stream.indirect.scatter.add.f32 [tilespmem:s20], [sflag:$0x2], $0x80, s22, s22, $0xb8;
	[tilespmem:$0xC500] =	vst v63  }
0x3e: {  	_ =	swait.ge [sflag:s21], $0x4000  }
0x3f: {  	[sflag:s21] =	ssyncset.done $0x0  }
0x40: {  	[sflag:s21] =	ssyncadd.s32 $0xFFFFC000  }
0x41: {  	[tilespmem:s3], [sflag:$0x2] =	stream.linear.gather [hbm4b:s12+s3], $0x80, $0x38;
	[tilespmem:$0xC500] =	vst v63  }
0x42: {  	_ =	swait.ge [sflag:s21], $0x80  }
0x43: {  	[sflag:s21] =	ssyncset.done $0x0  }
0x44: {  	[sflag:s21] =	ssyncadd.s32 $0xFFFFFF80  }
0x45: {  	[tilespmem:s22], [sflag:$0x2] =	stream.linear.gather [hbm4b:s13+s3], $0x80, $0x38;
	[tilespmem:$0xC500] =	vst v63  }
0x46: {  	_ =	swait.ge [sflag:s21], $0x80  }
0x47: {  	[sflag:s21] =	ssyncset.done $0x0  }
0x48: {  	[sflag:s21] =	ssyncadd.s32 $0xFFFFFF80  }
0x49: {  	[tilespmem:s20], [sflag:$0x1] =	stream.indirect.gather [hbm4b:s4+s22], $0x80, s3, s22, $0xb8;
	[tilespmem:$0xC500] =	vst v63  }
0x4a: {  	_ =	swait.ge [sflag:s23], $0x4000  }
0x4b: {  	[sflag:s23] =	ssyncset.done $0x0  }
0x4c: {  	[sflag:s23] =	ssyncadd.s32 $0xFFFFC000  }
0x4d: {  	[spmem:s2] =	stream.indirect.scatter.add.f32 [tilespmem:s20], [sflag:$0x2], $0x80, s22, s22, $0xb8;
	[tilespmem:$0xC500] =	vst v63  }
0x4e: {  	_ =	swait.ge [sflag:s21], $0x4000  }
0x4f: {  	[sflag:s21] =	ssyncset.done $0x0  }
0x50: {  	[sflag:s21] =	ssyncadd.s32 $0xFFFFC000  }
0x51: {  	[tilespmem:s3], [sflag:$0x2] =	stream.linear.gather [hbm4b:s14+s3], $0x80, $0x38;
	[tilespmem:$0xC500] =	vst v63  }
0x52: {  	_ =	swait.ge [sflag:s21], $0x80  }
0x53: {  	[sflag:s21] =	ssyncset.done $0x0  }
0x54: {  	[sflag:s21] =	ssyncadd.s32 $0xFFFFFF80  }
0x55: {  	[tilespmem:s22], [sflag:$0x2] =	stream.linear.gather [hbm4b:s15+s3], $0x80, $0x38;
	[tilespmem:$0xC500] =	vst v63  }
0x56: {  	_ =	swait.ge [sflag:s21], $0x80  }
0x57: {  	[sflag:s21] =	ssyncset.done $0x0  }
0x58: {  	[sflag:s21] =	ssyncadd.s32 $0xFFFFFF80  }
0x59: {  	[tilespmem:s20], [sflag:$0x1] =	stream.indirect.gather [hbm4b:s4+s22], $0x80, s3, s22, $0xb8;
	[tilespmem:$0xC500] =	vst v63  }
0x5a: {  	_ =	swait.ge [sflag:s23], $0x4000  }
0x5b: {  	[sflag:s23] =	ssyncset.done $0x0  }
0x5c: {  	[sflag:s23] =	ssyncadd.s32 $0xFFFFC000  }
0x5d: {  	[spmem:s2] =	stream.indirect.scatter.add.f32 [tilespmem:s20], [sflag:$0x2], $0x80, s22, s22, $0xb8;
	[tilespmem:$0xC500] =	vst v63  }
0x5e: {  	_ =	swait.ge [sflag:s21], $0x4000  }
0x5f: {  	[sflag:s21] =	ssyncset.done $0x0  }
0x60: {  	[sflag:s21] =	ssyncadd.s32 $0xFFFFC000  }
0x61: {  	[tilespmem:s3], [sflag:$0x2] =	stream.linear.gather [hbm4b:s16+s3], $0x80, $0x38;
	[tilespmem:$0xC500] =	vst v63  }
0x62: {  	_ =	swait.ge [sflag:s21], $0x80  }
0x63: {  	[sflag:s21] =	ssyncset.done $0x0  }
0x64: {  	[sflag:s21] =	ssyncadd.s32 $0xFFFFFF80  }
0x65: {  	[tilespmem:s22], [sflag:$0x2] =	stream.linear.gather [hbm4b:s17+s3], $0x80, $0x38;
	[tilespmem:$0xC500] =	vst v63  }
0x66: {  	_ =	swait.ge [sflag:s21], $0x80  }
0x67: {  	[sflag:s21] =	ssyncset.done $0x0  }
0x68: {  	[sflag:s21] =	ssyncadd.s32 $0xFFFFFF80  }
0x69: {  	[tilespmem:s20], [sflag:$0x1] =	stream.indirect.gather [hbm4b:s4+s22], $0x80, s3, s22, $0xb8;
	[tilespmem:$0xC500] =	vst v63  }
0x6a: {  	_ =	swait.ge [sflag:s23], $0x4000  }
0x6b: {  	[sflag:s23] =	ssyncset.done $0x0  }
0x6c: {  	[sflag:s23] =	ssyncadd.s32 $0xFFFFC000  }
0x6d: {  	[spmem:s2] =	stream.indirect.scatter.add.f32 [tilespmem:s20], [sflag:$0x2], $0x80, s22, s22, $0xb8;
	[tilespmem:$0xC500] =	vst v63  }
0x6e: {  	_ =	swait.ge [sflag:s21], $0x4000  }
0x6f: {  	[sflag:s21] =	ssyncset.done $0x0  }
0x70: {  	[sflag:s21] =	ssyncadd.s32 $0xFFFFC000  }
0x71: {  	[tilespmem:s3], [sflag:$0x2] =	stream.linear.gather [hbm4b:s18+s3], $0x80, $0x38;
	[tilespmem:$0xC500] =	vst v63  }
0x72: {  	_ =	swait.ge [sflag:s21], $0x80  }
0x73: {  	[sflag:s21] =	ssyncset.done $0x0  }
0x74: {  	[sflag:s21] =	ssyncadd.s32 $0xFFFFFF80  }
0x75: {  	[tilespmem:s22], [sflag:$0x2] =	stream.linear.gather [hbm4b:s19+s3], $0x80, $0x38;
	[tilespmem:$0xC500] =	vst v63  }
0x76: {  	_ =	swait.ge [sflag:s21], $0x80  }
0x77: {  	[sflag:s21] =	ssyncset.done $0x0  }
0x78: {  	[sflag:s21] =	ssyncadd.s32 $0xFFFFFF80  }
0x79: {  	[tilespmem:s20], [sflag:$0x1] =	stream.indirect.gather [hbm4b:s4+s22], $0x80, s3, s22, $0xb8;
	[tilespmem:$0xC500] =	vst v63  }
0x7a: {  	_ =	swait.ge [sflag:s23], $0x4000  }
0x7b: {  	[sflag:s23] =	ssyncset.done $0x0  }
0x7c: {  	[sflag:s23] =	ssyncadd.s32 $0xFFFFC000  }
0x7d: {  	[spmem:s2] =	stream.indirect.scatter.add.f32 [tilespmem:s20], [sflag:$0x2], $0x80, s22, s22, $0xb8;
	[tilespmem:$0xC500] =	vst v63  }
0x7e: {  	_ =	swait.ge [sflag:s21], $0x4000  }
0x7f: {  	s31 =	sshll.u32 s1, $0x6;
	s24 =	sadd.s32 $0x1, s24;
	[sflag:s21] =	ssyncset.done $0x0  }
0x80: {  	s26 =	sshrl.u32 s5, $0x3;
	p0 =	sne.s32 s24, s10;
	[sflag:s21] =	ssyncadd.s32 $0xFFFFC000  }
.Ltmp1:
0x81: {  	s25 =	sor.u32 $0x1C02, s31;
	[bflag:$0x0] =	sbarrier.arrive $0xFFFF;
	(pc) =	sbr.rel @p0 .LBB2_1-.Ltmp1, $4  }
0x82: {  	[hbm:s8], [sflag:s25] =	dma.local [spmem:s26], $0x1080  }
0x83: {  	_ =	swait.ge [sflag:s21], $0x1080  }
0x84: {  	[sflag:s21] =	ssyncset.done $0x0  }
0x85: {  	[sflag:s21] =	ssyncadd.s32 $0xFFFFEF80  }
0x86: {  	_ =	sfence.sel $0x180000  }
0x87: {  	[bflag:$0x0] =	sbarrier.arrive $0xFFFF  }
0x88: {  	p0 =	sne.s32 s1, $0x0;
	_ =	strace $0x90000056  }
0x89: {  	s0 =	sadd.s32 @!p0 $0x100000, s0;
	[bflag:$0x2] =	sbarrier.arrive $0xFFFF  }
0x8a: {  	[sflag:s0] =	ssyncadd.tile.s32 @!p0 $0x1;
	_ =	shalt  }
.Lfunc_end2:
_tile_overlayer_lowered:
.L_overlay_start_2:
0x8b: {  	(tag) =	ssettag $0x2  }
0x8c: {  	s0 =	rddreg [dreg:$0x0];
	s2 =	stileid.u32  }
0x8d: {  	s1 =	rddreg [dreg:$0x1];
	p0 =	sne.s32 s2, $0x0  }
0x8e: {  	s3 =	rddreg [dreg:$0x2];
	[bflag:$0x3] =	sbarrier.arrive $0xFFFF;
	s2 =	simm.s32 @!p0 $0x1C02  }
0x8f: {  	[timem:s3], [sflag:s2] =	dma.local @!p0 [hbm:s0], s1  }
0x90: {  	s0 =	simm.s32 @!p0 $0x2  }
0x91: {  	_ =	swait.ge @!p0 [sflag:s0], s1  }
0x92: {  	s1 =	ssub.s32 @!p0 $0x0, s1;
	[sflag:s0] =	ssyncset.done @!p0 $0x0  }
0x93: {  	[sflag:s0] =	ssyncadd.s32 @!p0 s1  }
0x94: {  	[bflag:$0x3] =	sbarrier.arrive $0xFFFF  }
0x95: {  	_ =	shalt  }

</sc_bundles>
